<compile_context>
chip_gen: v7x
topology: tpu7x:2x2x1
jax: 0.10.2.dev20260603
libtpu: 0.0.44.dev20260713+nightly
codegen_flags: <defaults>
</compile_context>

<pallas_src>
import jax
import jax.numpy as jnp
from jax import lax
from jax.experimental import pallas as pl
from jax.experimental.pallas import tpu as pltpu
from jax.experimental.pallas import tpu_sc as plsc

N = 10000
D = 128
H = 64
HH = H // 2
NCLS = 10
NG = 64
E = 320000

NPAD = 10112
N2 = 2 * NPAD
NW = 16
EW = 20736
EPAD = NW * EW
SLAB = 2592
NSLAB = EW // SLAB
CH = 128
TOP = EW + CH
TOPC = TOP // CH
BUF = TOP + 16
RPT = NPAD // 16
CPT = N2 // 16
F32 = jnp.float32



def _attn_tables(h, asrc_c, adst_c, gt_ref, scal_ref):
    a_s = h @ asrc_c
    a_d = h @ adst_c
    ms = jnp.max(a_s)
    t_ub = ms + jnp.max(a_d)
    m = jnp.where(t_ub > 0.0, t_ub, 0.2 * t_ub)
    u = jnp.exp(a_s - ms)
    u2 = jnp.exp(0.2 * (a_s - ms))
    v = jnp.exp(a_d - (m - ms))
    v2 = jnp.exp(0.2 * a_d - (m - 0.2 * ms))
    gt_ref[...] = jnp.zeros((2, NPAD, H), F32)
    gt_ref[0, 0:N, :] = h * u
    gt_ref[1, 0:N, :] = h * u2
    scal_ref[...] = jnp.zeros((NPAD + 16, 8), F32)
    scal_ref[0:N, 0:1] = a_s
    scal_ref[0:N, 1:2] = a_d
    scal_ref[0:N, 2:3] = v
    scal_ref[0:N, 3:4] = v2
    scal_ref[NPAD:NPAD + 16, 0:1] = jnp.full((16, 1), ms, F32)


def _prep_body(x_ref, w_ref, asrc_ref, adst_ref, gt_ref, scal_ref):
    h = x_ref[...] @ w_ref[...]
    _attn_tables(h, asrc_ref[...], adst_ref[...], gt_ref, scal_ref)


def _gat_out(p_ref, c_ref, scal_ref, b_ref):
    p1 = p_ref[0:N, 0:H]
    p2 = p_ref[0:N, H:2 * H]
    v = scal_ref[0:N, 2:3]
    v2 = scal_ref[0:N, 3:4]
    num = v * p1 + v2 * p2
    den = v * c_ref[0:N, 0:1] + v2 * c_ref[0:N, 1:2]
    return jnp.maximum(num / den + b_ref[...], 0.0)


def _mid_body(p_ref, c_ref, scal_in_ref, b_ref, w_ref, asrc_ref, adst_ref,
              gt_ref, scal_ref):
    x2 = _gat_out(p_ref, c_ref, scal_in_ref, b_ref)
    h = x2 @ w_ref[...]
    _attn_tables(h, asrc_ref[...], adst_ref[...], gt_ref, scal_ref)


def _final_body(p_ref, c_ref, scal_ref, b_ref, batch_ref, wl_ref, bl_ref,
                o_ref):
    x3 = _gat_out(p_ref, c_ref, scal_ref, b_ref)
    onehot = (batch_ref[...] ==
              lax.broadcasted_iota(jnp.int32, (N, NG), 1)).astype(F32)
    s = lax.dot_general(onehot, x3, (((0,), (0,)), ((), ())))
    cnt = lax.dot_general(onehot, jnp.ones((N, 1), F32),
                          (((0,), (0,)), ((), ())))
    pooled = s / jnp.maximum(cnt, 1.0)
    o_ref[...] = pooled @ wl_ref[...] + bl_ref[...]


_sds = jax.ShapeDtypeStruct
_TAB_OUT = [_sds((2, NPAD, H), F32), _sds((NPAD + 16, 8), F32)]

_prep_call = pl.pallas_call(_prep_body, out_shape=_TAB_OUT)
_mid_call = pl.pallas_call(_mid_body, out_shape=_TAB_OUT)
_final_call = pl.pallas_call(_final_body, out_shape=_sds((NG, NCLS), F32))



def _edge_body(src_hbm, dst_hbm, as_hbm, ad_hbm, zp_hbm, gt_hbm,
               p_out, c_out,
               src_v, dst_v, as_v, ad_v, c2d_v, pg_v, sg_v, rows_v, idn_v,
               acc_sp, gs0, gs1, ss0, ss1):
    sid = lax.axis_index("s")
    pltpu.sync_copy(as_hbm, as_v)
    pltpu.sync_copy(ad_hbm, ad_v)

    rbase = sid * RPT
    cbase = sid * CPT
    pltpu.sync_copy(zp_hbm, acc_sp.at[pl.ds(rbase, RPT)])

    zeros16 = jnp.zeros((16,), F32)

    def zc(i, carry):
        c2d_v[i // 2, pl.ds((i % 2) * 16, 16)] = zeros16
        return carry

    lax.fori_loop(0, 1280, zc, 0)

    plsc.subcore_barrier()

    msv = as_v[pl.ds(NPAD, 16)]
    zero_i = jnp.zeros((16,), jnp.int32)
    npad_i = jnp.full((16,), NPAD, jnp.int32)
    one_f = jnp.full((16,), 1.0, F32)
    fifth_f = jnp.full((16,), 0.2, F32)
    ebase = sid * EW

    def slab_body(sl, cpcn):
        pltpu.sync_copy(src_hbm.at[pl.ds(ebase + sl * SLAB, SLAB)], src_v)
        pltpu.sync_copy(dst_hbm.at[pl.ds(ebase + sl * SLAB, SLAB)], dst_v)

        def egroup(g, cpcn):
            cp, cn = cpcn
            s = src_v[pl.ds(g * 16, 16)]
            d = dst_v[pl.ds(g * 16, 16)]
            a1 = plsc.load_gather(as_v, [s])
            a2 = plsc.load_gather(ad_v, [d])
            pos = (a1 + a2) > 0.0
            off = jnp.where(pos, zero_i, npad_i)
            w = jnp.where(pos, one_f, fifth_f)
            val = jnp.exp(w * (a1 - msv))
            ci = d + off
            plsc.addupdate_scatter(
                c2d_v, [lax.shift_right_logical(ci, 5),
                        lax.bitwise_and(ci, jnp.full((16,), 31, jnp.int32))],
                val)
            gi = s + off
            pc = plsc.all_reduce_population_count(pos)
            kp = lax.squeeze(lax.slice(pc, (0,), (1,)), (0,))
            kn = 16 - kp
            plsc.store_compressed(pg_v.at[pl.ds(cp, 16)], gi, mask=pos)
            plsc.store_compressed(sg_v.at[pl.ds(cp, 16)], d, mask=pos)
            neg = jnp.logical_not(pos)
            plsc.store_compressed(pg_v.at[pl.ds(cn - kn, 16)], gi, mask=neg)
            plsc.store_compressed(sg_v.at[pl.ds(cn - kn, 16)], d, mask=neg)
            return (cp + kp, cn - kn)

        return lax.fori_loop(0, SLAB // 16, egroup, cpcn)

    cp, cn = lax.fori_loop(0, NSLAB, slab_body, (0, TOP))

    dummy_p = jnp.full((16,), N, jnp.int32)
    dummy_n = jnp.full((16,), NPAD + N, jnp.int32)

    def padp(i, carry):
        pg_v[pl.ds(cp + i * 16, 16)] = dummy_p
        sg_v[pl.ds(cp + i * 16, 16)] = dummy_p
        return carry

    def padn(i, carry):
        pg_v[pl.ds(cn - CH + i * 16, 16)] = dummy_n
        sg_v[pl.ds(cn - CH + i * 16, 16)] = dummy_p
        return carry

    lax.fori_loop(0, CH // 16, padp, 0)
    lax.fori_loop(0, CH // 16, padn, 0)

    sixteen = jnp.full((16,), 16, jnp.int32)

    def bld(k, vec):
        idn_v[pl.ds(k * 16, 16)] = vec
        return vec + sixteen

    lax.fori_loop(0, 40, bld, lax.iota(jnp.int32, 16))

    npc = (cp + CH - 1) // CH
    nfs = cn // CH

    def sweep_body(s, carry):
        lo = jnp.where(s < 2, 0, nfs)
        hi = jnp.where(s < 2, npc, TOPC)
        tab = gt_hbm.at[s % 2]

        def start_g(j, buf, gsem):
            pltpu.async_copy(tab.at[pg_v.at[pl.ds(j * CH, CH)]], buf, gsem)

        def wait_g(buf, gsem):
            pltpu.make_async_copy(tab.at[pg_v.at[pl.ds(0, CH)]], buf,
                                  gsem).wait()

        def start_s(j, buf, ssem):
            pltpu.async_copy(buf, acc_sp.at[sg_v.at[pl.ds(j * CH, CH)]],
                             ssem, add=True)

        def wait_s(buf, ssem):
            pltpu.make_async_copy(buf, acc_sp.at[sg_v.at[pl.ds(0, CH)]],
                                  ssem).wait()

        n = hi - lo

        @pl.when(n > 0)
        def _():
            start_g(lo, rows_v.at[0], gs0)

        @pl.when(n > 1)
        def _():
            start_g(lo + 1, rows_v.at[1], gs1)

        def body(k, carry2):
            j0 = lo + 2 * k
            j1 = j0 + 1

            wait_g(rows_v.at[0], gs0)
            start_s(j0, rows_v.at[0], ss0)

            @pl.when(j1 < hi)
            def _():
                wait_g(rows_v.at[1], gs1)
                start_s(j1, rows_v.at[1], ss1)

            @pl.when(j0 + 2 < hi)
            def _():
                wait_s(rows_v.at[0], ss0)
                start_g(j0 + 2, rows_v.at[0], gs0)

            @pl.when(j1 + 2 < hi)
            def _():
                wait_s(rows_v.at[1], ss1)
                start_g(j1 + 2, rows_v.at[1], gs1)

            return carry2

        lax.fori_loop(0, (hi - lo + 1) // 2, body, 0)

        @pl.when(n >= 2)
        def _():
            wait_s(rows_v.at[0], ss0)
            wait_s(rows_v.at[1], ss1)

        @pl.when(n == 1)
        def _():
            wait_s(rows_v.at[0], ss0)

        plsc.subcore_barrier()
        pltpu.sync_copy(acc_sp.at[pl.ds(rbase, RPT)],
                        p_out.at[s, pl.ds(rbase, RPT)])
        pltpu.sync_copy(zp_hbm, acc_sp.at[pl.ds(rbase, RPT)])
        plsc.subcore_barrier()
        return carry

    lax.fori_loop(0, 4, sweep_body, 0)

    def cchunk(j, carry):
        pltpu.sync_copy(c2d_v.at[pl.ds(j * 128, 128)],
                        acc_sp.at[idn_v.at[pl.ds(j * 128, 128)]], add=True)
        return carry

    lax.fori_loop(0, 5, cchunk, 0)
    plsc.subcore_barrier()

    @pl.when(sid < 8)
    def _():
        pltpu.sync_copy(acc_sp.at[pl.ds(sid * 79, 79)],
                        c_out.at[pl.ds(sid * 79, 79)])


_edge_call = pl.kernel(
    _edge_body,
    out_type=[_sds((4, NPAD, HH), F32), _sds((632, 32), F32)],
    mesh=plsc.VectorSubcoreMesh(core_axis_name="c", subcore_axis_name="s",
                                num_cores=1),
    compiler_params=pltpu.CompilerParams(needs_layout_passes=False,
                                         use_tc_tiling_on_sc=False),
    scratch_types=[
        pltpu.VMEM((SLAB,), jnp.int32),
        pltpu.VMEM((SLAB,), jnp.int32),
        pltpu.VMEM((NPAD + 16,), F32),
        pltpu.VMEM((NPAD,), F32),
        pltpu.VMEM((640, 32), F32),
        pltpu.VMEM((BUF,), jnp.int32),
        pltpu.VMEM((BUF,), jnp.int32),
        pltpu.VMEM((2, CH, HH), F32),
        pltpu.VMEM((640,), jnp.int32),
        pltpu.VMEM_SHARED((NPAD, HH), F32),
        pltpu.SemaphoreType.DMA,
        pltpu.SemaphoreType.DMA,
        pltpu.SemaphoreType.DMA,
        pltpu.SemaphoreType.DMA,
    ],
)



@jax.jit
def kernel(x, edge_index, batch, W1, a_src1, a_dst1, b1,
           W2, a_src2, a_dst2, b2, Wl, bl):
    loop = jnp.arange(N, dtype=jnp.int32)
    padv = jnp.full((EPAD - E - N,), N, jnp.int32)
    src = jnp.concatenate([edge_index[0].astype(jnp.int32), loop, padv])
    dst = jnp.concatenate([edge_index[1].astype(jnp.int32), loop, padv])
    zp = jnp.zeros((RPT, HH), F32)

    def edge_phase(gt, scal):
        glo = gt[:, :, 0:HH].reshape(N2, HH)
        ghi = gt[:, :, HH:H].reshape(N2, HH)
        gt_all = jnp.stack([glo, ghi])
        as_flat = scal[:, 0]
        ad_flat = scal[0:NPAD, 1]
        p4, c_ = _edge_call(src, dst, as_flat, ad_flat, zp, gt_all)
        c_ = c_.reshape(N2)
        p = jnp.concatenate([p4[0], p4[1], p4[2], p4[3]], axis=1)
        c2 = jnp.stack([c_[0:NPAD], c_[NPAD:N2]], axis=1)
        return p, c2

    gt1, scal1 = _prep_call(x, W1, a_src1.reshape(H, 1), a_dst1.reshape(H, 1))
    p1, c1 = edge_phase(gt1, scal1)
    gt2, scal2 = _mid_call(p1, c1, scal1, b1, W2, a_src2.reshape(H, 1),
                           a_dst2.reshape(H, 1))
    p2, c2 = edge_phase(gt2, scal2)
    return _final_call(p2, c2, scal2, b2,
                       batch.reshape(N, 1).astype(jnp.int32), Wl, bl)

# --- scband reference (transcript-rebuilt; emitter-appended) ---
"""Pipeline reference for scband-gat-73710228734580 (READ-ONLY COPY).

The authoritative reference and input builder live on the scoring server;
editing this copy changes nothing except your own understanding.
"""

import jax, jax.numpy as jnp
import numpy as np

N = 10000
E = 320000
D = 128
H0 = 64
H1 = 64
C = 10
G = 64


def setup_inputs(seed: int = 0) -> dict:
    key = jax.random.key(seed)
    ks = jax.random.split(key, 16)
    x = jax.random.normal(ks[0], (N, D), dtype=jnp.float32)
    edge_index = jax.random.randint(ks[1], (2, E), 0, N, dtype=jnp.int32)
    batch = jnp.sort(jax.random.randint(ks[2], (N,), 0, G, dtype=jnp.int32))
    W1 = jax.random.normal(ks[3], (D, H0), dtype=jnp.float32) * (1.0 / np.sqrt(D))
    a_src1 = jax.random.normal(ks[4], (H0,), dtype=jnp.float32) * 0.1
    a_dst1 = jax.random.normal(ks[5], (H0,), dtype=jnp.float32) * 0.1
    b1 = jnp.zeros((H0,), dtype=jnp.float32)
    W2 = jax.random.normal(ks[6], (H0, H1), dtype=jnp.float32) * (1.0 / np.sqrt(H0))
    a_src2 = jax.random.normal(ks[7], (H1,), dtype=jnp.float32) * 0.1
    a_dst2 = jax.random.normal(ks[8], (H1,), dtype=jnp.float32) * 0.1
    b2 = jnp.zeros((H1,), dtype=jnp.float32)
    Wl = jax.random.normal(ks[9], (H1, C), dtype=jnp.float32) * (1.0 / np.sqrt(H1))
    bl = jnp.zeros((C,), dtype=jnp.float32)
    return {"x": x, "edge_index": edge_index, "batch": batch,
            "W1": W1, "a_src1": a_src1, "a_dst1": a_dst1, "b1": b1,
            "W2": W2, "a_src2": a_src2, "a_dst2": a_dst2, "b2": b2,
            "Wl": Wl, "bl": bl}


def gat_conv(x, src, dst, W, a_src, a_dst, b, n_nodes):
    # PyG GATConv (heads=1, add_self_loops=True, negative_slope=0.2)
    h = x @ W
    alpha_src = h @ a_src
    alpha_dst = h @ a_dst
    e = alpha_src[src] + alpha_dst[dst]
    e = jax.nn.leaky_relu(e, 0.2)
    e_max = jax.ops.segment_max(e, dst, num_segments=n_nodes)
    e_max = jnp.where(jnp.isfinite(e_max), e_max, 0.0)
    e = jnp.exp(e - e_max[dst])
    denom = jax.ops.segment_sum(e, dst, num_segments=n_nodes)
    alpha = e / (denom[dst] + 1e-16)
    msg = h[src] * alpha[:, None]
    out = jax.ops.segment_sum(msg, dst, num_segments=n_nodes)
    return out + b


def reference(x, edge_index, batch, W1, a_src1, a_dst1, b1, W2, a_src2, a_dst2, b2, Wl, bl):
    # add self loops (PyG default)
    loop = jnp.arange(N, dtype=edge_index.dtype)
    src = jnp.concatenate([edge_index[0], loop])
    dst = jnp.concatenate([edge_index[1], loop])
    h = jax.nn.relu(gat_conv(x, src, dst, W1, a_src1, a_dst1, b1, N))
    h = jax.nn.relu(gat_conv(h, src, dst, W2, a_src2, a_dst2, b2, N))
    s = jax.ops.segment_sum(h, batch, num_segments=G)
    cnt = jax.ops.segment_sum(jnp.ones((N,), h.dtype), batch, num_segments=G)
    pooled = s / jnp.clip(cnt, 1.0)[:, None]
    return pooled @ Wl + bl

if __name__ == "__main__":
    import jax
    _d = setup_inputs()
    print(jax.jit(kernel)(*tuple(_d.values())))

</pallas_src>

<mosaic_0001>
#map = affine_map<(d0, d1) -> (0)>
#map1 = affine_map<(d0, d1) -> (0, 0)>
#map2 = affine_map<(d0, d1) -> (0, 0, 0)>
module attributes {stable_mosaic.version = 14 : i64} {
  func.func @_edge_body(%arg0: i32, %arg1: i32, %arg2: memref<331776xi32, #tpu.memory_space<hbm>>, %arg3: memref<331776xi32, #tpu.memory_space<hbm>>, %arg4: memref<10128xf32, #tpu.memory_space<hbm>>, %arg5: memref<10112xf32, #tpu.memory_space<hbm>>, %arg6: memref<632x32xf32, #tpu.memory_space<hbm>>, %arg7: memref<2x20224x32xf32, #tpu.memory_space<hbm>>, %arg8: memref<4x10112x32xf32, #tpu.memory_space<hbm>>, %arg9: memref<632x32xf32, #tpu.memory_space<hbm>>, %arg10: memref<2592xi32, #tpu.memory_space<vmem>>, %arg11: memref<2592xi32, #tpu.memory_space<vmem>>, %arg12: memref<10128xf32, #tpu.memory_space<vmem>>, %arg13: memref<10112xf32, #tpu.memory_space<vmem>>, %arg14: memref<640x32xf32, #tpu.memory_space<vmem>>, %arg15: memref<20880xi32, #tpu.memory_space<vmem>>, %arg16: memref<20880xi32, #tpu.memory_space<vmem>>, %arg17: memref<2x128x32xf32, #tpu.memory_space<vmem>>, %arg18: memref<640xi32, #tpu.memory_space<vmem>>, %arg19: memref<10112x32xf32, #tpu.memory_space<vmem_shared>>, %arg20: memref<!tpu.dma_semaphore, #tpu.memory_space<semaphore_mem>>, %arg21: memref<!tpu.dma_semaphore, #tpu.memory_space<semaphore_mem>>, %arg22: memref<!tpu.dma_semaphore, #tpu.memory_space<semaphore_mem>>, %arg23: memref<!tpu.dma_semaphore, #tpu.memory_space<semaphore_mem>>) attributes {dimension_semantics = [#tpu.dimension_semantics<core_parallel>, #tpu.dimension_semantics<subcore_parallel>], iteration_bounds = array<i64: 1, 16>, scalar_prefetch = 0 : i64, scratch_operands = 14 : i64, tpu.core_type = #tpu.core_type<sc_vector_subcore>, window_params = [{transform_indices = #map}, {transform_indices = #map}, {transform_indices = #map}, {transform_indices = #map}, {transform_indices = #map1}, {transform_indices = #map2}, {transform_indices = #map2}, {transform_indices = #map1}]} {
    "tpu.region"() ({
      %run_scoped3A = tpu.sem_alloc : memref<!tpu.dma_semaphore, #tpu.memory_space<semaphore_mem>>
      tpu.enqueue_dma source(%arg4 : memref<10128xf32, #tpu.memory_space<hbm>>) target(%arg12 : memref<10128xf32, #tpu.memory_space<vmem>>) target_semaphore(%run_scoped3A : memref<!tpu.dma_semaphore, #tpu.memory_space<semaphore_mem>>)
      tpu.wait_dma2 semaphore(%run_scoped3A : memref<!tpu.dma_semaphore, #tpu.memory_space<semaphore_mem>>) src(%arg4 : memref<10128xf32, #tpu.memory_space<hbm>>) dst(%arg12 : memref<10128xf32, #tpu.memory_space<vmem>>)
      tpu.yield
    }) : () -> ()
    "tpu.region"() ({
      %run_scoped3A = tpu.sem_alloc : memref<!tpu.dma_semaphore, #tpu.memory_space<semaphore_mem>>
      tpu.enqueue_dma source(%arg5 : memref<10112xf32, #tpu.memory_space<hbm>>) target(%arg13 : memref<10112xf32, #tpu.memory_space<vmem>>) target_semaphore(%run_scoped3A : memref<!tpu.dma_semaphore, #tpu.memory_space<semaphore_mem>>)
      tpu.wait_dma2 semaphore(%run_scoped3A : memref<!tpu.dma_semaphore, #tpu.memory_space<semaphore_mem>>) src(%arg5 : memref<10112xf32, #tpu.memory_space<hbm>>) dst(%arg13 : memref<10112xf32, #tpu.memory_space<vmem>>)
      tpu.yield
    }) : () -> ()
    %mul3A = arith.constant 632 : i32
    %mul3A_0 = arith.muli %arg1, %mul3A : i32
    %mul3A_1 = arith.constant 1264 : i32
    %mul3A_2 = arith.muli %arg1, %mul3A_1 : i32
    "tpu.region"() ({
      %run_scoped3A = tpu.sem_alloc : memref<!tpu.dma_semaphore, #tpu.memory_space<semaphore_mem>>
      %dma_start3A = arith.constant 0 : i32
      %dma_start3A_110 = tpu.memref_slice %arg19[%mul3A_0, %dma_start3A] : memref<10112x32xf32, #tpu.memory_space<vmem_shared>> -> memref<632x32xf32, #tpu.memory_space<vmem_shared>>
      tpu.enqueue_dma source(%arg6 : memref<632x32xf32, #tpu.memory_space<hbm>>) target(%dma_start3A_110 : memref<632x32xf32, #tpu.memory_space<vmem_shared>>) target_semaphore(%run_scoped3A : memref<!tpu.dma_semaphore, #tpu.memory_space<semaphore_mem>>)
      %dma_wait3A = arith.constant 0 : i32
      %dma_wait3A_111 = tpu.memref_slice %arg19[%mul3A_0, %dma_wait3A] : memref<10112x32xf32, #tpu.memory_space<vmem_shared>> -> memref<632x32xf32, #tpu.memory_space<vmem_shared>>
      tpu.wait_dma2 semaphore(%run_scoped3A : memref<!tpu.dma_semaphore, #tpu.memory_space<semaphore_mem>>) src(%arg6 : memref<632x32xf32, #tpu.memory_space<hbm>>) dst(%dma_wait3A_111 : memref<632x32xf32, #tpu.memory_space<vmem_shared>>)
      tpu.yield
    }) : () -> ()
    %broadcast_in_dim3A = arith.constant 0.000000e+00 : f32
    %broadcast_in_dim3A_3 = vector.broadcast %broadcast_in_dim3A : f32 to vector<16xf32>
    %scan3A = arith.constant 0 : i32
    %scan3A_4 = arith.constant 0 : i32
    %scan3A_5 = arith.constant 1280 : i32
    %scan3A_6 = arith.addi %scan3A_4, %scan3A_5 : i32
    %scan3A_7 = arith.constant 1 : i32
    scf.for %scan3A_110 = %scan3A_4 to %scan3A_6 step %scan3A_7  : i32 {
      %jit3A_111 = arith.constant 2 : i32
      %div3A_112 = arith.divsi %scan3A_110, %jit3A_111 : i32
      %sign3A_113 = arith.constant 0 : i32
      %sign3A_114 = arith.cmpi sgt, %scan3A_110, %sign3A_113 : i32
      %sign3A_115 = arith.extui %sign3A_114 : i1 to i32
      %sign3A_116 = arith.constant 0 : i32
      %sign3A_117 = arith.cmpi slt, %scan3A_110, %sign3A_116 : i32
      %sign3A_118 = arith.extui %sign3A_117 : i1 to i32
      %sign3A_119 = arith.subi %sign3A_115, %sign3A_118 : i32
      %sign3A_120 = arith.constant 0 : i32
      %sign3A_121 = arith.cmpi sgt, %jit3A_111, %sign3A_120 : i32
      %sign3A_122 = arith.extui %sign3A_121 : i1 to i32
      %sign3A_123 = arith.constant 0 : i32
      %sign3A_124 = arith.cmpi slt, %jit3A_111, %sign3A_123 : i32
      %sign3A_125 = arith.extui %sign3A_124 : i1 to i32
      %sign3A_126 = arith.subi %sign3A_122, %sign3A_125 : i32
      %ne3A_127 = arith.cmpi ne, %sign3A_119, %sign3A_126 : i32
      %rem3A_128 = arith.remsi %scan3A_110, %jit3A_111 : i32
      %ne3A_129 = arith.constant 0 : i32
      %ne3A_130 = arith.cmpi ne, %rem3A_128, %ne3A_129 : i32
      %and3A_131 = arith.andi %ne3A_127, %ne3A_130 : i1
      %sub3A_132 = arith.constant 1 : i32
      %sub3A_133 = arith.subi %div3A_112, %sub3A_132 : i32
      %select_n3A_134 = arith.select %and3A_131, %sub3A_133, %div3A_112 : i32
      %jit3A_135 = arith.constant 2 : i32
      %eq3A = arith.constant 0 : i32
      %eq3A_136 = arith.cmpi eq, %jit3A_135, %eq3A : i32
      %jit3A_137 = arith.constant 1 : i32
      %select_n3A_138 = arith.select %eq3A_136, %jit3A_137, %jit3A_135 : i32
      %rem3A_139 = arith.remsi %scan3A_110, %select_n3A_138 : i32
      %ne3A_140 = arith.constant 0 : i32
      %ne3A_141 = arith.cmpi ne, %rem3A_139, %ne3A_140 : i32
      %lt3A_142 = arith.constant 0 : i32
      %lt3A_143 = arith.cmpi slt, %rem3A_139, %lt3A_142 : i32
      %lt3A_144 = arith.constant 0 : i32
      %lt3A_145 = arith.cmpi slt, %select_n3A_138, %lt3A_144 : i32
      %ne3A_146 = arith.xori %lt3A_143, %lt3A_145 : i1
      %and3A_147 = arith.andi %ne3A_146, %ne3A_141 : i1
      %add3A_148 = arith.addi %rem3A_139, %select_n3A_138 : i32
      %select_n3A_149 = arith.select %and3A_147, %add3A_148, %rem3A_139 : i32
      %mul3A_150 = arith.constant 16 : i32
      %mul3A_151 = arith.muli %select_n3A_149, %mul3A_150 : i32
      %swap3A = arith.index_cast %select_n3A_134 : i32 to index
      %swap3A_152 = arith.index_cast %mul3A_151 : i32 to index
      %swap3A_153 = tpu.vector_load %arg14[%swap3A, %swap3A_152] {strides = array<i32>} : memref<640x32xf32, #tpu.memory_space<vmem>>, vector<16xf32>,
      tpu.vector_store %arg14[%swap3A, %swap3A_152], %broadcast_in_dim3A_3 {strides = array<i32>} : memref<640x32xf32, #tpu.memory_space<vmem>>, vector<16xf32>,
    }
    %scan3A_8 = arith.constant 1280 : i32
    %barrier3A = arith.constant 0 : index
    tpu.barrier barrier_id(%barrier3A)
    %get3A = arith.constant 10112 : index
    %get3A_9 = tpu.vector_load %arg12[%get3A] {strides = array<i32>} : memref<10128xf32, #tpu.memory_space<vmem>>, vector<16xf32>,
    %broadcast_in_dim3A_10 = arith.constant 0 : i32
    %broadcast_in_dim3A_11 = vector.broadcast %broadcast_in_dim3A_10 : i32 to vector<16xi32>
    %broadcast_in_dim3A_12 = arith.constant 10112 : i32
    %broadcast_in_dim3A_13 = vector.broadcast %broadcast_in_dim3A_12 : i32 to vector<16xi32>
    %broadcast_in_dim3A_14 = arith.constant 1.000000e+00 : f32
    %broadcast_in_dim3A_15 = vector.broadcast %broadcast_in_dim3A_14 : f32 to vector<16xf32>
    %broadcast_in_dim3A_16 = arith.constant 2.000000e-01 : f32
    %broadcast_in_dim3A_17 = vector.broadcast %broadcast_in_dim3A_16 : f32 to vector<16xf32>
    %mul3A_18 = arith.constant 20736 : i32
    %mul3A_19 = arith.muli %arg1, %mul3A_18 : i32
    %scan3A_20 = arith.constant 0 : i32
    %scan3A_21 = arith.constant 20864 : i32
    %scan3A_22 = arith.constant 0 : i32
    %scan3A_23 = arith.constant 8 : i32
    %scan3A_24 = arith.addi %scan3A_22, %scan3A_23 : i32
    %scan3A_25 = arith.constant 1 : i32
    %scan3A_26:2 = scf.for %scan3A_110 = %scan3A_22 to %scan3A_24 step %scan3A_25 iter_args(%scan3A_111 = %scan3A_20, %scan3A_112 = %scan3A_21) -> (i32, i32)  : i32 {
      %mul3A_113 = arith.constant 2592 : i32
      %mul3A_114 = arith.muli %scan3A_110, %mul3A_113 : i32
      %add3A_115 = arith.addi %mul3A_19, %mul3A_114 : i32
      "tpu.region"() ({
        %run_scoped3A = tpu.sem_alloc : memref<!tpu.dma_semaphore, #tpu.memory_space<semaphore_mem>>
        %dma_start3A = tpu.memref_slice %arg2[%add3A_115] : memref<331776xi32, #tpu.memory_space<hbm>> -> memref<2592xi32, #tpu.memory_space<hbm>>
        %dma_start3A_125 = tpu.memref_slice %arg2[%add3A_115] : memref<331776xi32, #tpu.memory_space<hbm>> -> memref<2592xi32, #tpu.memory_space<hbm>>
        tpu.enqueue_dma source(%dma_start3A_125 : memref<2592xi32, #tpu.memory_space<hbm>>) target(%arg10 : memref<2592xi32, #tpu.memory_space<vmem>>) target_semaphore(%run_scoped3A : memref<!tpu.dma_semaphore, #tpu.memory_space<semaphore_mem>>)
        %dma_wait3A = tpu.memref_slice %arg2[%add3A_115] : memref<331776xi32, #tpu.memory_space<hbm>> -> memref<2592xi32, #tpu.memory_space<hbm>>
        %dma_wait3A_126 = tpu.memref_slice %arg2[%add3A_115] : memref<331776xi32, #tpu.memory_space<hbm>> -> memref<2592xi32, #tpu.memory_space<hbm>>
        tpu.wait_dma2 semaphore(%run_scoped3A : memref<!tpu.dma_semaphore, #tpu.memory_space<semaphore_mem>>) src(%dma_wait3A_126 : memref<2592xi32, #tpu.memory_space<hbm>>) dst(%arg10 : memref<2592xi32, #tpu.memory_space<vmem>>)
        tpu.yield
      }) : () -> ()
      %mul3A_116 = arith.constant 2592 : i32
      %mul3A_117 = arith.muli %scan3A_110, %mul3A_116 : i32
      %add3A_118 = arith.addi %mul3A_19, %mul3A_117 : i32
      "tpu.region"() ({
        %run_scoped3A = tpu.sem_alloc : memref<!tpu.dma_semaphore, #tpu.memory_space<semaphore_mem>>
        %dma_start3A = tpu.memref_slice %arg3[%add3A_118] : memref<331776xi32, #tpu.memory_space<hbm>> -> memref<2592xi32, #tpu.memory_space<hbm>>
        %dma_start3A_125 = tpu.memref_slice %arg3[%add3A_118] : memref<331776xi32, #tpu.memory_space<hbm>> -> memref<2592xi32, #tpu.memory_space<hbm>>
        tpu.enqueue_dma source(%dma_start3A_125 : memref<2592xi32, #tpu.memory_space<hbm>>) target(%arg11 : memref<2592xi32, #tpu.memory_space<vmem>>) target_semaphore(%run_scoped3A : memref<!tpu.dma_semaphore, #tpu.memory_space<semaphore_mem>>)
        %dma_wait3A = tpu.memref_slice %arg3[%add3A_118] : memref<331776xi32, #tpu.memory_space<hbm>> -> memref<2592xi32, #tpu.memory_space<hbm>>
        %dma_wait3A_126 = tpu.memref_slice %arg3[%add3A_118] : memref<331776xi32, #tpu.memory_space<hbm>> -> memref<2592xi32, #tpu.memory_space<hbm>>
        tpu.wait_dma2 semaphore(%run_scoped3A : memref<!tpu.dma_semaphore, #tpu.memory_space<semaphore_mem>>) src(%dma_wait3A_126 : memref<2592xi32, #tpu.memory_space<hbm>>) dst(%arg11 : memref<2592xi32, #tpu.memory_space<vmem>>)
        tpu.yield
      }) : () -> ()
      %scan3A_119 = arith.constant 0 : i32
      %scan3A_120 = arith.constant 162 : i32
      %scan3A_121 = arith.addi %scan3A_119, %scan3A_120 : i32
      %scan3A_122 = arith.constant 1 : i32
      %scan3A_123:2 = scf.for %scan3A_125 = %scan3A_119 to %scan3A_121 step %scan3A_122 iter_args(%scan3A_126 = %scan3A_111, %scan3A_127 = %scan3A_112) -> (i32, i32)  : i32 {
        %mul3A_128 = arith.constant 16 : i32
        %mul3A_129 = arith.muli %scan3A_125, %mul3A_128 : i32
        %get3A_130 = arith.index_cast %mul3A_129 : i32 to index
        %get3A_131 = tpu.vector_load %arg10[%get3A_130] {strides = array<i32>} : memref<2592xi32, #tpu.memory_space<vmem>>, vector<16xi32>,
        %mul3A_132 = arith.constant 16 : i32
        %mul3A_133 = arith.muli %scan3A_125, %mul3A_132 : i32
        %get3A_134 = arith.index_cast %mul3A_133 : i32 to index
        %get3A_135 = tpu.vector_load %arg11[%get3A_134] {strides = array<i32>} : memref<2592xi32, #tpu.memory_space<vmem>>, vector<16xi32>,
        %gather3A = tpu.vector_load_idx %arg12[%get3A_131] : memref<10128xf32, #tpu.memory_space<vmem>>[vector<16xi32>], vector<16xf32>,
        %gather3A_136 = tpu.vector_load_idx %arg13[%get3A_135] : memref<10112xf32, #tpu.memory_space<vmem>>[vector<16xi32>], vector<16xf32>,
        %add3A_137 = arith.addf %gather3A, %gather3A_136 : vector<16xf32>
        %gt3A = arith.constant 0.000000e+00 : f32
        %gt3A_138 = vector.broadcast %gt3A : f32 to vector<16xf32>
        %gt3A_139 = arith.cmpf ogt, %add3A_137, %gt3A_138 : vector<16xf32>
        %select_n3A_140 = arith.select %gt3A_139, %broadcast_in_dim3A_11, %broadcast_in_dim3A_13 : vector<16xi1>, vector<16xi32>
        %select_n3A_141 = arith.select %gt3A_139, %broadcast_in_dim3A_15, %broadcast_in_dim3A_17 : vector<16xi1>, vector<16xf32>
        %sub3A_142 = arith.subf %gather3A, %get3A_9 : vector<16xf32>
        %mul3A_143 = arith.mulf %select_n3A_141, %sub3A_142 : vector<16xf32>
        %exp3A = math.exp %mul3A_143 : vector<16xf32>
        %add3A_144 = arith.addi %get3A_135, %select_n3A_140 : vector<16xi32>
        %shift_right_logical3A = arith.constant 5 : i32
        %shift_right_logical3A_145 = vector.broadcast %shift_right_logical3A : i32 to vector<16xi32>
        %shift_right_logical3A_146 = arith.shrui %add3A_144, %shift_right_logical3A_145 : vector<16xi32>
        %broadcast_in_dim3A_147 = arith.constant 31 : i32
        %broadcast_in_dim3A_148 = vector.broadcast %broadcast_in_dim3A_147 : i32 to vector<16xi32>
        %and3A_149 = arith.andi %add3A_144, %broadcast_in_dim3A_148 : vector<16xi32>
        tpu.vector_store_idx %arg14[%shift_right_logical3A_146, %and3A_149], %exp3A {add = true} : memref<640x32xf32, #tpu.memory_space<vmem>>[vector<16xi32>, vector<16xi32>], vector<16xf32>,
        %add3A_150 = arith.addi %get3A_131, %select_n3A_140 : vector<16xi32>
        %all_reduce_population_count3A = tpu.all_reduce %gt3A_139 {dim = 0 : i64, kind = #tpu.reduction_kind<sum>} : vector<16xi1> -> vector<16xi32>
        %slice3A = vector.extract_strided_slice %all_reduce_population_count3A {offsets = [0], sizes = [1], strides = [1]} : vector<16xi32> to vector<1xi32>
        %squeeze3A = vector.extract %slice3A[0] : i32 from vector<1xi32>
        %sub3A_151 = arith.constant 16 : i32
        %sub3A_152 = arith.subi %sub3A_151, %squeeze3A : i32
        %swap3A = arith.index_cast %scan3A_126 : i32 to index
        %swap3A_153 = tpu.vector_load %arg15[%swap3A] masked %gt3A_139 {strides = array<i32>} : memref<20880xi32, #tpu.memory_space<vmem>>, vector<16xi32>, vector<16xi1>
        tpu.vector_store %arg15[%swap3A], %add3A_150 masked %gt3A_139 {strides = array<i32>} : memref<20880xi32, #tpu.memory_space<vmem>>, vector<16xi32>, vector<16xi1>
        %swap3A_154 = arith.index_cast %scan3A_126 : i32 to index
        %swap3A_155 = tpu.vector_load %arg16[%swap3A_154] masked %gt3A_139 {strides = array<i32>} : memref<20880xi32, #tpu.memory_space<vmem>>, vector<16xi32>, vector<16xi1>
        tpu.vector_store %arg16[%swap3A_154], %get3A_135 masked %gt3A_139 {strides = array<i32>} : memref<20880xi32, #tpu.memory_space<vmem>>, vector<16xi32>, vector<16xi1>
        %not3A = arith.constant dense<true> : vector<16xi1>
        %not3A_156 = arith.xori %gt3A_139, %not3A : vector<16xi1>
        %sub3A_157 = arith.subi %scan3A_127, %sub3A_152 : i32
        %swap3A_158 = arith.index_cast %sub3A_157 : i32 to index
        %swap3A_159 = tpu.vector_load %arg15[%swap3A_158] masked %not3A_156 {strides = array<i32>} : memref<20880xi32, #tpu.memory_space<vmem>>, vector<16xi32>, vector<16xi1>
        tpu.vector_store %arg15[%swap3A_158], %add3A_150 masked %not3A_156 {strides = array<i32>} : memref<20880xi32, #tpu.memory_space<vmem>>, vector<16xi32>, vector<16xi1>
        %sub3A_160 = arith.subi %scan3A_127, %sub3A_152 : i32
        %swap3A_161 = arith.index_cast %sub3A_160 : i32 to index
        %swap3A_162 = tpu.vector_load %arg16[%swap3A_161] masked %not3A_156 {strides = array<i32>} : memref<20880xi32, #tpu.memory_space<vmem>>, vector<16xi32>, vector<16xi1>
        tpu.vector_store %arg16[%swap3A_161], %get3A_135 masked %not3A_156 {strides = array<i32>} : memref<20880xi32, #tpu.memory_space<vmem>>, vector<16xi32>, vector<16xi1>
        %add3A_163 = arith.addi %scan3A_126, %squeeze3A : i32
        %sub3A_164 = arith.subi %scan3A_127, %sub3A_152 : i32
        scf.yield %add3A_163, %sub3A_164 : i32, i32
      }
      %scan3A_124 = arith.constant 162 : i32
      scf.yield %scan3A_123#0, %scan3A_123#1 : i32, i32
    }
    %scan3A_27 = arith.constant 8 : i32
    %broadcast_in_dim3A_28 = arith.constant 10000 : i32
    %broadcast_in_dim3A_29 = vector.broadcast %broadcast_in_dim3A_28 : i32 to vector<16xi32>
    %broadcast_in_dim3A_30 = arith.constant 20112 : i32
    %broadcast_in_dim3A_31 = vector.broadcast %broadcast_in_dim3A_30 : i32 to vector<16xi32>
    %scan3A_32 = arith.constant 0 : i32
    %scan3A_33 = arith.constant 0 : i32
    %scan3A_34 = arith.constant 8 : i32
    %scan3A_35 = arith.addi %scan3A_33, %scan3A_34 : i32
    %scan3A_36 = arith.constant 1 : i32
    scf.for %scan3A_110 = %scan3A_33 to %scan3A_35 step %scan3A_36  : i32 {
      %mul3A_111 = arith.constant 16 : i32
      %mul3A_112 = arith.muli %scan3A_110, %mul3A_111 : i32
      %add3A_113 = arith.addi %scan3A_26#0, %mul3A_112 : i32
      %swap3A = arith.index_cast %add3A_113 : i32 to index
      %swap3A_114 = tpu.vector_load %arg15[%swap3A] {strides = array<i32>} : memref<20880xi32, #tpu.memory_space<vmem>>, vector<16xi32>,
      tpu.vector_store %arg15[%swap3A], %broadcast_in_dim3A_29 {strides = array<i32>} : memref<20880xi32, #tpu.memory_space<vmem>>, vector<16xi32>,
      %mul3A_115 = arith.constant 16 : i32
      %mul3A_116 = arith.muli %scan3A_110, %mul3A_115 : i32
      %add3A_117 = arith.addi %scan3A_26#0, %mul3A_116 : i32
      %swap3A_118 = arith.index_cast %add3A_117 : i32 to index
      %swap3A_119 = tpu.vector_load %arg16[%swap3A_118] {strides = array<i32>} : memref<20880xi32, #tpu.memory_space<vmem>>, vector<16xi32>,
      tpu.vector_store %arg16[%swap3A_118], %broadcast_in_dim3A_29 {strides = array<i32>} : memref<20880xi32, #tpu.memory_space<vmem>>, vector<16xi32>,
    }
    %scan3A_37 = arith.constant 8 : i32
    %scan3A_38 = arith.constant 0 : i32
    %scan3A_39 = arith.constant 0 : i32
    %scan3A_40 = arith.constant 8 : i32
    %scan3A_41 = arith.addi %scan3A_39, %scan3A_40 : i32
    %scan3A_42 = arith.constant 1 : i32
    scf.for %scan3A_110 = %scan3A_39 to %scan3A_41 step %scan3A_42  : i32 {
      %sub3A_111 = arith.constant 128 : i32
      %sub3A_112 = arith.subi %scan3A_26#1, %sub3A_111 : i32
      %mul3A_113 = arith.constant 16 : i32
      %mul3A_114 = arith.muli %scan3A_110, %mul3A_113 : i32
      %add3A_115 = arith.addi %sub3A_112, %mul3A_114 : i32
      %swap3A = arith.index_cast %add3A_115 : i32 to index
      %swap3A_116 = tpu.vector_load %arg15[%swap3A] {strides = array<i32>} : memref<20880xi32, #tpu.memory_space<vmem>>, vector<16xi32>,
      tpu.vector_store %arg15[%swap3A], %broadcast_in_dim3A_31 {strides = array<i32>} : memref<20880xi32, #tpu.memory_space<vmem>>, vector<16xi32>,
      %sub3A_117 = arith.constant 128 : i32
      %sub3A_118 = arith.subi %scan3A_26#1, %sub3A_117 : i32
      %mul3A_119 = arith.constant 16 : i32
      %mul3A_120 = arith.muli %scan3A_110, %mul3A_119 : i32
      %add3A_121 = arith.addi %sub3A_118, %mul3A_120 : i32
      %swap3A_122 = arith.index_cast %add3A_121 : i32 to index
      %swap3A_123 = tpu.vector_load %arg16[%swap3A_122] {strides = array<i32>} : memref<20880xi32, #tpu.memory_space<vmem>>, vector<16xi32>,
      tpu.vector_store %arg16[%swap3A_122], %broadcast_in_dim3A_29 {strides = array<i32>} : memref<20880xi32, #tpu.memory_space<vmem>>, vector<16xi32>,
    }
    %scan3A_43 = arith.constant 8 : i32
    %broadcast_in_dim3A_44 = arith.constant 16 : i32
    %broadcast_in_dim3A_45 = vector.broadcast %broadcast_in_dim3A_44 : i32 to vector<16xi32>
    %iota3A = tpu.iota {dimensions = array<i32: 0>} : vector<16xi32>
    %scan3A_46 = arith.constant 0 : i32
    %scan3A_47 = arith.constant 40 : i32
    %scan3A_48 = arith.addi %scan3A_46, %scan3A_47 : i32
    %scan3A_49 = arith.constant 1 : i32
    %scan3A_50 = scf.for %scan3A_110 = %scan3A_46 to %scan3A_48 step %scan3A_49 iter_args(%scan3A_111 = %iota3A) -> (vector<16xi32>)  : i32 {
      %mul3A_112 = arith.constant 16 : i32
      %mul3A_113 = arith.muli %scan3A_110, %mul3A_112 : i32
      %swap3A = arith.index_cast %mul3A_113 : i32 to index
      %swap3A_114 = tpu.vector_load %arg18[%swap3A] {strides = array<i32>} : memref<640xi32, #tpu.memory_space<vmem>>, vector<16xi32>,
      tpu.vector_store %arg18[%swap3A], %scan3A_111 {strides = array<i32>} : memref<640xi32, #tpu.memory_space<vmem>>, vector<16xi32>,
      %add3A_115 = arith.addi %scan3A_111, %broadcast_in_dim3A_45 : vector<16xi32>
      scf.yield %add3A_115 : vector<16xi32>
    }
    %scan3A_51 = arith.constant 40 : i32
    %add3A = arith.constant 128 : i32
    %add3A_52 = arith.addi %scan3A_26#0, %add3A : i32
    %sub3A = arith.constant 1 : i32
    %sub3A_53 = arith.subi %add3A_52, %sub3A : i32
    %jit3A = arith.constant 128 : i32
    %div3A = arith.divsi %sub3A_53, %jit3A : i32
    %sign3A = arith.constant 0 : i32
    %sign3A_54 = arith.cmpi sgt, %sub3A_53, %sign3A : i32
    %sign3A_55 = arith.extui %sign3A_54 : i1 to i32
    %sign3A_56 = arith.constant 0 : i32
    %sign3A_57 = arith.cmpi slt, %sub3A_53, %sign3A_56 : i32
    %sign3A_58 = arith.extui %sign3A_57 : i1 to i32
    %sign3A_59 = arith.subi %sign3A_55, %sign3A_58 : i32
    %sign3A_60 = arith.constant 0 : i32
    %sign3A_61 = arith.cmpi sgt, %jit3A, %sign3A_60 : i32
    %sign3A_62 = arith.extui %sign3A_61 : i1 to i32
    %sign3A_63 = arith.constant 0 : i32
    %sign3A_64 = arith.cmpi slt, %jit3A, %sign3A_63 : i32
    %sign3A_65 = arith.extui %sign3A_64 : i1 to i32
    %sign3A_66 = arith.subi %sign3A_62, %sign3A_65 : i32
    %ne3A = arith.cmpi ne, %sign3A_59, %sign3A_66 : i32
    %rem3A = arith.remsi %sub3A_53, %jit3A : i32
    %ne3A_67 = arith.constant 0 : i32
    %ne3A_68 = arith.cmpi ne, %rem3A, %ne3A_67 : i32
    %and3A = arith.andi %ne3A, %ne3A_68 : i1
    %sub3A_69 = arith.constant 1 : i32
    %sub3A_70 = arith.subi %div3A, %sub3A_69 : i32
    %select_n3A = arith.select %and3A, %sub3A_70, %div3A : i32
    %jit3A_71 = arith.constant 128 : i32
    %div3A_72 = arith.divsi %scan3A_26#1, %jit3A_71 : i32
    %sign3A_73 = arith.constant 0 : i32
    %sign3A_74 = arith.cmpi sgt, %scan3A_26#1, %sign3A_73 : i32
    %sign3A_75 = arith.extui %sign3A_74 : i1 to i32
    %sign3A_76 = arith.constant 0 : i32
    %sign3A_77 = arith.cmpi slt, %scan3A_26#1, %sign3A_76 : i32
    %sign3A_78 = arith.extui %sign3A_77 : i1 to i32
    %sign3A_79 = arith.subi %sign3A_75, %sign3A_78 : i32
    %sign3A_80 = arith.constant 0 : i32
    %sign3A_81 = arith.cmpi sgt, %jit3A_71, %sign3A_80 : i32
    %sign3A_82 = arith.extui %sign3A_81 : i1 to i32
    %sign3A_83 = arith.constant 0 : i32
    %sign3A_84 = arith.cmpi slt, %jit3A_71, %sign3A_83 : i32
    %sign3A_85 = arith.extui %sign3A_84 : i1 to i32
    %sign3A_86 = arith.subi %sign3A_82, %sign3A_85 : i32
    %ne3A_87 = arith.cmpi ne, %sign3A_79, %sign3A_86 : i32
    %rem3A_88 = arith.remsi %scan3A_26#1, %jit3A_71 : i32
    %ne3A_89 = arith.constant 0 : i32
    %ne3A_90 = arith.cmpi ne, %rem3A_88, %ne3A_89 : i32
    %and3A_91 = arith.andi %ne3A_87, %ne3A_90 : i1
    %sub3A_92 = arith.constant 1 : i32
    %sub3A_93 = arith.subi %div3A_72, %sub3A_92 : i32
    %select_n3A_94 = arith.select %and3A_91, %sub3A_93, %div3A_72 : i32
    %scan3A_95 = arith.constant 0 : i32
    %scan3A_96 = arith.constant 0 : i32
    %scan3A_97 = arith.constant 4 : i32
    %scan3A_98 = arith.addi %scan3A_96, %scan3A_97 : i32
    %scan3A_99 = arith.constant 1 : i32
    scf.for %scan3A_110 = %scan3A_96 to %scan3A_98 step %scan3A_99  : i32 {
      %lt3A_111 = arith.constant 2 : i32
      %lt3A_112 = arith.cmpi slt, %scan3A_110, %lt3A_111 : i32
      %jit3A_113 = arith.constant 0 : i32
      %select_n3A_114 = arith.select %lt3A_112, %jit3A_113, %select_n3A_94 : i32
      %lt3A_115 = arith.constant 2 : i32
      %lt3A_116 = arith.cmpi slt, %scan3A_110, %lt3A_115 : i32
      %jit3A_117 = arith.constant 163 : i32
      %select_n3A_118 = arith.select %lt3A_116, %select_n3A, %jit3A_117 : i32
      %jit3A_119 = arith.constant 2 : i32
      %eq3A = arith.constant 0 : i32
      %eq3A_120 = arith.cmpi eq, %jit3A_119, %eq3A : i32
      %jit3A_121 = arith.constant 1 : i32
      %select_n3A_122 = arith.select %eq3A_120, %jit3A_121, %jit3A_119 : i32
      %rem3A_123 = arith.remsi %scan3A_110, %select_n3A_122 : i32
      %ne3A_124 = arith.constant 0 : i32
      %ne3A_125 = arith.cmpi ne, %rem3A_123, %ne3A_124 : i32
      %lt3A_126 = arith.constant 0 : i32
      %lt3A_127 = arith.cmpi slt, %rem3A_123, %lt3A_126 : i32
      %lt3A_128 = arith.constant 0 : i32
      %lt3A_129 = arith.cmpi slt, %select_n3A_122, %lt3A_128 : i32
      %ne3A_130 = arith.xori %lt3A_127, %lt3A_129 : i1
      %and3A_131 = arith.andi %ne3A_130, %ne3A_125 : i1
      %add3A_132 = arith.addi %rem3A_123, %select_n3A_122 : i32
      %select_n3A_133 = arith.select %and3A_131, %add3A_132, %rem3A_123 : i32
      %sub3A_134 = arith.subi %select_n3A_118, %select_n3A_114 : i32
      %gt3A = arith.constant 0 : i32
      %gt3A_135 = arith.cmpi sgt, %sub3A_134, %gt3A : i32
      %convert_element_type3A_136 = arith.extui %gt3A_135 : i1 to i32
      %cond3A_137 = arith.constant 0 : i32
      %cond3A_138 = arith.cmpi ne, %convert_element_type3A_136, %cond3A_137 : i32
      scf.if %cond3A_138 {
        %mul3A_191 = arith.constant 128 : i32
        %mul3A_192 = arith.muli %select_n3A_114, %mul3A_191 : i32
        %dma_start3A = arith.constant 0 : i32
        %dma_start3A_193 = arith.constant 0 : i32
        %dma_start3A_194 = arith.constant 0 : i32
        %dma_start3A_195 = tpu.memref_slice %arg17[%dma_start3A, %dma_start3A_193, %dma_start3A_194] : memref<2x128x32xf32, #tpu.memory_space<vmem>> -> memref<1x128x32xf32, #tpu.memory_space<vmem>>
        %dma_start3A_196 = tpu.memref_squeeze %dma_start3A_195 : memref<1x128x32xf32, #tpu.memory_space<vmem>> -> memref<128x32xf32, #tpu.memory_space<vmem>>
        %dma_start3A_197 = tpu.memref_slice %arg15[%mul3A_192] : memref<20880xi32, #tpu.memory_space<vmem>> -> memref<128xi32, #tpu.memory_space<vmem>>
        %dma_start3A_198 = arith.constant 0 : i32
        %dma_start3A_199 = arith.constant 0 : i32
        %dma_start3A_200 = tpu.memref_slice %arg7[%select_n3A_133, %dma_start3A_198, %dma_start3A_199] : memref<2x20224x32xf32, #tpu.memory_space<hbm>> -> memref<1x20224x32xf32, #tpu.memory_space<hbm>>
        %dma_start3A_201 = tpu.memref_squeeze %dma_start3A_200 : memref<1x20224x32xf32, #tpu.memory_space<hbm>> -> memref<20224x32xf32, #tpu.memory_space<hbm>>
        %dma_start3A_202 = arith.constant 0 : i32
        %dma_start3A_203 = arith.constant 0 : i32
        %dma_start3A_204 = tpu.memref_slice %dma_start3A_201[%dma_start3A_202, %dma_start3A_203] : memref<20224x32xf32, #tpu.memory_space<hbm>> -> memref<20224x32xf32, #tpu.memory_space<hbm>>
        tpu.enqueue_indirect_dma source(%dma_start3A_204 : memref<20224x32xf32, #tpu.memory_space<hbm>>) target(%dma_start3A_196 : memref<128x32xf32, #tpu.memory_space<vmem>>) offsets(%dma_start3A_197 : memref<128xi32, #tpu.memory_space<vmem>>) semaphore(%arg20 : memref<!tpu.dma_semaphore, #tpu.memory_space<semaphore_mem>>)
      } else {
      }
      %gt3A_139 = arith.constant 1 : i32
      %gt3A_140 = arith.cmpi sgt, %sub3A_134, %gt3A_139 : i32
      %convert_element_type3A_141 = arith.extui %gt3A_140 : i1 to i32
      %cond3A_142 = arith.constant 0 : i32
      %cond3A_143 = arith.cmpi ne, %convert_element_type3A_141, %cond3A_142 : i32
      scf.if %cond3A_143 {
        %add3A_191 = arith.constant 1 : i32
        %add3A_192 = arith.addi %select_n3A_114, %add3A_191 : i32
        %mul3A_193 = arith.constant 128 : i32
        %mul3A_194 = arith.muli %add3A_192, %mul3A_193 : i32
        %dma_start3A = arith.constant 1 : i32
        %dma_start3A_195 = arith.constant 0 : i32
        %dma_start3A_196 = arith.constant 0 : i32
        %dma_start3A_197 = tpu.memref_slice %arg17[%dma_start3A, %dma_start3A_195, %dma_start3A_196] : memref<2x128x32xf32, #tpu.memory_space<vmem>> -> memref<1x128x32xf32, #tpu.memory_space<vmem>>
        %dma_start3A_198 = tpu.memref_squeeze %dma_start3A_197 : memref<1x128x32xf32, #tpu.memory_space<vmem>> -> memref<128x32xf32, #tpu.memory_space<vmem>>
        %dma_start3A_199 = tpu.memref_slice %arg15[%mul3A_194] : memref<20880xi32, #tpu.memory_space<vmem>> -> memref<128xi32, #tpu.memory_space<vmem>>
        %dma_start3A_200 = arith.constant 0 : i32
        %dma_start3A_201 = arith.constant 0 : i32
        %dma_start3A_202 = tpu.memref_slice %arg7[%select_n3A_133, %dma_start3A_200, %dma_start3A_201] : memref<2x20224x32xf32, #tpu.memory_space<hbm>> -> memref<1x20224x32xf32, #tpu.memory_space<hbm>>
        %dma_start3A_203 = tpu.memref_squeeze %dma_start3A_202 : memref<1x20224x32xf32, #tpu.memory_space<hbm>> -> memref<20224x32xf32, #tpu.memory_space<hbm>>
        %dma_start3A_204 = arith.constant 0 : i32
        %dma_start3A_205 = arith.constant 0 : i32
        %dma_start3A_206 = tpu.memref_slice %dma_start3A_203[%dma_start3A_204, %dma_start3A_205] : memref<20224x32xf32, #tpu.memory_space<hbm>> -> memref<20224x32xf32, #tpu.memory_space<hbm>>
        tpu.enqueue_indirect_dma source(%dma_start3A_206 : memref<20224x32xf32, #tpu.memory_space<hbm>>) target(%dma_start3A_198 : memref<128x32xf32, #tpu.memory_space<vmem>>) offsets(%dma_start3A_199 : memref<128xi32, #tpu.memory_space<vmem>>) semaphore(%arg21 : memref<!tpu.dma_semaphore, #tpu.memory_space<semaphore_mem>>)
      } else {
      }
      %sub3A_144 = arith.subi %select_n3A_118, %select_n3A_114 : i32
      %add3A_145 = arith.constant 1 : i32
      %add3A_146 = arith.addi %sub3A_144, %add3A_145 : i32
      %jit3A_147 = arith.constant 2 : i32
      %div3A_148 = arith.divsi %add3A_146, %jit3A_147 : i32
      %sign3A_149 = arith.constant 0 : i32
      %sign3A_150 = arith.cmpi sgt, %add3A_146, %sign3A_149 : i32
      %sign3A_151 = arith.extui %sign3A_150 : i1 to i32
      %sign3A_152 = arith.constant 0 : i32
      %sign3A_153 = arith.cmpi slt, %add3A_146, %sign3A_152 : i32
      %sign3A_154 = arith.extui %sign3A_153 : i1 to i32
      %sign3A_155 = arith.subi %sign3A_151, %sign3A_154 : i32
      %sign3A_156 = arith.constant 0 : i32
      %sign3A_157 = arith.cmpi sgt, %jit3A_147, %sign3A_156 : i32
      %sign3A_158 = arith.extui %sign3A_157 : i1 to i32
      %sign3A_159 = arith.constant 0 : i32
      %sign3A_160 = arith.cmpi slt, %jit3A_147, %sign3A_159 : i32
      %sign3A_161 = arith.extui %sign3A_160 : i1 to i32
      %sign3A_162 = arith.subi %sign3A_158, %sign3A_161 : i32
      %ne3A_163 = arith.cmpi ne, %sign3A_155, %sign3A_162 : i32
      %rem3A_164 = arith.remsi %add3A_146, %jit3A_147 : i32
      %ne3A_165 = arith.constant 0 : i32
      %ne3A_166 = arith.cmpi ne, %rem3A_164, %ne3A_165 : i32
      %and3A_167 = arith.andi %ne3A_163, %ne3A_166 : i1
      %sub3A_168 = arith.constant 1 : i32
      %sub3A_169 = arith.subi %div3A_148, %sub3A_168 : i32
      %select_n3A_170 = arith.select %and3A_167, %sub3A_169, %div3A_148 : i32
      %while3A = arith.constant 0 : i32
      %while3A_171 = arith.constant 0 : i32
      %while3A_172 = arith.subi %select_n3A_170, %while3A_171 : i32
      %while3A_173 = arith.addi %while3A_171, %while3A_172 : i32
      %while3A_174 = arith.constant 1 : i32
      %while3A_175 = arith.divsi %while3A_172, %while3A_174 : i32
      %while3A_176 = arith.muli %while3A_175, %while3A_174 : i32
      %while3A_177 = arith.addi %while3A_171, %while3A_176 : i32
      %while3A_178 = arith.constant 1 : i32
      scf.for %while3A_191 = %while3A_171 to %while3A_177 step %while3A_178  : i32 {
        %mul3A_192 = arith.constant 2 : i32
        %mul3A_193 = arith.muli %mul3A_192, %while3A_191 : i32
        %add3A_194 = arith.addi %select_n3A_114, %mul3A_193 : i32
        %add3A_195 = arith.constant 1 : i32
        %add3A_196 = arith.addi %add3A_194, %add3A_195 : i32
        %dma_wait3A = arith.constant 0 : i32
        %dma_wait3A_197 = arith.constant 0 : i32
        %dma_wait3A_198 = arith.constant 0 : i32
        %dma_wait3A_199 = tpu.memref_slice %arg17[%dma_wait3A, %dma_wait3A_197, %dma_wait3A_198] : memref<2x128x32xf32, #tpu.memory_space<vmem>> -> memref<1x128x32xf32, #tpu.memory_space<vmem>>
        %dma_wait3A_200 = tpu.memref_squeeze %dma_wait3A_199 : memref<1x128x32xf32, #tpu.memory_space<vmem>> -> memref<128x32xf32, #tpu.memory_space<vmem>>
        %dma_wait3A_201 = arith.constant 0 : i32
        %dma_wait3A_202 = tpu.memref_slice %arg15[%dma_wait3A_201] : memref<20880xi32, #tpu.memory_space<vmem>> -> memref<128xi32, #tpu.memory_space<vmem>>
        %dma_wait3A_203 = arith.constant 0 : i32
        %dma_wait3A_204 = arith.constant 0 : i32
        %dma_wait3A_205 = tpu.memref_slice %arg7[%select_n3A_133, %dma_wait3A_203, %dma_wait3A_204] : memref<2x20224x32xf32, #tpu.memory_space<hbm>> -> memref<1x20224x32xf32, #tpu.memory_space<hbm>>
        %dma_wait3A_206 = tpu.memref_squeeze %dma_wait3A_205 : memref<1x20224x32xf32, #tpu.memory_space<hbm>> -> memref<20224x32xf32, #tpu.memory_space<hbm>>
        %dma_wait3A_207 = arith.constant 0 : i32
        %dma_wait3A_208 = arith.constant 0 : i32
        %dma_wait3A_209 = tpu.memref_slice %dma_wait3A_206[%dma_wait3A_207, %dma_wait3A_208] : memref<20224x32xf32, #tpu.memory_space<hbm>> -> memref<20224x32xf32, #tpu.memory_space<hbm>>
        tpu.wait_indirect_dma semaphore(%arg20 : memref<!tpu.dma_semaphore, #tpu.memory_space<semaphore_mem>>) src(%dma_wait3A_209 : memref<20224x32xf32, #tpu.memory_space<hbm>>) dst(%dma_wait3A_200 : memref<128x32xf32, #tpu.memory_space<vmem>>)
        %mul3A_210 = arith.constant 128 : i32
        %mul3A_211 = arith.muli %add3A_194, %mul3A_210 : i32
        %dma_start3A = arith.constant 0 : i32
        %dma_start3A_212 = arith.constant 0 : i32
        %dma_start3A_213 = arith.constant 0 : i32
        %dma_start3A_214 = tpu.memref_slice %arg17[%dma_start3A, %dma_start3A_212, %dma_start3A_213] : memref<2x128x32xf32, #tpu.memory_space<vmem>> -> memref<1x128x32xf32, #tpu.memory_space<vmem>>
        %dma_start3A_215 = tpu.memref_squeeze %dma_start3A_214 : memref<1x128x32xf32, #tpu.memory_space<vmem>> -> memref<128x32xf32, #tpu.memory_space<vmem>>
        %dma_start3A_216 = tpu.memref_slice %arg16[%mul3A_211] : memref<20880xi32, #tpu.memory_space<vmem>> -> memref<128xi32, #tpu.memory_space<vmem>>
        %dma_start3A_217 = arith.constant 0 : i32
        %dma_start3A_218 = arith.constant 0 : i32
        %dma_start3A_219 = tpu.memref_slice %arg19[%dma_start3A_217, %dma_start3A_218] : memref<10112x32xf32, #tpu.memory_space<vmem_shared>> -> memref<10112x32xf32, #tpu.memory_space<vmem_shared>>
        tpu.enqueue_indirect_dma source(%dma_start3A_215 : memref<128x32xf32, #tpu.memory_space<vmem>>) target(%dma_start3A_219 : memref<10112x32xf32, #tpu.memory_space<vmem_shared>>) offsets(%dma_start3A_216 : memref<128xi32, #tpu.memory_space<vmem>>) semaphore(%arg22 : memref<!tpu.dma_semaphore, #tpu.memory_space<semaphore_mem>>) {add = true}
        %lt3A_220 = arith.cmpi slt, %add3A_196, %select_n3A_118 : i32
        %convert_element_type3A_221 = arith.extui %lt3A_220 : i1 to i32
        %cond3A_222 = arith.constant 0 : i32
        %cond3A_223 = arith.cmpi ne, %convert_element_type3A_221, %cond3A_222 : i32
        scf.if %cond3A_223 {
          %dma_wait3A_236 = arith.constant 1 : i32
          %dma_wait3A_237 = arith.constant 0 : i32
          %dma_wait3A_238 = arith.constant 0 : i32
          %dma_wait3A_239 = tpu.memref_slice %arg17[%dma_wait3A_236, %dma_wait3A_237, %dma_wait3A_238] : memref<2x128x32xf32, #tpu.memory_space<vmem>> -> memref<1x128x32xf32, #tpu.memory_space<vmem>>
          %dma_wait3A_240 = tpu.memref_squeeze %dma_wait3A_239 : memref<1x128x32xf32, #tpu.memory_space<vmem>> -> memref<128x32xf32, #tpu.memory_space<vmem>>
          %dma_wait3A_241 = arith.constant 0 : i32
          %dma_wait3A_242 = tpu.memref_slice %arg15[%dma_wait3A_241] : memref<20880xi32, #tpu.memory_space<vmem>> -> memref<128xi32, #tpu.memory_space<vmem>>
          %dma_wait3A_243 = arith.constant 0 : i32
          %dma_wait3A_244 = arith.constant 0 : i32
          %dma_wait3A_245 = tpu.memref_slice %arg7[%select_n3A_133, %dma_wait3A_243, %dma_wait3A_244] : memref<2x20224x32xf32, #tpu.memory_space<hbm>> -> memref<1x20224x32xf32, #tpu.memory_space<hbm>>
          %dma_wait3A_246 = tpu.memref_squeeze %dma_wait3A_245 : memref<1x20224x32xf32, #tpu.memory_space<hbm>> -> memref<20224x32xf32, #tpu.memory_space<hbm>>
          %dma_wait3A_247 = arith.constant 0 : i32
          %dma_wait3A_248 = arith.constant 0 : i32
          %dma_wait3A_249 = tpu.memref_slice %dma_wait3A_246[%dma_wait3A_247, %dma_wait3A_248] : memref<20224x32xf32, #tpu.memory_space<hbm>> -> memref<20224x32xf32, #tpu.memory_space<hbm>>
          tpu.wait_indirect_dma semaphore(%arg21 : memref<!tpu.dma_semaphore, #tpu.memory_space<semaphore_mem>>) src(%dma_wait3A_249 : memref<20224x32xf32, #tpu.memory_space<hbm>>) dst(%dma_wait3A_240 : memref<128x32xf32, #tpu.memory_space<vmem>>)
          %mul3A_250 = arith.constant 128 : i32
          %mul3A_251 = arith.muli %add3A_196, %mul3A_250 : i32
          %dma_start3A_252 = arith.constant 1 : i32
          %dma_start3A_253 = arith.constant 0 : i32
          %dma_start3A_254 = arith.constant 0 : i32
          %dma_start3A_255 = tpu.memref_slice %arg17[%dma_start3A_252, %dma_start3A_253, %dma_start3A_254] : memref<2x128x32xf32, #tpu.memory_space<vmem>> -> memref<1x128x32xf32, #tpu.memory_space<vmem>>
          %dma_start3A_256 = tpu.memref_squeeze %dma_start3A_255 : memref<1x128x32xf32, #tpu.memory_space<vmem>> -> memref<128x32xf32, #tpu.memory_space<vmem>>
          %dma_start3A_257 = tpu.memref_slice %arg16[%mul3A_251] : memref<20880xi32, #tpu.memory_space<vmem>> -> memref<128xi32, #tpu.memory_space<vmem>>
          %dma_start3A_258 = arith.constant 0 : i32
          %dma_start3A_259 = arith.constant 0 : i32
          %dma_start3A_260 = tpu.memref_slice %arg19[%dma_start3A_258, %dma_start3A_259] : memref<10112x32xf32, #tpu.memory_space<vmem_shared>> -> memref<10112x32xf32, #tpu.memory_space<vmem_shared>>
          tpu.enqueue_indirect_dma source(%dma_start3A_256 : memref<128x32xf32, #tpu.memory_space<vmem>>) target(%dma_start3A_260 : memref<10112x32xf32, #tpu.memory_space<vmem_shared>>) offsets(%dma_start3A_257 : memref<128xi32, #tpu.memory_space<vmem>>) semaphore(%arg23 : memref<!tpu.dma_semaphore, #tpu.memory_space<semaphore_mem>>) {add = true}
        } else {
        }
        %add3A_224 = arith.constant 2 : i32
        %add3A_225 = arith.addi %add3A_194, %add3A_224 : i32
        %lt3A_226 = arith.cmpi slt, %add3A_225, %select_n3A_118 : i32
        %convert_element_type3A_227 = arith.extui %lt3A_226 : i1 to i32
        %cond3A_228 = arith.constant 0 : i32
        %cond3A_229 = arith.cmpi ne, %convert_element_type3A_227, %cond3A_228 : i32
        scf.if %cond3A_229 {
          %dma_wait3A_236 = arith.constant 0 : i32
          %dma_wait3A_237 = arith.constant 0 : i32
          %dma_wait3A_238 = arith.constant 0 : i32
          %dma_wait3A_239 = tpu.memref_slice %arg17[%dma_wait3A_236, %dma_wait3A_237, %dma_wait3A_238] : memref<2x128x32xf32, #tpu.memory_space<vmem>> -> memref<1x128x32xf32, #tpu.memory_space<vmem>>
          %dma_wait3A_240 = tpu.memref_squeeze %dma_wait3A_239 : memref<1x128x32xf32, #tpu.memory_space<vmem>> -> memref<128x32xf32, #tpu.memory_space<vmem>>
          %dma_wait3A_241 = arith.constant 0 : i32
          %dma_wait3A_242 = tpu.memref_slice %arg16[%dma_wait3A_241] : memref<20880xi32, #tpu.memory_space<vmem>> -> memref<128xi32, #tpu.memory_space<vmem>>
          %dma_wait3A_243 = arith.constant 0 : i32
          %dma_wait3A_244 = arith.constant 0 : i32
          %dma_wait3A_245 = tpu.memref_slice %arg19[%dma_wait3A_243, %dma_wait3A_244] : memref<10112x32xf32, #tpu.memory_space<vmem_shared>> -> memref<10112x32xf32, #tpu.memory_space<vmem_shared>>
          tpu.wait_indirect_dma semaphore(%arg22 : memref<!tpu.dma_semaphore, #tpu.memory_space<semaphore_mem>>) src(%dma_wait3A_240 : memref<128x32xf32, #tpu.memory_space<vmem>>) dst(%dma_wait3A_245 : memref<10112x32xf32, #tpu.memory_space<vmem_shared>>)
          %add3A_246 = arith.constant 2 : i32
          %add3A_247 = arith.addi %add3A_194, %add3A_246 : i32
          %mul3A_248 = arith.constant 128 : i32
          %mul3A_249 = arith.muli %add3A_247, %mul3A_248 : i32
          %dma_start3A_250 = arith.constant 0 : i32
          %dma_start3A_251 = arith.constant 0 : i32
          %dma_start3A_252 = arith.constant 0 : i32
          %dma_start3A_253 = tpu.memref_slice %arg17[%dma_start3A_250, %dma_start3A_251, %dma_start3A_252] : memref<2x128x32xf32, #tpu.memory_space<vmem>> -> memref<1x128x32xf32, #tpu.memory_space<vmem>>
          %dma_start3A_254 = tpu.memref_squeeze %dma_start3A_253 : memref<1x128x32xf32, #tpu.memory_space<vmem>> -> memref<128x32xf32, #tpu.memory_space<vmem>>
          %dma_start3A_255 = tpu.memref_slice %arg15[%mul3A_249] : memref<20880xi32, #tpu.memory_space<vmem>> -> memref<128xi32, #tpu.memory_space<vmem>>
          %dma_start3A_256 = arith.constant 0 : i32
          %dma_start3A_257 = arith.constant 0 : i32
          %dma_start3A_258 = tpu.memref_slice %arg7[%select_n3A_133, %dma_start3A_256, %dma_start3A_257] : memref<2x20224x32xf32, #tpu.memory_space<hbm>> -> memref<1x20224x32xf32, #tpu.memory_space<hbm>>
          %dma_start3A_259 = tpu.memref_squeeze %dma_start3A_258 : memref<1x20224x32xf32, #tpu.memory_space<hbm>> -> memref<20224x32xf32, #tpu.memory_space<hbm>>
          %dma_start3A_260 = arith.constant 0 : i32
          %dma_start3A_261 = arith.constant 0 : i32
          %dma_start3A_262 = tpu.memref_slice %dma_start3A_259[%dma_start3A_260, %dma_start3A_261] : memref<20224x32xf32, #tpu.memory_space<hbm>> -> memref<20224x32xf32, #tpu.memory_space<hbm>>
          tpu.enqueue_indirect_dma source(%dma_start3A_262 : memref<20224x32xf32, #tpu.memory_space<hbm>>) target(%dma_start3A_254 : memref<128x32xf32, #tpu.memory_space<vmem>>) offsets(%dma_start3A_255 : memref<128xi32, #tpu.memory_space<vmem>>) semaphore(%arg20 : memref<!tpu.dma_semaphore, #tpu.memory_space<semaphore_mem>>)
        } else {
        }
        %add3A_230 = arith.constant 2 : i32
        %add3A_231 = arith.addi %add3A_196, %add3A_230 : i32
        %lt3A_232 = arith.cmpi slt, %add3A_231, %select_n3A_118 : i32
        %convert_element_type3A_233 = arith.extui %lt3A_232 : i1 to i32
        %cond3A_234 = arith.constant 0 : i32
        %cond3A_235 = arith.cmpi ne, %convert_element_type3A_233, %cond3A_234 : i32
        scf.if %cond3A_235 {
          %dma_wait3A_236 = arith.constant 1 : i32
          %dma_wait3A_237 = arith.constant 0 : i32
          %dma_wait3A_238 = arith.constant 0 : i32
          %dma_wait3A_239 = tpu.memref_slice %arg17[%dma_wait3A_236, %dma_wait3A_237, %dma_wait3A_238] : memref<2x128x32xf32, #tpu.memory_space<vmem>> -> memref<1x128x32xf32, #tpu.memory_space<vmem>>
          %dma_wait3A_240 = tpu.memref_squeeze %dma_wait3A_239 : memref<1x128x32xf32, #tpu.memory_space<vmem>> -> memref<128x32xf32, #tpu.memory_space<vmem>>
          %dma_wait3A_241 = arith.constant 0 : i32
          %dma_wait3A_242 = tpu.memref_slice %arg16[%dma_wait3A_241] : memref<20880xi32, #tpu.memory_space<vmem>> -> memref<128xi32, #tpu.memory_space<vmem>>
          %dma_wait3A_243 = arith.constant 0 : i32
          %dma_wait3A_244 = arith.constant 0 : i32
          %dma_wait3A_245 = tpu.memref_slice %arg19[%dma_wait3A_243, %dma_wait3A_244] : memref<10112x32xf32, #tpu.memory_space<vmem_shared>> -> memref<10112x32xf32, #tpu.memory_space<vmem_shared>>
          tpu.wait_indirect_dma semaphore(%arg23 : memref<!tpu.dma_semaphore, #tpu.memory_space<semaphore_mem>>) src(%dma_wait3A_240 : memref<128x32xf32, #tpu.memory_space<vmem>>) dst(%dma_wait3A_245 : memref<10112x32xf32, #tpu.memory_space<vmem_shared>>)
          %add3A_246 = arith.constant 2 : i32
          %add3A_247 = arith.addi %add3A_196, %add3A_246 : i32
          %mul3A_248 = arith.constant 128 : i32
          %mul3A_249 = arith.muli %add3A_247, %mul3A_248 : i32
          %dma_start3A_250 = arith.constant 1 : i32
          %dma_start3A_251 = arith.constant 0 : i32
          %dma_start3A_252 = arith.constant 0 : i32
          %dma_start3A_253 = tpu.memref_slice %arg17[%dma_start3A_250, %dma_start3A_251, %dma_start3A_252] : memref<2x128x32xf32, #tpu.memory_space<vmem>> -> memref<1x128x32xf32, #tpu.memory_space<vmem>>
          %dma_start3A_254 = tpu.memref_squeeze %dma_start3A_253 : memref<1x128x32xf32, #tpu.memory_space<vmem>> -> memref<128x32xf32, #tpu.memory_space<vmem>>
          %dma_start3A_255 = tpu.memref_slice %arg15[%mul3A_249] : memref<20880xi32, #tpu.memory_space<vmem>> -> memref<128xi32, #tpu.memory_space<vmem>>
          %dma_start3A_256 = arith.constant 0 : i32
          %dma_start3A_257 = arith.constant 0 : i32
          %dma_start3A_258 = tpu.memref_slice %arg7[%select_n3A_133, %dma_start3A_256, %dma_start3A_257] : memref<2x20224x32xf32, #tpu.memory_space<hbm>> -> memref<1x20224x32xf32, #tpu.memory_space<hbm>>
          %dma_start3A_259 = tpu.memref_squeeze %dma_start3A_258 : memref<1x20224x32xf32, #tpu.memory_space<hbm>> -> memref<20224x32xf32, #tpu.memory_space<hbm>>
          %dma_start3A_260 = arith.constant 0 : i32
          %dma_start3A_261 = arith.constant 0 : i32
          %dma_start3A_262 = tpu.memref_slice %dma_start3A_259[%dma_start3A_260, %dma_start3A_261] : memref<20224x32xf32, #tpu.memory_space<hbm>> -> memref<20224x32xf32, #tpu.memory_space<hbm>>
          tpu.enqueue_indirect_dma source(%dma_start3A_262 : memref<20224x32xf32, #tpu.memory_space<hbm>>) target(%dma_start3A_254 : memref<128x32xf32, #tpu.memory_space<vmem>>) offsets(%dma_start3A_255 : memref<128xi32, #tpu.memory_space<vmem>>) semaphore(%arg21 : memref<!tpu.dma_semaphore, #tpu.memory_space<semaphore_mem>>)
        } else {
        }
      }
      %while3A_179 = arith.constant 1 : i32
      scf.for %while3A_191 = %while3A_177 to %while3A_173 step %while3A_179  : i32 {
        %mul3A_192 = arith.constant 2 : i32
        %mul3A_193 = arith.muli %mul3A_192, %while3A_191 : i32
        %add3A_194 = arith.addi %select_n3A_114, %mul3A_193 : i32
        %add3A_195 = arith.constant 1 : i32
        %add3A_196 = arith.addi %add3A_194, %add3A_195 : i32
        %dma_wait3A = arith.constant 0 : i32
        %dma_wait3A_197 = arith.constant 0 : i32
        %dma_wait3A_198 = arith.constant 0 : i32
        %dma_wait3A_199 = tpu.memref_slice %arg17[%dma_wait3A, %dma_wait3A_197, %dma_wait3A_198] : memref<2x128x32xf32, #tpu.memory_space<vmem>> -> memref<1x128x32xf32, #tpu.memory_space<vmem>>
        %dma_wait3A_200 = tpu.memref_squeeze %dma_wait3A_199 : memref<1x128x32xf32, #tpu.memory_space<vmem>> -> memref<128x32xf32, #tpu.memory_space<vmem>>
        %dma_wait3A_201 = arith.constant 0 : i32
        %dma_wait3A_202 = tpu.memref_slice %arg15[%dma_wait3A_201] : memref<20880xi32, #tpu.memory_space<vmem>> -> memref<128xi32, #tpu.memory_space<vmem>>
        %dma_wait3A_203 = arith.constant 0 : i32
        %dma_wait3A_204 = arith.constant 0 : i32
        %dma_wait3A_205 = tpu.memref_slice %arg7[%select_n3A_133, %dma_wait3A_203, %dma_wait3A_204] : memref<2x20224x32xf32, #tpu.memory_space<hbm>> -> memref<1x20224x32xf32, #tpu.memory_space<hbm>>
        %dma_wait3A_206 = tpu.memref_squeeze %dma_wait3A_205 : memref<1x20224x32xf32, #tpu.memory_space<hbm>> -> memref<20224x32xf32, #tpu.memory_space<hbm>>
        %dma_wait3A_207 = arith.constant 0 : i32
        %dma_wait3A_208 = arith.constant 0 : i32
        %dma_wait3A_209 = tpu.memref_slice %dma_wait3A_206[%dma_wait3A_207, %dma_wait3A_208] : memref<20224x32xf32, #tpu.memory_space<hbm>> -> memref<20224x32xf32, #tpu.memory_space<hbm>>
        tpu.wait_indirect_dma semaphore(%arg20 : memref<!tpu.dma_semaphore, #tpu.memory_space<semaphore_mem>>) src(%dma_wait3A_209 : memref<20224x32xf32, #tpu.memory_space<hbm>>) dst(%dma_wait3A_200 : memref<128x32xf32, #tpu.memory_space<vmem>>)
        %mul3A_210 = arith.constant 128 : i32
        %mul3A_211 = arith.muli %add3A_194, %mul3A_210 : i32
        %dma_start3A = arith.constant 0 : i32
        %dma_start3A_212 = arith.constant 0 : i32
        %dma_start3A_213 = arith.constant 0 : i32
        %dma_start3A_214 = tpu.memref_slice %arg17[%dma_start3A, %dma_start3A_212, %dma_start3A_213] : memref<2x128x32xf32, #tpu.memory_space<vmem>> -> memref<1x128x32xf32, #tpu.memory_space<vmem>>
        %dma_start3A_215 = tpu.memref_squeeze %dma_start3A_214 : memref<1x128x32xf32, #tpu.memory_space<vmem>> -> memref<128x32xf32, #tpu.memory_space<vmem>>
        %dma_start3A_216 = tpu.memref_slice %arg16[%mul3A_211] : memref<20880xi32, #tpu.memory_space<vmem>> -> memref<128xi32, #tpu.memory_space<vmem>>
        %dma_start3A_217 = arith.constant 0 : i32
        %dma_start3A_218 = arith.constant 0 : i32
        %dma_start3A_219 = tpu.memref_slice %arg19[%dma_start3A_217, %dma_start3A_218] : memref<10112x32xf32, #tpu.memory_space<vmem_shared>> -> memref<10112x32xf32, #tpu.memory_space<vmem_shared>>
        tpu.enqueue_indirect_dma source(%dma_start3A_215 : memref<128x32xf32, #tpu.memory_space<vmem>>) target(%dma_start3A_219 : memref<10112x32xf32, #tpu.memory_space<vmem_shared>>) offsets(%dma_start3A_216 : memref<128xi32, #tpu.memory_space<vmem>>) semaphore(%arg22 : memref<!tpu.dma_semaphore, #tpu.memory_space<semaphore_mem>>) {add = true}
        %lt3A_220 = arith.cmpi slt, %add3A_196, %select_n3A_118 : i32
        %convert_element_type3A_221 = arith.extui %lt3A_220 : i1 to i32
        %cond3A_222 = arith.constant 0 : i32
        %cond3A_223 = arith.cmpi ne, %convert_element_type3A_221, %cond3A_222 : i32
        scf.if %cond3A_223 {
          %dma_wait3A_236 = arith.constant 1 : i32
          %dma_wait3A_237 = arith.constant 0 : i32
          %dma_wait3A_238 = arith.constant 0 : i32
          %dma_wait3A_239 = tpu.memref_slice %arg17[%dma_wait3A_236, %dma_wait3A_237, %dma_wait3A_238] : memref<2x128x32xf32, #tpu.memory_space<vmem>> -> memref<1x128x32xf32, #tpu.memory_space<vmem>>
          %dma_wait3A_240 = tpu.memref_squeeze %dma_wait3A_239 : memref<1x128x32xf32, #tpu.memory_space<vmem>> -> memref<128x32xf32, #tpu.memory_space<vmem>>
          %dma_wait3A_241 = arith.constant 0 : i32
          %dma_wait3A_242 = tpu.memref_slice %arg15[%dma_wait3A_241] : memref<20880xi32, #tpu.memory_space<vmem>> -> memref<128xi32, #tpu.memory_space<vmem>>
          %dma_wait3A_243 = arith.constant 0 : i32
          %dma_wait3A_244 = arith.constant 0 : i32
          %dma_wait3A_245 = tpu.memref_slice %arg7[%select_n3A_133, %dma_wait3A_243, %dma_wait3A_244] : memref<2x20224x32xf32, #tpu.memory_space<hbm>> -> memref<1x20224x32xf32, #tpu.memory_space<hbm>>
          %dma_wait3A_246 = tpu.memref_squeeze %dma_wait3A_245 : memref<1x20224x32xf32, #tpu.memory_space<hbm>> -> memref<20224x32xf32, #tpu.memory_space<hbm>>
          %dma_wait3A_247 = arith.constant 0 : i32
          %dma_wait3A_248 = arith.constant 0 : i32
          %dma_wait3A_249 = tpu.memref_slice %dma_wait3A_246[%dma_wait3A_247, %dma_wait3A_248] : memref<20224x32xf32, #tpu.memory_space<hbm>> -> memref<20224x32xf32, #tpu.memory_space<hbm>>
          tpu.wait_indirect_dma semaphore(%arg21 : memref<!tpu.dma_semaphore, #tpu.memory_space<semaphore_mem>>) src(%dma_wait3A_249 : memref<20224x32xf32, #tpu.memory_space<hbm>>) dst(%dma_wait3A_240 : memref<128x32xf32, #tpu.memory_space<vmem>>)
          %mul3A_250 = arith.constant 128 : i32
          %mul3A_251 = arith.muli %add3A_196, %mul3A_250 : i32
          %dma_start3A_252 = arith.constant 1 : i32
          %dma_start3A_253 = arith.constant 0 : i32
          %dma_start3A_254 = arith.constant 0 : i32
          %dma_start3A_255 = tpu.memref_slice %arg17[%dma_start3A_252, %dma_start3A_253, %dma_start3A_254] : memref<2x128x32xf32, #tpu.memory_space<vmem>> -> memref<1x128x32xf32, #tpu.memory_space<vmem>>
          %dma_start3A_256 = tpu.memref_squeeze %dma_start3A_255 : memref<1x128x32xf32, #tpu.memory_space<vmem>> -> memref<128x32xf32, #tpu.memory_space<vmem>>
          %dma_start3A_257 = tpu.memref_slice %arg16[%mul3A_251] : memref<20880xi32, #tpu.memory_space<vmem>> -> memref<128xi32, #tpu.memory_space<vmem>>
          %dma_start3A_258 = arith.constant 0 : i32
          %dma_start3A_259 = arith.constant 0 : i32
          %dma_start3A_260 = tpu.memref_slice %arg19[%dma_start3A_258, %dma_start3A_259] : memref<10112x32xf32, #tpu.memory_space<vmem_shared>> -> memref<10112x32xf32, #tpu.memory_space<vmem_shared>>
          tpu.enqueue_indirect_dma source(%dma_start3A_256 : memref<128x32xf32, #tpu.memory_space<vmem>>) target(%dma_start3A_260 : memref<10112x32xf32, #tpu.memory_space<vmem_shared>>) offsets(%dma_start3A_257 : memref<128xi32, #tpu.memory_space<vmem>>) semaphore(%arg23 : memref<!tpu.dma_semaphore, #tpu.memory_space<semaphore_mem>>) {add = true}
        } else {
        }
        %add3A_224 = arith.constant 2 : i32
        %add3A_225 = arith.addi %add3A_194, %add3A_224 : i32
        %lt3A_226 = arith.cmpi slt, %add3A_225, %select_n3A_118 : i32
        %convert_element_type3A_227 = arith.extui %lt3A_226 : i1 to i32
        %cond3A_228 = arith.constant 0 : i32
        %cond3A_229 = arith.cmpi ne, %convert_element_type3A_227, %cond3A_228 : i32
        scf.if %cond3A_229 {
          %dma_wait3A_236 = arith.constant 0 : i32
          %dma_wait3A_237 = arith.constant 0 : i32
          %dma_wait3A_238 = arith.constant 0 : i32
          %dma_wait3A_239 = tpu.memref_slice %arg17[%dma_wait3A_236, %dma_wait3A_237, %dma_wait3A_238] : memref<2x128x32xf32, #tpu.memory_space<vmem>> -> memref<1x128x32xf32, #tpu.memory_space<vmem>>
          %dma_wait3A_240 = tpu.memref_squeeze %dma_wait3A_239 : memref<1x128x32xf32, #tpu.memory_space<vmem>> -> memref<128x32xf32, #tpu.memory_space<vmem>>
          %dma_wait3A_241 = arith.constant 0 : i32
          %dma_wait3A_242 = tpu.memref_slice %arg16[%dma_wait3A_241] : memref<20880xi32, #tpu.memory_space<vmem>> -> memref<128xi32, #tpu.memory_space<vmem>>
          %dma_wait3A_243 = arith.constant 0 : i32
          %dma_wait3A_244 = arith.constant 0 : i32
          %dma_wait3A_245 = tpu.memref_slice %arg19[%dma_wait3A_243, %dma_wait3A_244] : memref<10112x32xf32, #tpu.memory_space<vmem_shared>> -> memref<10112x32xf32, #tpu.memory_space<vmem_shared>>
          tpu.wait_indirect_dma semaphore(%arg22 : memref<!tpu.dma_semaphore, #tpu.memory_space<semaphore_mem>>) src(%dma_wait3A_240 : memref<128x32xf32, #tpu.memory_space<vmem>>) dst(%dma_wait3A_245 : memref<10112x32xf32, #tpu.memory_space<vmem_shared>>)
          %add3A_246 = arith.constant 2 : i32
          %add3A_247 = arith.addi %add3A_194, %add3A_246 : i32
          %mul3A_248 = arith.constant 128 : i32
          %mul3A_249 = arith.muli %add3A_247, %mul3A_248 : i32
          %dma_start3A_250 = arith.constant 0 : i32
          %dma_start3A_251 = arith.constant 0 : i32
          %dma_start3A_252 = arith.constant 0 : i32
          %dma_start3A_253 = tpu.memref_slice %arg17[%dma_start3A_250, %dma_start3A_251, %dma_start3A_252] : memref<2x128x32xf32, #tpu.memory_space<vmem>> -> memref<1x128x32xf32, #tpu.memory_space<vmem>>
          %dma_start3A_254 = tpu.memref_squeeze %dma_start3A_253 : memref<1x128x32xf32, #tpu.memory_space<vmem>> -> memref<128x32xf32, #tpu.memory_space<vmem>>
          %dma_start3A_255 = tpu.memref_slice %arg15[%mul3A_249] : memref<20880xi32, #tpu.memory_space<vmem>> -> memref<128xi32, #tpu.memory_space<vmem>>
          %dma_start3A_256 = arith.constant 0 : i32
          %dma_start3A_257 = arith.constant 0 : i32
          %dma_start3A_258 = tpu.memref_slice %arg7[%select_n3A_133, %dma_start3A_256, %dma_start3A_257] : memref<2x20224x32xf32, #tpu.memory_space<hbm>> -> memref<1x20224x32xf32, #tpu.memory_space<hbm>>
          %dma_start3A_259 = tpu.memref_squeeze %dma_start3A_258 : memref<1x20224x32xf32, #tpu.memory_space<hbm>> -> memref<20224x32xf32, #tpu.memory_space<hbm>>
          %dma_start3A_260 = arith.constant 0 : i32
          %dma_start3A_261 = arith.constant 0 : i32
          %dma_start3A_262 = tpu.memref_slice %dma_start3A_259[%dma_start3A_260, %dma_start3A_261] : memref<20224x32xf32, #tpu.memory_space<hbm>> -> memref<20224x32xf32, #tpu.memory_space<hbm>>
          tpu.enqueue_indirect_dma source(%dma_start3A_262 : memref<20224x32xf32, #tpu.memory_space<hbm>>) target(%dma_start3A_254 : memref<128x32xf32, #tpu.memory_space<vmem>>) offsets(%dma_start3A_255 : memref<128xi32, #tpu.memory_space<vmem>>) semaphore(%arg20 : memref<!tpu.dma_semaphore, #tpu.memory_space<semaphore_mem>>)
        } else {
        }
        %add3A_230 = arith.constant 2 : i32
        %add3A_231 = arith.addi %add3A_196, %add3A_230 : i32
        %lt3A_232 = arith.cmpi slt, %add3A_231, %select_n3A_118 : i32
        %convert_element_type3A_233 = arith.extui %lt3A_232 : i1 to i32
        %cond3A_234 = arith.constant 0 : i32
        %cond3A_235 = arith.cmpi ne, %convert_element_type3A_233, %cond3A_234 : i32
        scf.if %cond3A_235 {
          %dma_wait3A_236 = arith.constant 1 : i32
          %dma_wait3A_237 = arith.constant 0 : i32
          %dma_wait3A_238 = arith.constant 0 : i32
          %dma_wait3A_239 = tpu.memref_slice %arg17[%dma_wait3A_236, %dma_wait3A_237, %dma_wait3A_238] : memref<2x128x32xf32, #tpu.memory_space<vmem>> -> memref<1x128x32xf32, #tpu.memory_space<vmem>>
          %dma_wait3A_240 = tpu.memref_squeeze %dma_wait3A_239 : memref<1x128x32xf32, #tpu.memory_space<vmem>> -> memref<128x32xf32, #tpu.memory_space<vmem>>
          %dma_wait3A_241 = arith.constant 0 : i32
          %dma_wait3A_242 = tpu.memref_slice %arg16[%dma_wait3A_241] : memref<20880xi32, #tpu.memory_space<vmem>> -> memref<128xi32, #tpu.memory_space<vmem>>
          %dma_wait3A_243 = arith.constant 0 : i32
          %dma_wait3A_244 = arith.constant 0 : i32
          %dma_wait3A_245 = tpu.memref_slice %arg19[%dma_wait3A_243, %dma_wait3A_244] : memref<10112x32xf32, #tpu.memory_space<vmem_shared>> -> memref<10112x32xf32, #tpu.memory_space<vmem_shared>>
          tpu.wait_indirect_dma semaphore(%arg23 : memref<!tpu.dma_semaphore, #tpu.memory_space<semaphore_mem>>) src(%dma_wait3A_240 : memref<128x32xf32, #tpu.memory_space<vmem>>) dst(%dma_wait3A_245 : memref<10112x32xf32, #tpu.memory_space<vmem_shared>>)
          %add3A_246 = arith.constant 2 : i32
          %add3A_247 = arith.addi %add3A_196, %add3A_246 : i32
          %mul3A_248 = arith.constant 128 : i32
          %mul3A_249 = arith.muli %add3A_247, %mul3A_248 : i32
          %dma_start3A_250 = arith.constant 1 : i32
          %dma_start3A_251 = arith.constant 0 : i32
          %dma_start3A_252 = arith.constant 0 : i32
          %dma_start3A_253 = tpu.memref_slice %arg17[%dma_start3A_250, %dma_start3A_251, %dma_start3A_252] : memref<2x128x32xf32, #tpu.memory_space<vmem>> -> memref<1x128x32xf32, #tpu.memory_space<vmem>>
          %dma_start3A_254 = tpu.memref_squeeze %dma_start3A_253 : memref<1x128x32xf32, #tpu.memory_space<vmem>> -> memref<128x32xf32, #tpu.memory_space<vmem>>
          %dma_start3A_255 = tpu.memref_slice %arg15[%mul3A_249] : memref<20880xi32, #tpu.memory_space<vmem>> -> memref<128xi32, #tpu.memory_space<vmem>>
          %dma_start3A_256 = arith.constant 0 : i32
          %dma_start3A_257 = arith.constant 0 : i32
          %dma_start3A_258 = tpu.memref_slice %arg7[%select_n3A_133, %dma_start3A_256, %dma_start3A_257] : memref<2x20224x32xf32, #tpu.memory_space<hbm>> -> memref<1x20224x32xf32, #tpu.memory_space<hbm>>
          %dma_start3A_259 = tpu.memref_squeeze %dma_start3A_258 : memref<1x20224x32xf32, #tpu.memory_space<hbm>> -> memref<20224x32xf32, #tpu.memory_space<hbm>>
          %dma_start3A_260 = arith.constant 0 : i32
          %dma_start3A_261 = arith.constant 0 : i32
          %dma_start3A_262 = tpu.memref_slice %dma_start3A_259[%dma_start3A_260, %dma_start3A_261] : memref<20224x32xf32, #tpu.memory_space<hbm>> -> memref<20224x32xf32, #tpu.memory_space<hbm>>
          tpu.enqueue_indirect_dma source(%dma_start3A_262 : memref<20224x32xf32, #tpu.memory_space<hbm>>) target(%dma_start3A_254 : memref<128x32xf32, #tpu.memory_space<vmem>>) offsets(%dma_start3A_255 : memref<128xi32, #tpu.memory_space<vmem>>) semaphore(%arg21 : memref<!tpu.dma_semaphore, #tpu.memory_space<semaphore_mem>>)
        } else {
        }
      }
      %ge3A = arith.constant 2 : i32
      %ge3A_180 = arith.cmpi sge, %sub3A_134, %ge3A : i32
      %convert_element_type3A_181 = arith.extui %ge3A_180 : i1 to i32
      %cond3A_182 = arith.constant 0 : i32
      %cond3A_183 = arith.cmpi ne, %convert_element_type3A_181, %cond3A_182 : i32
      scf.if %cond3A_183 {
        %dma_wait3A = arith.constant 0 : i32
        %dma_wait3A_191 = arith.constant 0 : i32
        %dma_wait3A_192 = arith.constant 0 : i32
        %dma_wait3A_193 = tpu.memref_slice %arg17[%dma_wait3A, %dma_wait3A_191, %dma_wait3A_192] : memref<2x128x32xf32, #tpu.memory_space<vmem>> -> memref<1x128x32xf32, #tpu.memory_space<vmem>>
        %dma_wait3A_194 = tpu.memref_squeeze %dma_wait3A_193 : memref<1x128x32xf32, #tpu.memory_space<vmem>> -> memref<128x32xf32, #tpu.memory_space<vmem>>
        %dma_wait3A_195 = arith.constant 0 : i32
        %dma_wait3A_196 = tpu.memref_slice %arg16[%dma_wait3A_195] : memref<20880xi32, #tpu.memory_space<vmem>> -> memref<128xi32, #tpu.memory_space<vmem>>
        %dma_wait3A_197 = arith.constant 0 : i32
        %dma_wait3A_198 = arith.constant 0 : i32
        %dma_wait3A_199 = tpu.memref_slice %arg19[%dma_wait3A_197, %dma_wait3A_198] : memref<10112x32xf32, #tpu.memory_space<vmem_shared>> -> memref<10112x32xf32, #tpu.memory_space<vmem_shared>>
        tpu.wait_indirect_dma semaphore(%arg22 : memref<!tpu.dma_semaphore, #tpu.memory_space<semaphore_mem>>) src(%dma_wait3A_194 : memref<128x32xf32, #tpu.memory_space<vmem>>) dst(%dma_wait3A_199 : memref<10112x32xf32, #tpu.memory_space<vmem_shared>>)
        %dma_wait3A_200 = arith.constant 1 : i32
        %dma_wait3A_201 = arith.constant 0 : i32
        %dma_wait3A_202 = arith.constant 0 : i32
        %dma_wait3A_203 = tpu.memref_slice %arg17[%dma_wait3A_200, %dma_wait3A_201, %dma_wait3A_202] : memref<2x128x32xf32, #tpu.memory_space<vmem>> -> memref<1x128x32xf32, #tpu.memory_space<vmem>>
        %dma_wait3A_204 = tpu.memref_squeeze %dma_wait3A_203 : memref<1x128x32xf32, #tpu.memory_space<vmem>> -> memref<128x32xf32, #tpu.memory_space<vmem>>
        %dma_wait3A_205 = arith.constant 0 : i32
        %dma_wait3A_206 = tpu.memref_slice %arg16[%dma_wait3A_205] : memref<20880xi32, #tpu.memory_space<vmem>> -> memref<128xi32, #tpu.memory_space<vmem>>
        %dma_wait3A_207 = arith.constant 0 : i32
        %dma_wait3A_208 = arith.constant 0 : i32
        %dma_wait3A_209 = tpu.memref_slice %arg19[%dma_wait3A_207, %dma_wait3A_208] : memref<10112x32xf32, #tpu.memory_space<vmem_shared>> -> memref<10112x32xf32, #tpu.memory_space<vmem_shared>>
        tpu.wait_indirect_dma semaphore(%arg23 : memref<!tpu.dma_semaphore, #tpu.memory_space<semaphore_mem>>) src(%dma_wait3A_204 : memref<128x32xf32, #tpu.memory_space<vmem>>) dst(%dma_wait3A_209 : memref<10112x32xf32, #tpu.memory_space<vmem_shared>>)
      } else {
      }
      %eq3A_184 = arith.constant 1 : i32
      %eq3A_185 = arith.cmpi eq, %sub3A_134, %eq3A_184 : i32
      %convert_element_type3A_186 = arith.extui %eq3A_185 : i1 to i32
      %cond3A_187 = arith.constant 0 : i32
      %cond3A_188 = arith.cmpi ne, %convert_element_type3A_186, %cond3A_187 : i32
      scf.if %cond3A_188 {
        %dma_wait3A = arith.constant 0 : i32
        %dma_wait3A_191 = arith.constant 0 : i32
        %dma_wait3A_192 = arith.constant 0 : i32
        %dma_wait3A_193 = tpu.memref_slice %arg17[%dma_wait3A, %dma_wait3A_191, %dma_wait3A_192] : memref<2x128x32xf32, #tpu.memory_space<vmem>> -> memref<1x128x32xf32, #tpu.memory_space<vmem>>
        %dma_wait3A_194 = tpu.memref_squeeze %dma_wait3A_193 : memref<1x128x32xf32, #tpu.memory_space<vmem>> -> memref<128x32xf32, #tpu.memory_space<vmem>>
        %dma_wait3A_195 = arith.constant 0 : i32
        %dma_wait3A_196 = tpu.memref_slice %arg16[%dma_wait3A_195] : memref<20880xi32, #tpu.memory_space<vmem>> -> memref<128xi32, #tpu.memory_space<vmem>>
        %dma_wait3A_197 = arith.constant 0 : i32
        %dma_wait3A_198 = arith.constant 0 : i32
        %dma_wait3A_199 = tpu.memref_slice %arg19[%dma_wait3A_197, %dma_wait3A_198] : memref<10112x32xf32, #tpu.memory_space<vmem_shared>> -> memref<10112x32xf32, #tpu.memory_space<vmem_shared>>
        tpu.wait_indirect_dma semaphore(%arg22 : memref<!tpu.dma_semaphore, #tpu.memory_space<semaphore_mem>>) src(%dma_wait3A_194 : memref<128x32xf32, #tpu.memory_space<vmem>>) dst(%dma_wait3A_199 : memref<10112x32xf32, #tpu.memory_space<vmem_shared>>)
      } else {
      }
      %barrier3A_189 = arith.constant 0 : index
      tpu.barrier barrier_id(%barrier3A_189)
      "tpu.region"() ({
        %run_scoped3A = tpu.sem_alloc : memref<!tpu.dma_semaphore, #tpu.memory_space<semaphore_mem>>
        %dma_start3A = arith.constant 0 : i32
        %dma_start3A_191 = tpu.memref_slice %arg8[%scan3A_110, %mul3A_0, %dma_start3A] : memref<4x10112x32xf32, #tpu.memory_space<hbm>> -> memref<1x632x32xf32, #tpu.memory_space<hbm>>
        %dma_start3A_192 = tpu.memref_squeeze %dma_start3A_191 : memref<1x632x32xf32, #tpu.memory_space<hbm>> -> memref<632x32xf32, #tpu.memory_space<hbm>>
        %dma_start3A_193 = arith.constant 0 : i32
        %dma_start3A_194 = tpu.memref_slice %arg19[%mul3A_0, %dma_start3A_193] : memref<10112x32xf32, #tpu.memory_space<vmem_shared>> -> memref<632x32xf32, #tpu.memory_space<vmem_shared>>
        tpu.enqueue_dma source(%dma_start3A_194 : memref<632x32xf32, #tpu.memory_space<vmem_shared>>) target(%dma_start3A_192 : memref<632x32xf32, #tpu.memory_space<hbm>>) target_semaphore(%run_scoped3A : memref<!tpu.dma_semaphore, #tpu.memory_space<semaphore_mem>>)
        %dma_wait3A = arith.constant 0 : i32
        %dma_wait3A_195 = tpu.memref_slice %arg8[%scan3A_110, %mul3A_0, %dma_wait3A] : memref<4x10112x32xf32, #tpu.memory_space<hbm>> -> memref<1x632x32xf32, #tpu.memory_space<hbm>>
        %dma_wait3A_196 = tpu.memref_squeeze %dma_wait3A_195 : memref<1x632x32xf32, #tpu.memory_space<hbm>> -> memref<632x32xf32, #tpu.memory_space<hbm>>
        %dma_wait3A_197 = arith.constant 0 : i32
        %dma_wait3A_198 = tpu.memref_slice %arg19[%mul3A_0, %dma_wait3A_197] : memref<10112x32xf32, #tpu.memory_space<vmem_shared>> -> memref<632x32xf32, #tpu.memory_space<vmem_shared>>
        tpu.wait_dma2 semaphore(%run_scoped3A : memref<!tpu.dma_semaphore, #tpu.memory_space<semaphore_mem>>) src(%dma_wait3A_198 : memref<632x32xf32, #tpu.memory_space<vmem_shared>>) dst(%dma_wait3A_196 : memref<632x32xf32, #tpu.memory_space<hbm>>)
        tpu.yield
      }) : () -> ()
      "tpu.region"() ({
        %run_scoped3A = tpu.sem_alloc : memref<!tpu.dma_semaphore, #tpu.memory_space<semaphore_mem>>
        %dma_start3A = arith.constant 0 : i32
        %dma_start3A_191 = tpu.memref_slice %arg19[%mul3A_0, %dma_start3A] : memref<10112x32xf32, #tpu.memory_space<vmem_shared>> -> memref<632x32xf32, #tpu.memory_space<vmem_shared>>
        tpu.enqueue_dma source(%arg6 : memref<632x32xf32, #tpu.memory_space<hbm>>) target(%dma_start3A_191 : memref<632x32xf32, #tpu.memory_space<vmem_shared>>) target_semaphore(%run_scoped3A : memref<!tpu.dma_semaphore, #tpu.memory_space<semaphore_mem>>)
        %dma_wait3A = arith.constant 0 : i32
        %dma_wait3A_192 = tpu.memref_slice %arg19[%mul3A_0, %dma_wait3A] : memref<10112x32xf32, #tpu.memory_space<vmem_shared>> -> memref<632x32xf32, #tpu.memory_space<vmem_shared>>
        tpu.wait_dma2 semaphore(%run_scoped3A : memref<!tpu.dma_semaphore, #tpu.memory_space<semaphore_mem>>) src(%arg6 : memref<632x32xf32, #tpu.memory_space<hbm>>) dst(%dma_wait3A_192 : memref<632x32xf32, #tpu.memory_space<vmem_shared>>)
        tpu.yield
      }) : () -> ()
      %barrier3A_190 = arith.constant 0 : index
      tpu.barrier barrier_id(%barrier3A_190)
    }
    %scan3A_100 = arith.constant 4 : i32
    %scan3A_101 = arith.constant 0 : i32
    %scan3A_102 = arith.constant 0 : i32
    %scan3A_103 = arith.constant 5 : i32
    %scan3A_104 = arith.addi %scan3A_102, %scan3A_103 : i32
    %scan3A_105 = arith.constant 1 : i32
    scf.for %scan3A_110 = %scan3A_102 to %scan3A_104 step %scan3A_105  : i32 {
      %mul3A_111 = arith.constant 128 : i32
      %mul3A_112 = arith.muli %scan3A_110, %mul3A_111 : i32
      %mul3A_113 = arith.constant 128 : i32
      %mul3A_114 = arith.muli %scan3A_110, %mul3A_113 : i32
      "tpu.region"() ({
        %run_scoped3A = tpu.sem_alloc : memref<!tpu.dma_semaphore, #tpu.memory_space<semaphore_mem>>
        %dma_start3A = arith.constant 0 : i32
        %dma_start3A_115 = tpu.memref_slice %arg14[%mul3A_112, %dma_start3A] : memref<640x32xf32, #tpu.memory_space<vmem>> -> memref<128x32xf32, #tpu.memory_space<vmem>>
        %dma_start3A_116 = tpu.memref_slice %arg18[%mul3A_114] : memref<640xi32, #tpu.memory_space<vmem>> -> memref<128xi32, #tpu.memory_space<vmem>>
        %dma_start3A_117 = arith.constant 0 : i32
        %dma_start3A_118 = arith.constant 0 : i32
        %dma_start3A_119 = tpu.memref_slice %arg19[%dma_start3A_117, %dma_start3A_118] : memref<10112x32xf32, #tpu.memory_space<vmem_shared>> -> memref<10112x32xf32, #tpu.memory_space<vmem_shared>>
        tpu.enqueue_indirect_dma source(%dma_start3A_115 : memref<128x32xf32, #tpu.memory_space<vmem>>) target(%dma_start3A_119 : memref<10112x32xf32, #tpu.memory_space<vmem_shared>>) offsets(%dma_start3A_116 : memref<128xi32, #tpu.memory_space<vmem>>) semaphore(%run_scoped3A : memref<!tpu.dma_semaphore, #tpu.memory_space<semaphore_mem>>) {add = true}
        %dma_wait3A = arith.constant 0 : i32
        %dma_wait3A_120 = tpu.memref_slice %arg14[%mul3A_112, %dma_wait3A] : memref<640x32xf32, #tpu.memory_space<vmem>> -> memref<128x32xf32, #tpu.memory_space<vmem>>
        %dma_wait3A_121 = tpu.memref_slice %arg18[%mul3A_114] : memref<640xi32, #tpu.memory_space<vmem>> -> memref<128xi32, #tpu.memory_space<vmem>>
        %dma_wait3A_122 = arith.constant 0 : i32
        %dma_wait3A_123 = arith.constant 0 : i32
        %dma_wait3A_124 = tpu.memref_slice %arg19[%dma_wait3A_122, %dma_wait3A_123] : memref<10112x32xf32, #tpu.memory_space<vmem_shared>> -> memref<10112x32xf32, #tpu.memory_space<vmem_shared>>
        tpu.wait_indirect_dma semaphore(%run_scoped3A : memref<!tpu.dma_semaphore, #tpu.memory_space<semaphore_mem>>) src(%dma_wait3A_120 : memref<128x32xf32, #tpu.memory_space<vmem>>) dst(%dma_wait3A_124 : memref<10112x32xf32, #tpu.memory_space<vmem_shared>>)
        tpu.yield
      }) : () -> ()
    }
    %scan3A_106 = arith.constant 5 : i32
    %barrier3A_107 = arith.constant 0 : index
    tpu.barrier barrier_id(%barrier3A_107)
    %lt3A = arith.constant 8 : i32
    %lt3A_108 = arith.cmpi slt, %arg1, %lt3A : i32
    %convert_element_type3A = arith.extui %lt3A_108 : i1 to i32
    %cond3A = arith.constant 0 : i32
    %cond3A_109 = arith.cmpi ne, %convert_element_type3A, %cond3A : i32
    scf.if %cond3A_109 {
      %mul3A_110 = arith.constant 79 : i32
      %mul3A_111 = arith.muli %arg1, %mul3A_110 : i32
      %mul3A_112 = arith.constant 79 : i32
      %mul3A_113 = arith.muli %arg1, %mul3A_112 : i32
      "tpu.region"() ({
        %run_scoped3A = tpu.sem_alloc : memref<!tpu.dma_semaphore, #tpu.memory_space<semaphore_mem>>
        %dma_start3A = arith.constant 0 : i32
        %dma_start3A_114 = tpu.memref_slice %arg9[%mul3A_113, %dma_start3A] : memref<632x32xf32, #tpu.memory_space<hbm>> -> memref<79x32xf32, #tpu.memory_space<hbm>>
        %dma_start3A_115 = arith.constant 0 : i32
        %dma_start3A_116 = tpu.memref_slice %arg19[%mul3A_111, %dma_start3A_115] : memref<10112x32xf32, #tpu.memory_space<vmem_shared>> -> memref<79x32xf32, #tpu.memory_space<vmem_shared>>
        tpu.enqueue_dma source(%dma_start3A_116 : memref<79x32xf32, #tpu.memory_space<vmem_shared>>) target(%dma_start3A_114 : memref<79x32xf32, #tpu.memory_space<hbm>>) target_semaphore(%run_scoped3A : memref<!tpu.dma_semaphore, #tpu.memory_space<semaphore_mem>>)
        %dma_wait3A = arith.constant 0 : i32
        %dma_wait3A_117 = tpu.memref_slice %arg9[%mul3A_113, %dma_wait3A] : memref<632x32xf32, #tpu.memory_space<hbm>> -> memref<79x32xf32, #tpu.memory_space<hbm>>
        %dma_wait3A_118 = arith.constant 0 : i32
        %dma_wait3A_119 = tpu.memref_slice %arg19[%mul3A_111, %dma_wait3A_118] : memref<10112x32xf32, #tpu.memory_space<vmem_shared>> -> memref<79x32xf32, #tpu.memory_space<vmem_shared>>
        tpu.wait_dma2 semaphore(%run_scoped3A : memref<!tpu.dma_semaphore, #tpu.memory_space<semaphore_mem>>) src(%dma_wait3A_119 : memref<79x32xf32, #tpu.memory_space<vmem_shared>>) dst(%dma_wait3A_117 : memref<79x32xf32, #tpu.memory_space<hbm>>)
        tpu.yield
      }) : () -> ()
    } else {
    }
    return
  }
}

#map = affine_map<(d0, d1) -> (0)>
#map1 = affine_map<(d0, d1) -> (0, 0)>
#map2 = affine_map<(d0, d1) -> (0, 0, 0)>
module attributes {stable_mosaic.version = 14 : i64} {
  func.func @_edge_body(%arg0: i32, %arg1: i32, %arg2: memref<331776xi32, #tpu.memory_space<hbm>>, %arg3: memref<331776xi32, #tpu.memory_space<hbm>>, %arg4: memref<10128xf32, #tpu.memory_space<hbm>>, %arg5: memref<10112xf32, #tpu.memory_space<hbm>>, %arg6: memref<632x32xf32, #tpu.memory_space<hbm>>, %arg7: memref<2x20224x32xf32, #tpu.memory_space<hbm>>, %arg8: memref<4x10112x32xf32, #tpu.memory_space<hbm>>, %arg9: memref<632x32xf32, #tpu.memory_space<hbm>>, %arg10: memref<2592xi32, #tpu.memory_space<vmem>>, %arg11: memref<2592xi32, #tpu.memory_space<vmem>>, %arg12: memref<10128xf32, #tpu.memory_space<vmem>>, %arg13: memref<10112xf32, #tpu.memory_space<vmem>>, %arg14: memref<640x32xf32, #tpu.memory_space<vmem>>, %arg15: memref<20880xi32, #tpu.memory_space<vmem>>, %arg16: memref<20880xi32, #tpu.memory_space<vmem>>, %arg17: memref<2x128x32xf32, #tpu.memory_space<vmem>>, %arg18: memref<640xi32, #tpu.memory_space<vmem>>, %arg19: memref<10112x32xf32, #tpu.memory_space<vmem_shared>>, %arg20: memref<!tpu.dma_semaphore, #tpu.memory_space<semaphore_mem>>, %arg21: memref<!tpu.dma_semaphore, #tpu.memory_space<semaphore_mem>>, %arg22: memref<!tpu.dma_semaphore, #tpu.memory_space<semaphore_mem>>, %arg23: memref<!tpu.dma_semaphore, #tpu.memory_space<semaphore_mem>>) attributes {dimension_semantics = [#tpu.dimension_semantics<core_parallel>, #tpu.dimension_semantics<subcore_parallel>], iteration_bounds = array<i64: 1, 16>, scalar_prefetch = 0 : i64, scratch_operands = 14 : i64, tpu.core_type = #tpu.core_type<sc_vector_subcore>, window_params = [{transform_indices = #map}, {transform_indices = #map}, {transform_indices = #map}, {transform_indices = #map}, {transform_indices = #map1}, {transform_indices = #map2}, {transform_indices = #map2}, {transform_indices = #map1}]} {
    "tpu.region"() ({
      %run_scoped3A = tpu.sem_alloc : memref<!tpu.dma_semaphore, #tpu.memory_space<semaphore_mem>>
      tpu.enqueue_dma source(%arg4 : memref<10128xf32, #tpu.memory_space<hbm>>) target(%arg12 : memref<10128xf32, #tpu.memory_space<vmem>>) target_semaphore(%run_scoped3A : memref<!tpu.dma_semaphore, #tpu.memory_space<semaphore_mem>>)
      tpu.wait_dma2 semaphore(%run_scoped3A : memref<!tpu.dma_semaphore, #tpu.memory_space<semaphore_mem>>) src(%arg4 : memref<10128xf32, #tpu.memory_space<hbm>>) dst(%arg12 : memref<10128xf32, #tpu.memory_space<vmem>>)
      tpu.yield
    }) : () -> ()
    "tpu.region"() ({
      %run_scoped3A = tpu.sem_alloc : memref<!tpu.dma_semaphore, #tpu.memory_space<semaphore_mem>>
      tpu.enqueue_dma source(%arg5 : memref<10112xf32, #tpu.memory_space<hbm>>) target(%arg13 : memref<10112xf32, #tpu.memory_space<vmem>>) target_semaphore(%run_scoped3A : memref<!tpu.dma_semaphore, #tpu.memory_space<semaphore_mem>>)
      tpu.wait_dma2 semaphore(%run_scoped3A : memref<!tpu.dma_semaphore, #tpu.memory_space<semaphore_mem>>) src(%arg5 : memref<10112xf32, #tpu.memory_space<hbm>>) dst(%arg13 : memref<10112xf32, #tpu.memory_space<vmem>>)
      tpu.yield
    }) : () -> ()
    %mul3A = arith.constant 632 : i32
    %mul3A_0 = arith.muli %arg1, %mul3A : i32
    %mul3A_1 = arith.constant 1264 : i32
    %mul3A_2 = arith.muli %arg1, %mul3A_1 : i32
    "tpu.region"() ({
      %run_scoped3A = tpu.sem_alloc : memref<!tpu.dma_semaphore, #tpu.memory_space<semaphore_mem>>
      %dma_start3A = arith.constant 0 : i32
      %dma_start3A_110 = tpu.memref_slice %arg19[%mul3A_0, %dma_start3A] : memref<10112x32xf32, #tpu.memory_space<vmem_shared>> -> memref<632x32xf32, #tpu.memory_space<vmem_shared>>
      tpu.enqueue_dma source(%arg6 : memref<632x32xf32, #tpu.memory_space<hbm>>) target(%dma_start3A_110 : memref<632x32xf32, #tpu.memory_space<vmem_shared>>) target_semaphore(%run_scoped3A : memref<!tpu.dma_semaphore, #tpu.memory_space<semaphore_mem>>)
      %dma_wait3A = arith.constant 0 : i32
      %dma_wait3A_111 = tpu.memref_slice %arg19[%mul3A_0, %dma_wait3A] : memref<10112x32xf32, #tpu.memory_space<vmem_shared>> -> memref<632x32xf32, #tpu.memory_space<vmem_shared>>
      tpu.wait_dma2 semaphore(%run_scoped3A : memref<!tpu.dma_semaphore, #tpu.memory_space<semaphore_mem>>) src(%arg6 : memref<632x32xf32, #tpu.memory_space<hbm>>) dst(%dma_wait3A_111 : memref<632x32xf32, #tpu.memory_space<vmem_shared>>)
      tpu.yield
    }) : () -> ()
    %broadcast_in_dim3A = arith.constant 0.000000e+00 : f32
    %broadcast_in_dim3A_3 = vector.broadcast %broadcast_in_dim3A : f32 to vector<16xf32>
    %scan3A = arith.constant 0 : i32
    %scan3A_4 = arith.constant 0 : i32
    %scan3A_5 = arith.constant 1280 : i32
    %scan3A_6 = arith.addi %scan3A_4, %scan3A_5 : i32
    %scan3A_7 = arith.constant 1 : i32
    scf.for %scan3A_110 = %scan3A_4 to %scan3A_6 step %scan3A_7  : i32 {
      %jit3A_111 = arith.constant 2 : i32
      %div3A_112 = arith.divsi %scan3A_110, %jit3A_111 : i32
      %sign3A_113 = arith.constant 0 : i32
      %sign3A_114 = arith.cmpi sgt, %scan3A_110, %sign3A_113 : i32
      %sign3A_115 = arith.extui %sign3A_114 : i1 to i32
      %sign3A_116 = arith.constant 0 : i32
      %sign3A_117 = arith.cmpi slt, %scan3A_110, %sign3A_116 : i32
      %sign3A_118 = arith.extui %sign3A_117 : i1 to i32
      %sign3A_119 = arith.subi %sign3A_115, %sign3A_118 : i32
      %sign3A_120 = arith.constant 0 : i32
      %sign3A_121 = arith.cmpi sgt, %jit3A_111, %sign3A_120 : i32
      %sign3A_122 = arith.extui %sign3A_121 : i1 to i32
      %sign3A_123 = arith.constant 0 : i32
      %sign3A_124 = arith.cmpi slt, %jit3A_111, %sign3A_123 : i32
      %sign3A_125 = arith.extui %sign3A_124 : i1 to i32
      %sign3A_126 = arith.subi %sign3A_122, %sign3A_125 : i32
      %ne3A_127 = arith.cmpi ne, %sign3A_119, %sign3A_126 : i32
      %rem3A_128 = arith.remsi %scan3A_110, %jit3A_111 : i32
      %ne3A_129 = arith.constant 0 : i32
      %ne3A_130 = arith.cmpi ne, %rem3A_128, %ne3A_129 : i32
      %and3A_131 = arith.andi %ne3A_127, %ne3A_130 : i1
      %sub3A_132 = arith.constant 1 : i32
      %sub3A_133 = arith.subi %div3A_112, %sub3A_132 : i32
      %select_n3A_134 = arith.select %and3A_131, %sub3A_133, %div3A_112 : i32
      %jit3A_135 = arith.constant 2 : i32
      %eq3A = arith.constant 0 : i32
      %eq3A_136 = arith.cmpi eq, %jit3A_135, %eq3A : i32
      %jit3A_137 = arith.constant 1 : i32
      %select_n3A_138 = arith.select %eq3A_136, %jit3A_137, %jit3A_135 : i32
      %rem3A_139 = arith.remsi %scan3A_110, %select_n3A_138 : i32
      %ne3A_140 = arith.constant 0 : i32
      %ne3A_141 = arith.cmpi ne, %rem3A_139, %ne3A_140 : i32
      %lt3A_142 = arith.constant 0 : i32
      %lt3A_143 = arith.cmpi slt, %rem3A_139, %lt3A_142 : i32
      %lt3A_144 = arith.constant 0 : i32
      %lt3A_145 = arith.cmpi slt, %select_n3A_138, %lt3A_144 : i32
      %ne3A_146 = arith.xori %lt3A_143, %lt3A_145 : i1
      %and3A_147 = arith.andi %ne3A_146, %ne3A_141 : i1
      %add3A_148 = arith.addi %rem3A_139, %select_n3A_138 : i32
      %select_n3A_149 = arith.select %and3A_147, %add3A_148, %rem3A_139 : i32
      %mul3A_150 = arith.constant 16 : i32
      %mul3A_151 = arith.muli %select_n3A_149, %mul3A_150 : i32
      %swap3A = arith.index_cast %select_n3A_134 : i32 to index
      %swap3A_152 = arith.index_cast %mul3A_151 : i32 to index
      %swap3A_153 = tpu.vector_load %arg14[%swap3A, %swap3A_152] {strides = array<i32>} : memref<640x32xf32, #tpu.memory_space<vmem>>, vector<16xf32>,
      tpu.vector_store %arg14[%swap3A, %swap3A_152], %broadcast_in_dim3A_3 {strides = array<i32>} : memref<640x32xf32, #tpu.memory_space<vmem>>, vector<16xf32>,
    }
    %scan3A_8 = arith.constant 1280 : i32
    %barrier3A = arith.constant 0 : index
    tpu.barrier barrier_id(%barrier3A)
    %get3A = arith.constant 10112 : index
    %get3A_9 = tpu.vector_load %arg12[%get3A] {strides = array<i32>} : memref<10128xf32, #tpu.memory_space<vmem>>, vector<16xf32>,
    %broadcast_in_dim3A_10 = arith.constant 0 : i32
    %broadcast_in_dim3A_11 = vector.broadcast %broadcast_in_dim3A_10 : i32 to vector<16xi32>
    %broadcast_in_dim3A_12 = arith.constant 10112 : i32
    %broadcast_in_dim3A_13 = vector.broadcast %broadcast_in_dim3A_12 : i32 to vector<16xi32>
    %broadcast_in_dim3A_14 = arith.constant 1.000000e+00 : f32
    %broadcast_in_dim3A_15 = vector.broadcast %broadcast_in_dim3A_14 : f32 to vector<16xf32>
    %broadcast_in_dim3A_16 = arith.constant 2.000000e-01 : f32
    %broadcast_in_dim3A_17 = vector.broadcast %broadcast_in_dim3A_16 : f32 to vector<16xf32>
    %mul3A_18 = arith.constant 20736 : i32
    %mul3A_19 = arith.muli %arg1, %mul3A_18 : i32
    %scan3A_20 = arith.constant 0 : i32
    %scan3A_21 = arith.constant 20864 : i32
    %scan3A_22 = arith.constant 0 : i32
    %scan3A_23 = arith.constant 8 : i32
    %scan3A_24 = arith.addi %scan3A_22, %scan3A_23 : i32
    %scan3A_25 = arith.constant 1 : i32
    %scan3A_26:2 = scf.for %scan3A_110 = %scan3A_22 to %scan3A_24 step %scan3A_25 iter_args(%scan3A_111 = %scan3A_20, %scan3A_112 = %scan3A_21) -> (i32, i32)  : i32 {
      %mul3A_113 = arith.constant 2592 : i32
      %mul3A_114 = arith.muli %scan3A_110, %mul3A_113 : i32
      %add3A_115 = arith.addi %mul3A_19, %mul3A_114 : i32
      "tpu.region"() ({
        %run_scoped3A = tpu.sem_alloc : memref<!tpu.dma_semaphore, #tpu.memory_space<semaphore_mem>>
        %dma_start3A = tpu.memref_slice %arg2[%add3A_115] : memref<331776xi32, #tpu.memory_space<hbm>> -> memref<2592xi32, #tpu.memory_space<hbm>>
        %dma_start3A_125 = tpu.memref_slice %arg2[%add3A_115] : memref<331776xi32, #tpu.memory_space<hbm>> -> memref<2592xi32, #tpu.memory_space<hbm>>
        tpu.enqueue_dma source(%dma_start3A_125 : memref<2592xi32, #tpu.memory_space<hbm>>) target(%arg10 : memref<2592xi32, #tpu.memory_space<vmem>>) target_semaphore(%run_scoped3A : memref<!tpu.dma_semaphore, #tpu.memory_space<semaphore_mem>>)
        %dma_wait3A = tpu.memref_slice %arg2[%add3A_115] : memref<331776xi32, #tpu.memory_space<hbm>> -> memref<2592xi32, #tpu.memory_space<hbm>>
        %dma_wait3A_126 = tpu.memref_slice %arg2[%add3A_115] : memref<331776xi32, #tpu.memory_space<hbm>> -> memref<2592xi32, #tpu.memory_space<hbm>>
        tpu.wait_dma2 semaphore(%run_scoped3A : memref<!tpu.dma_semaphore, #tpu.memory_space<semaphore_mem>>) src(%dma_wait3A_126 : memref<2592xi32, #tpu.memory_space<hbm>>) dst(%arg10 : memref<2592xi32, #tpu.memory_space<vmem>>)
        tpu.yield
      }) : () -> ()
      %mul3A_116 = arith.constant 2592 : i32
      %mul3A_117 = arith.muli %scan3A_110, %mul3A_116 : i32
      %add3A_118 = arith.addi %mul3A_19, %mul3A_117 : i32
      "tpu.region"() ({
        %run_scoped3A = tpu.sem_alloc : memref<!tpu.dma_semaphore, #tpu.memory_space<semaphore_mem>>
        %dma_start3A = tpu.memref_slice %arg3[%add3A_118] : memref<331776xi32, #tpu.memory_space<hbm>> -> memref<2592xi32, #tpu.memory_space<hbm>>
        %dma_start3A_125 = tpu.memref_slice %arg3[%add3A_118] : memref<331776xi32, #tpu.memory_space<hbm>> -> memref<2592xi32, #tpu.memory_space<hbm>>
        tpu.enqueue_dma source(%dma_start3A_125 : memref<2592xi32, #tpu.memory_space<hbm>>) target(%arg11 : memref<2592xi32, #tpu.memory_space<vmem>>) target_semaphore(%run_scoped3A : memref<!tpu.dma_semaphore, #tpu.memory_space<semaphore_mem>>)
        %dma_wait3A = tpu.memref_slice %arg3[%add3A_118] : memref<331776xi32, #tpu.memory_space<hbm>> -> memref<2592xi32, #tpu.memory_space<hbm>>
        %dma_wait3A_126 = tpu.memref_slice %arg3[%add3A_118] : memref<331776xi32, #tpu.memory_space<hbm>> -> memref<2592xi32, #tpu.memory_space<hbm>>
        tpu.wait_dma2 semaphore(%run_scoped3A : memref<!tpu.dma_semaphore, #tpu.memory_space<semaphore_mem>>) src(%dma_wait3A_126 : memref<2592xi32, #tpu.memory_space<hbm>>) dst(%arg11 : memref<2592xi32, #tpu.memory_space<vmem>>)
        tpu.yield
      }) : () -> ()
      %scan3A_119 = arith.constant 0 : i32
      %scan3A_120 = arith.constant 162 : i32
      %scan3A_121 = arith.addi %scan3A_119, %scan3A_120 : i32
      %scan3A_122 = arith.constant 1 : i32
      %scan3A_123:2 = scf.for %scan3A_125 = %scan3A_119 to %scan3A_121 step %scan3A_122 iter_args(%scan3A_126 = %scan3A_111, %scan3A_127 = %scan3A_112) -> (i32, i32)  : i32 {
        %mul3A_128 = arith.constant 16 : i32
        %mul3A_129 = arith.muli %scan3A_125, %mul3A_128 : i32
        %get3A_130 = arith.index_cast %mul3A_129 : i32 to index
        %get3A_131 = tpu.vector_load %arg10[%get3A_130] {strides = array<i32>} : memref<2592xi32, #tpu.memory_space<vmem>>, vector<16xi32>,
        %mul3A_132 = arith.constant 16 : i32
        %mul3A_133 = arith.muli %scan3A_125, %mul3A_132 : i32
        %get3A_134 = arith.index_cast %mul3A_133 : i32 to index
        %get3A_135 = tpu.vector_load %arg11[%get3A_134] {strides = array<i32>} : memref<2592xi32, #tpu.memory_space<vmem>>, vector<16xi32>,
        %gather3A = tpu.vector_load_idx %arg12[%get3A_131] : memref<10128xf32, #tpu.memory_space<vmem>>[vector<16xi32>], vector<16xf32>,
        %gather3A_136 = tpu.vector_load_idx %arg13[%get3A_135] : memref<10112xf32, #tpu.memory_space<vmem>>[vector<16xi32>], vector<16xf32>,
        %add3A_137 = arith.addf %gather3A, %gather3A_136 : vector<16xf32>
        %gt3A = arith.constant 0.000000e+00 : f32
        %gt3A_138 = vector.broadcast %gt3A : f32 to vector<16xf32>
        %gt3A_139 = arith.cmpf ogt, %add3A_137, %gt3A_138 : vector<16xf32>
        %select_n3A_140 = arith.select %gt3A_139, %broadcast_in_dim3A_11, %broadcast_in_dim3A_13 : vector<16xi1>, vector<16xi32>
        %select_n3A_141 = arith.select %gt3A_139, %broadcast_in_dim3A_15, %broadcast_in_dim3A_17 : vector<16xi1>, vector<16xf32>
        %sub3A_142 = arith.subf %gather3A, %get3A_9 : vector<16xf32>
        %mul3A_143 = arith.mulf %select_n3A_141, %sub3A_142 : vector<16xf32>
        %exp3A = math.exp %mul3A_143 : vector<16xf32>
        %add3A_144 = arith.addi %get3A_135, %select_n3A_140 : vector<16xi32>
        %shift_right_logical3A = arith.constant 5 : i32
        %shift_right_logical3A_145 = vector.broadcast %shift_right_logical3A : i32 to vector<16xi32>
        %shift_right_logical3A_146 = arith.shrui %add3A_144, %shift_right_logical3A_145 : vector<16xi32>
        %broadcast_in_dim3A_147 = arith.constant 31 : i32
        %broadcast_in_dim3A_148 = vector.broadcast %broadcast_in_dim3A_147 : i32 to vector<16xi32>
        %and3A_149 = arith.andi %add3A_144, %broadcast_in_dim3A_148 : vector<16xi32>
        tpu.vector_store_idx %arg14[%shift_right_logical3A_146, %and3A_149], %exp3A {add = true} : memref<640x32xf32, #tpu.memory_space<vmem>>[vector<16xi32>, vector<16xi32>], vector<16xf32>,
        %add3A_150 = arith.addi %get3A_131, %select_n3A_140 : vector<16xi32>
        %all_reduce_population_count3A = tpu.all_reduce %gt3A_139 {dim = 0 : i64, kind = #tpu.reduction_kind<sum>} : vector<16xi1> -> vector<16xi32>
        %slice3A = vector.extract_strided_slice %all_reduce_population_count3A {offsets = [0], sizes = [1], strides = [1]} : vector<16xi32> to vector<1xi32>
        %squeeze3A = vector.extract %slice3A[0] : i32 from vector<1xi32>
        %sub3A_151 = arith.constant 16 : i32
        %sub3A_152 = arith.subi %sub3A_151, %squeeze3A : i32
        %swap3A = arith.index_cast %scan3A_126 : i32 to index
        %swap3A_153 = tpu.vector_load %arg15[%swap3A] masked %gt3A_139 {strides = array<i32>} : memref<20880xi32, #tpu.memory_space<vmem>>, vector<16xi32>, vector<16xi1>
        tpu.vector_store %arg15[%swap3A], %add3A_150 masked %gt3A_139 {strides = array<i32>} : memref<20880xi32, #tpu.memory_space<vmem>>, vector<16xi32>, vector<16xi1>
        %swap3A_154 = arith.index_cast %scan3A_126 : i32 to index
        %swap3A_155 = tpu.vector_load %arg16[%swap3A_154] masked %gt3A_139 {strides = array<i32>} : memref<20880xi32, #tpu.memory_space<vmem>>, vector<16xi32>, vector<16xi1>
        tpu.vector_store %arg16[%swap3A_154], %get3A_135 masked %gt3A_139 {strides = array<i32>} : memref<20880xi32, #tpu.memory_space<vmem>>, vector<16xi32>, vector<16xi1>
        %not3A = arith.constant dense<true> : vector<16xi1>
        %not3A_156 = arith.xori %gt3A_139, %not3A : vector<16xi1>
        %sub3A_157 = arith.subi %scan3A_127, %sub3A_152 : i32
        %swap3A_158 = arith.index_cast %sub3A_157 : i32 to index
        %swap3A_159 = tpu.vector_load %arg15[%swap3A_158] masked %not3A_156 {strides = array<i32>} : memref<20880xi32, #tpu.memory_space<vmem>>, vector<16xi32>, vector<16xi1>
        tpu.vector_store %arg15[%swap3A_158], %add3A_150 masked %not3A_156 {strides = array<i32>} : memref<20880xi32, #tpu.memory_space<vmem>>, vector<16xi32>, vector<16xi1>
        %sub3A_160 = arith.subi %scan3A_127, %sub3A_152 : i32
        %swap3A_161 = arith.index_cast %sub3A_160 : i32 to index
        %swap3A_162 = tpu.vector_load %arg16[%swap3A_161] masked %not3A_156 {strides = array<i32>} : memref<20880xi32, #tpu.memory_space<vmem>>, vector<16xi32>, vector<16xi1>
        tpu.vector_store %arg16[%swap3A_161], %get3A_135 masked %not3A_156 {strides = array<i32>} : memref<20880xi32, #tpu.memory_space<vmem>>, vector<16xi32>, vector<16xi1>
        %add3A_163 = arith.addi %scan3A_126, %squeeze3A : i32
        %sub3A_164 = arith.subi %scan3A_127, %sub3A_152 : i32
        scf.yield %add3A_163, %sub3A_164 : i32, i32
      }
      %scan3A_124 = arith.constant 162 : i32
      scf.yield %scan3A_123#0, %scan3A_123#1 : i32, i32
    }
    %scan3A_27 = arith.constant 8 : i32
    %broadcast_in_dim3A_28 = arith.constant 10000 : i32
    %broadcast_in_dim3A_29 = vector.broadcast %broadcast_in_dim3A_28 : i32 to vector<16xi32>
    %broadcast_in_dim3A_30 = arith.constant 20112 : i32
    %broadcast_in_dim3A_31 = vector.broadcast %broadcast_in_dim3A_30 : i32 to vector<16xi32>
    %scan3A_32 = arith.constant 0 : i32
    %scan3A_33 = arith.constant 0 : i32
    %scan3A_34 = arith.constant 8 : i32
    %scan3A_35 = arith.addi %scan3A_33, %scan3A_34 : i32
    %scan3A_36 = arith.constant 1 : i32
    scf.for %scan3A_110 = %scan3A_33 to %scan3A_35 step %scan3A_36  : i32 {
      %mul3A_111 = arith.constant 16 : i32
      %mul3A_112 = arith.muli %scan3A_110, %mul3A_111 : i32
      %add3A_113 = arith.addi %scan3A_26#0, %mul3A_112 : i32
      %swap3A = arith.index_cast %add3A_113 : i32 to index
      %swap3A_114 = tpu.vector_load %arg15[%swap3A] {strides = array<i32>} : memref<20880xi32, #tpu.memory_space<vmem>>, vector<16xi32>,
      tpu.vector_store %arg15[%swap3A], %broadcast_in_dim3A_29 {strides = array<i32>} : memref<20880xi32, #tpu.memory_space<vmem>>, vector<16xi32>,
      %mul3A_115 = arith.constant 16 : i32
      %mul3A_116 = arith.muli %scan3A_110, %mul3A_115 : i32
      %add3A_117 = arith.addi %scan3A_26#0, %mul3A_116 : i32
      %swap3A_118 = arith.index_cast %add3A_117 : i32 to index
      %swap3A_119 = tpu.vector_load %arg16[%swap3A_118] {strides = array<i32>} : memref<20880xi32, #tpu.memory_space<vmem>>, vector<16xi32>,
      tpu.vector_store %arg16[%swap3A_118], %broadcast_in_dim3A_29 {strides = array<i32>} : memref<20880xi32, #tpu.memory_space<vmem>>, vector<16xi32>,
    }
    %scan3A_37 = arith.constant 8 : i32
    %scan3A_38 = arith.constant 0 : i32
    %scan3A_39 = arith.constant 0 : i32
    %scan3A_40 = arith.constant 8 : i32
    %scan3A_41 = arith.addi %scan3A_39, %scan3A_40 : i32
    %scan3A_42 = arith.constant 1 : i32
    scf.for %scan3A_110 = %scan3A_39 to %scan3A_41 step %scan3A_42  : i32 {
      %sub3A_111 = arith.constant 128 : i32
      %sub3A_112 = arith.subi %scan3A_26#1, %sub3A_111 : i32
      %mul3A_113 = arith.constant 16 : i32
      %mul3A_114 = arith.muli %scan3A_110, %mul3A_113 : i32
      %add3A_115 = arith.addi %sub3A_112, %mul3A_114 : i32
      %swap3A = arith.index_cast %add3A_115 : i32 to index
      %swap3A_116 = tpu.vector_load %arg15[%swap3A] {strides = array<i32>} : memref<20880xi32, #tpu.memory_space<vmem>>, vector<16xi32>,
      tpu.vector_store %arg15[%swap3A], %broadcast_in_dim3A_31 {strides = array<i32>} : memref<20880xi32, #tpu.memory_space<vmem>>, vector<16xi32>,
      %sub3A_117 = arith.constant 128 : i32
      %sub3A_118 = arith.subi %scan3A_26#1, %sub3A_117 : i32
      %mul3A_119 = arith.constant 16 : i32
      %mul3A_120 = arith.muli %scan3A_110, %mul3A_119 : i32
      %add3A_121 = arith.addi %sub3A_118, %mul3A_120 : i32
      %swap3A_122 = arith.index_cast %add3A_121 : i32 to index
      %swap3A_123 = tpu.vector_load %arg16[%swap3A_122] {strides = array<i32>} : memref<20880xi32, #tpu.memory_space<vmem>>, vector<16xi32>,
      tpu.vector_store %arg16[%swap3A_122], %broadcast_in_dim3A_29 {strides = array<i32>} : memref<20880xi32, #tpu.memory_space<vmem>>, vector<16xi32>,
    }
    %scan3A_43 = arith.constant 8 : i32
    %broadcast_in_dim3A_44 = arith.constant 16 : i32
    %broadcast_in_dim3A_45 = vector.broadcast %broadcast_in_dim3A_44 : i32 to vector<16xi32>
    %iota3A = tpu.iota {dimensions = array<i32: 0>} : vector<16xi32>
    %scan3A_46 = arith.constant 0 : i32
    %scan3A_47 = arith.constant 40 : i32
    %scan3A_48 = arith.addi %scan3A_46, %scan3A_47 : i32
    %scan3A_49 = arith.constant 1 : i32
    %scan3A_50 = scf.for %scan3A_110 = %scan3A_46 to %scan3A_48 step %scan3A_49 iter_args(%scan3A_111 = %iota3A) -> (vector<16xi32>)  : i32 {
      %mul3A_112 = arith.constant 16 : i32
      %mul3A_113 = arith.muli %scan3A_110, %mul3A_112 : i32
      %swap3A = arith.index_cast %mul3A_113 : i32 to index
      %swap3A_114 = tpu.vector_load %arg18[%swap3A] {strides = array<i32>} : memref<640xi32, #tpu.memory_space<vmem>>, vector<16xi32>,
      tpu.vector_store %arg18[%swap3A], %scan3A_111 {strides = array<i32>} : memref<640xi32, #tpu.memory_space<vmem>>, vector<16xi32>,
      %add3A_115 = arith.addi %scan3A_111, %broadcast_in_dim3A_45 : vector<16xi32>
      scf.yield %add3A_115 : vector<16xi32>
    }
    %scan3A_51 = arith.constant 40 : i32
    %add3A = arith.constant 128 : i32
    %add3A_52 = arith.addi %scan3A_26#0, %add3A : i32
    %sub3A = arith.constant 1 : i32
    %sub3A_53 = arith.subi %add3A_52, %sub3A : i32
    %jit3A = arith.constant 128 : i32
    %div3A = arith.divsi %sub3A_53, %jit3A : i32
    %sign3A = arith.constant 0 : i32
    %sign3A_54 = arith.cmpi sgt, %sub3A_53, %sign3A : i32
    %sign3A_55 = arith.extui %sign3A_54 : i1 to i32
    %sign3A_56 = arith.constant 0 : i32
    %sign3A_57 = arith.cmpi slt, %sub3A_53, %sign3A_56 : i32
    %sign3A_58 = arith.extui %sign3A_57 : i1 to i32
    %sign3A_59 = arith.subi %sign3A_55, %sign3A_58 : i32
    %sign3A_60 = arith.constant 0 : i32
    %sign3A_61 = arith.cmpi sgt, %jit3A, %sign3A_60 : i32
    %sign3A_62 = arith.extui %sign3A_61 : i1 to i32
    %sign3A_63 = arith.constant 0 : i32
    %sign3A_64 = arith.cmpi slt, %jit3A, %sign3A_63 : i32
    %sign3A_65 = arith.extui %sign3A_64 : i1 to i32
    %sign3A_66 = arith.subi %sign3A_62, %sign3A_65 : i32
    %ne3A = arith.cmpi ne, %sign3A_59, %sign3A_66 : i32
    %rem3A = arith.remsi %sub3A_53, %jit3A : i32
    %ne3A_67 = arith.constant 0 : i32
    %ne3A_68 = arith.cmpi ne, %rem3A, %ne3A_67 : i32
    %and3A = arith.andi %ne3A, %ne3A_68 : i1
    %sub3A_69 = arith.constant 1 : i32
    %sub3A_70 = arith.subi %div3A, %sub3A_69 : i32
    %select_n3A = arith.select %and3A, %sub3A_70, %div3A : i32
    %jit3A_71 = arith.constant 128 : i32
    %div3A_72 = arith.divsi %scan3A_26#1, %jit3A_71 : i32
    %sign3A_73 = arith.constant 0 : i32
    %sign3A_74 = arith.cmpi sgt, %scan3A_26#1, %sign3A_73 : i32
    %sign3A_75 = arith.extui %sign3A_74 : i1 to i32
    %sign3A_76 = arith.constant 0 : i32
    %sign3A_77 = arith.cmpi slt, %scan3A_26#1, %sign3A_76 : i32
    %sign3A_78 = arith.extui %sign3A_77 : i1 to i32
    %sign3A_79 = arith.subi %sign3A_75, %sign3A_78 : i32
    %sign3A_80 = arith.constant 0 : i32
    %sign3A_81 = arith.cmpi sgt, %jit3A_71, %sign3A_80 : i32
    %sign3A_82 = arith.extui %sign3A_81 : i1 to i32
    %sign3A_83 = arith.constant 0 : i32
    %sign3A_84 = arith.cmpi slt, %jit3A_71, %sign3A_83 : i32
    %sign3A_85 = arith.extui %sign3A_84 : i1 to i32
    %sign3A_86 = arith.subi %sign3A_82, %sign3A_85 : i32
    %ne3A_87 = arith.cmpi ne, %sign3A_79, %sign3A_86 : i32
    %rem3A_88 = arith.remsi %scan3A_26#1, %jit3A_71 : i32
    %ne3A_89 = arith.constant 0 : i32
    %ne3A_90 = arith.cmpi ne, %rem3A_88, %ne3A_89 : i32
    %and3A_91 = arith.andi %ne3A_87, %ne3A_90 : i1
    %sub3A_92 = arith.constant 1 : i32
    %sub3A_93 = arith.subi %div3A_72, %sub3A_92 : i32
    %select_n3A_94 = arith.select %and3A_91, %sub3A_93, %div3A_72 : i32
    %scan3A_95 = arith.constant 0 : i32
    %scan3A_96 = arith.constant 0 : i32
    %scan3A_97 = arith.constant 4 : i32
    %scan3A_98 = arith.addi %scan3A_96, %scan3A_97 : i32
    %scan3A_99 = arith.constant 1 : i32
    scf.for %scan3A_110 = %scan3A_96 to %scan3A_98 step %scan3A_99  : i32 {
      %lt3A_111 = arith.constant 2 : i32
      %lt3A_112 = arith.cmpi slt, %scan3A_110, %lt3A_111 : i32
      %jit3A_113 = arith.constant 0 : i32
      %select_n3A_114 = arith.select %lt3A_112, %jit3A_113, %select_n3A_94 : i32
      %lt3A_115 = arith.constant 2 : i32
      %lt3A_116 = arith.cmpi slt, %scan3A_110, %lt3A_115 : i32
      %jit3A_117 = arith.constant 163 : i32
      %select_n3A_118 = arith.select %lt3A_116, %select_n3A, %jit3A_117 : i32
      %jit3A_119 = arith.constant 2 : i32
      %eq3A = arith.constant 0 : i32
      %eq3A_120 = arith.cmpi eq, %jit3A_119, %eq3A : i32
      %jit3A_121 = arith.constant 1 : i32
      %select_n3A_122 = arith.select %eq3A_120, %jit3A_121, %jit3A_119 : i32
      %rem3A_123 = arith.remsi %scan3A_110, %select_n3A_122 : i32
      %ne3A_124 = arith.constant 0 : i32
      %ne3A_125 = arith.cmpi ne, %rem3A_123, %ne3A_124 : i32
      %lt3A_126 = arith.constant 0 : i32
      %lt3A_127 = arith.cmpi slt, %rem3A_123, %lt3A_126 : i32
      %lt3A_128 = arith.constant 0 : i32
      %lt3A_129 = arith.cmpi slt, %select_n3A_122, %lt3A_128 : i32
      %ne3A_130 = arith.xori %lt3A_127, %lt3A_129 : i1
      %and3A_131 = arith.andi %ne3A_130, %ne3A_125 : i1
      %add3A_132 = arith.addi %rem3A_123, %select_n3A_122 : i32
      %select_n3A_133 = arith.select %and3A_131, %add3A_132, %rem3A_123 : i32
      %sub3A_134 = arith.subi %select_n3A_118, %select_n3A_114 : i32
      %gt3A = arith.constant 0 : i32
      %gt3A_135 = arith.cmpi sgt, %sub3A_134, %gt3A : i32
      %convert_element_type3A_136 = arith.extui %gt3A_135 : i1 to i32
      %cond3A_137 = arith.constant 0 : i32
      %cond3A_138 = arith.cmpi ne, %convert_element_type3A_136, %cond3A_137 : i32
      scf.if %cond3A_138 {
        %mul3A_191 = arith.constant 128 : i32
        %mul3A_192 = arith.muli %select_n3A_114, %mul3A_191 : i32
        %dma_start3A = arith.constant 0 : i32
        %dma_start3A_193 = arith.constant 0 : i32
        %dma_start3A_194 = arith.constant 0 : i32
        %dma_start3A_195 = tpu.memref_slice %arg17[%dma_start3A, %dma_start3A_193, %dma_start3A_194] : memref<2x128x32xf32, #tpu.memory_space<vmem>> -> memref<1x128x32xf32, #tpu.memory_space<vmem>>
        %dma_start3A_196 = tpu.memref_squeeze %dma_start3A_195 : memref<1x128x32xf32, #tpu.memory_space<vmem>> -> memref<128x32xf32, #tpu.memory_space<vmem>>
        %dma_start3A_197 = tpu.memref_slice %arg15[%mul3A_192] : memref<20880xi32, #tpu.memory_space<vmem>> -> memref<128xi32, #tpu.memory_space<vmem>>
        %dma_start3A_198 = arith.constant 0 : i32
        %dma_start3A_199 = arith.constant 0 : i32
        %dma_start3A_200 = tpu.memref_slice %arg7[%select_n3A_133, %dma_start3A_198, %dma_start3A_199] : memref<2x20224x32xf32, #tpu.memory_space<hbm>> -> memref<1x20224x32xf32, #tpu.memory_space<hbm>>
        %dma_start3A_201 = tpu.memref_squeeze %dma_start3A_200 : memref<1x20224x32xf32, #tpu.memory_space<hbm>> -> memref<20224x32xf32, #tpu.memory_space<hbm>>
        %dma_start3A_202 = arith.constant 0 : i32
        %dma_start3A_203 = arith.constant 0 : i32
        %dma_start3A_204 = tpu.memref_slice %dma_start3A_201[%dma_start3A_202, %dma_start3A_203] : memref<20224x32xf32, #tpu.memory_space<hbm>> -> memref<20224x32xf32, #tpu.memory_space<hbm>>
        tpu.enqueue_indirect_dma source(%dma_start3A_204 : memref<20224x32xf32, #tpu.memory_space<hbm>>) target(%dma_start3A_196 : memref<128x32xf32, #tpu.memory_space<vmem>>) offsets(%dma_start3A_197 : memref<128xi32, #tpu.memory_space<vmem>>) semaphore(%arg20 : memref<!tpu.dma_semaphore, #tpu.memory_space<semaphore_mem>>)
      } else {
      }
      %gt3A_139 = arith.constant 1 : i32
      %gt3A_140 = arith.cmpi sgt, %sub3A_134, %gt3A_139 : i32
      %convert_element_type3A_141 = arith.extui %gt3A_140 : i1 to i32
      %cond3A_142 = arith.constant 0 : i32
      %cond3A_143 = arith.cmpi ne, %convert_element_type3A_141, %cond3A_142 : i32
      scf.if %cond3A_143 {
        %add3A_191 = arith.constant 1 : i32
        %add3A_192 = arith.addi %select_n3A_114, %add3A_191 : i32
        %mul3A_193 = arith.constant 128 : i32
        %mul3A_194 = arith.muli %add3A_192, %mul3A_193 : i32
        %dma_start3A = arith.constant 1 : i32
        %dma_start3A_195 = arith.constant 0 : i32
        %dma_start3A_196 = arith.constant 0 : i32
        %dma_start3A_197 = tpu.memref_slice %arg17[%dma_start3A, %dma_start3A_195, %dma_start3A_196] : memref<2x128x32xf32, #tpu.memory_space<vmem>> -> memref<1x128x32xf32, #tpu.memory_space<vmem>>
        %dma_start3A_198 = tpu.memref_squeeze %dma_start3A_197 : memref<1x128x32xf32, #tpu.memory_space<vmem>> -> memref<128x32xf32, #tpu.memory_space<vmem>>
        %dma_start3A_199 = tpu.memref_slice %arg15[%mul3A_194] : memref<20880xi32, #tpu.memory_space<vmem>> -> memref<128xi32, #tpu.memory_space<vmem>>
        %dma_start3A_200 = arith.constant 0 : i32
        %dma_start3A_201 = arith.constant 0 : i32
        %dma_start3A_202 = tpu.memref_slice %arg7[%select_n3A_133, %dma_start3A_200, %dma_start3A_201] : memref<2x20224x32xf32, #tpu.memory_space<hbm>> -> memref<1x20224x32xf32, #tpu.memory_space<hbm>>
        %dma_start3A_203 = tpu.memref_squeeze %dma_start3A_202 : memref<1x20224x32xf32, #tpu.memory_space<hbm>> -> memref<20224x32xf32, #tpu.memory_space<hbm>>
        %dma_start3A_204 = arith.constant 0 : i32
        %dma_start3A_205 = arith.constant 0 : i32
        %dma_start3A_206 = tpu.memref_slice %dma_start3A_203[%dma_start3A_204, %dma_start3A_205] : memref<20224x32xf32, #tpu.memory_space<hbm>> -> memref<20224x32xf32, #tpu.memory_space<hbm>>
        tpu.enqueue_indirect_dma source(%dma_start3A_206 : memref<20224x32xf32, #tpu.memory_space<hbm>>) target(%dma_start3A_198 : memref<128x32xf32, #tpu.memory_space<vmem>>) offsets(%dma_start3A_199 : memref<128xi32, #tpu.memory_space<vmem>>) semaphore(%arg21 : memref<!tpu.dma_semaphore, #tpu.memory_space<semaphore_mem>>)
      } else {
      }
      %sub3A_144 = arith.subi %select_n3A_118, %select_n3A_114 : i32
      %add3A_145 = arith.constant 1 : i32
      %add3A_146 = arith.addi %sub3A_144, %add3A_145 : i32
      %jit3A_147 = arith.constant 2 : i32
      %div3A_148 = arith.divsi %add3A_146, %jit3A_147 : i32
      %sign3A_149 = arith.constant 0 : i32
      %sign3A_150 = arith.cmpi sgt, %add3A_146, %sign3A_149 : i32
      %sign3A_151 = arith.extui %sign3A_150 : i1 to i32
      %sign3A_152 = arith.constant 0 : i32
      %sign3A_153 = arith.cmpi slt, %add3A_146, %sign3A_152 : i32
      %sign3A_154 = arith.extui %sign3A_153 : i1 to i32
      %sign3A_155 = arith.subi %sign3A_151, %sign3A_154 : i32
      %sign3A_156 = arith.constant 0 : i32
      %sign3A_157 = arith.cmpi sgt, %jit3A_147, %sign3A_156 : i32
      %sign3A_158 = arith.extui %sign3A_157 : i1 to i32
      %sign3A_159 = arith.constant 0 : i32
      %sign3A_160 = arith.cmpi slt, %jit3A_147, %sign3A_159 : i32
      %sign3A_161 = arith.extui %sign3A_160 : i1 to i32
      %sign3A_162 = arith.subi %sign3A_158, %sign3A_161 : i32
      %ne3A_163 = arith.cmpi ne, %sign3A_155, %sign3A_162 : i32
      %rem3A_164 = arith.remsi %add3A_146, %jit3A_147 : i32
      %ne3A_165 = arith.constant 0 : i32
      %ne3A_166 = arith.cmpi ne, %rem3A_164, %ne3A_165 : i32
      %and3A_167 = arith.andi %ne3A_163, %ne3A_166 : i1
      %sub3A_168 = arith.constant 1 : i32
      %sub3A_169 = arith.subi %div3A_148, %sub3A_168 : i32
      %select_n3A_170 = arith.select %and3A_167, %sub3A_169, %div3A_148 : i32
      %while3A = arith.constant 0 : i32
      %while3A_171 = arith.constant 0 : i32
      %while3A_172 = arith.subi %select_n3A_170, %while3A_171 : i32
      %while3A_173 = arith.addi %while3A_171, %while3A_172 : i32
      %while3A_174 = arith.constant 1 : i32
      %while3A_175 = arith.divsi %while3A_172, %while3A_174 : i32
      %while3A_176 = arith.muli %while3A_175, %while3A_174 : i32
      %while3A_177 = arith.addi %while3A_171, %while3A_176 : i32
      %while3A_178 = arith.constant 1 : i32
      scf.for %while3A_191 = %while3A_171 to %while3A_177 step %while3A_178  : i32 {
        %mul3A_192 = arith.constant 2 : i32
        %mul3A_193 = arith.muli %mul3A_192, %while3A_191 : i32
        %add3A_194 = arith.addi %select_n3A_114, %mul3A_193 : i32
        %add3A_195 = arith.constant 1 : i32
        %add3A_196 = arith.addi %add3A_194, %add3A_195 : i32
        %dma_wait3A = arith.constant 0 : i32
        %dma_wait3A_197 = arith.constant 0 : i32
        %dma_wait3A_198 = arith.constant 0 : i32
        %dma_wait3A_199 = tpu.memref_slice %arg17[%dma_wait3A, %dma_wait3A_197, %dma_wait3A_198] : memref<2x128x32xf32, #tpu.memory_space<vmem>> -> memref<1x128x32xf32, #tpu.memory_space<vmem>>
        %dma_wait3A_200 = tpu.memref_squeeze %dma_wait3A_199 : memref<1x128x32xf32, #tpu.memory_space<vmem>> -> memref<128x32xf32, #tpu.memory_space<vmem>>
        %dma_wait3A_201 = arith.constant 0 : i32
        %dma_wait3A_202 = tpu.memref_slice %arg15[%dma_wait3A_201] : memref<20880xi32, #tpu.memory_space<vmem>> -> memref<128xi32, #tpu.memory_space<vmem>>
        %dma_wait3A_203 = arith.constant 0 : i32
        %dma_wait3A_204 = arith.constant 0 : i32
        %dma_wait3A_205 = tpu.memref_slice %arg7[%select_n3A_133, %dma_wait3A_203, %dma_wait3A_204] : memref<2x20224x32xf32, #tpu.memory_space<hbm>> -> memref<1x20224x32xf32, #tpu.memory_space<hbm>>
        %dma_wait3A_206 = tpu.memref_squeeze %dma_wait3A_205 : memref<1x20224x32xf32, #tpu.memory_space<hbm>> -> memref<20224x32xf32, #tpu.memory_space<hbm>>
        %dma_wait3A_207 = arith.constant 0 : i32
        %dma_wait3A_208 = arith.constant 0 : i32
        %dma_wait3A_209 = tpu.memref_slice %dma_wait3A_206[%dma_wait3A_207, %dma_wait3A_208] : memref<20224x32xf32, #tpu.memory_space<hbm>> -> memref<20224x32xf32, #tpu.memory_space<hbm>>
        tpu.wait_indirect_dma semaphore(%arg20 : memref<!tpu.dma_semaphore, #tpu.memory_space<semaphore_mem>>) src(%dma_wait3A_209 : memref<20224x32xf32, #tpu.memory_space<hbm>>) dst(%dma_wait3A_200 : memref<128x32xf32, #tpu.memory_space<vmem>>)
        %mul3A_210 = arith.constant 128 : i32
        %mul3A_211 = arith.muli %add3A_194, %mul3A_210 : i32
        %dma_start3A = arith.constant 0 : i32
        %dma_start3A_212 = arith.constant 0 : i32
        %dma_start3A_213 = arith.constant 0 : i32
        %dma_start3A_214 = tpu.memref_slice %arg17[%dma_start3A, %dma_start3A_212, %dma_start3A_213] : memref<2x128x32xf32, #tpu.memory_space<vmem>> -> memref<1x128x32xf32, #tpu.memory_space<vmem>>
        %dma_start3A_215 = tpu.memref_squeeze %dma_start3A_214 : memref<1x128x32xf32, #tpu.memory_space<vmem>> -> memref<128x32xf32, #tpu.memory_space<vmem>>
        %dma_start3A_216 = tpu.memref_slice %arg16[%mul3A_211] : memref<20880xi32, #tpu.memory_space<vmem>> -> memref<128xi32, #tpu.memory_space<vmem>>
        %dma_start3A_217 = arith.constant 0 : i32
        %dma_start3A_218 = arith.constant 0 : i32
        %dma_start3A_219 = tpu.memref_slice %arg19[%dma_start3A_217, %dma_start3A_218] : memref<10112x32xf32, #tpu.memory_space<vmem_shared>> -> memref<10112x32xf32, #tpu.memory_space<vmem_shared>>
        tpu.enqueue_indirect_dma source(%dma_start3A_215 : memref<128x32xf32, #tpu.memory_space<vmem>>) target(%dma_start3A_219 : memref<10112x32xf32, #tpu.memory_space<vmem_shared>>) offsets(%dma_start3A_216 : memref<128xi32, #tpu.memory_space<vmem>>) semaphore(%arg22 : memref<!tpu.dma_semaphore, #tpu.memory_space<semaphore_mem>>) {add = true}
        %lt3A_220 = arith.cmpi slt, %add3A_196, %select_n3A_118 : i32
        %convert_element_type3A_221 = arith.extui %lt3A_220 : i1 to i32
        %cond3A_222 = arith.constant 0 : i32
        %cond3A_223 = arith.cmpi ne, %convert_element_type3A_221, %cond3A_222 : i32
        scf.if %cond3A_223 {
          %dma_wait3A_236 = arith.constant 1 : i32
          %dma_wait3A_237 = arith.constant 0 : i32
          %dma_wait3A_238 = arith.constant 0 : i32
          %dma_wait3A_239 = tpu.memref_slice %arg17[%dma_wait3A_236, %dma_wait3A_237, %dma_wait3A_238] : memref<2x128x32xf32, #tpu.memory_space<vmem>> -> memref<1x128x32xf32, #tpu.memory_space<vmem>>
          %dma_wait3A_240 = tpu.memref_squeeze %dma_wait3A_239 : memref<1x128x32xf32, #tpu.memory_space<vmem>> -> memref<128x32xf32, #tpu.memory_space<vmem>>
          %dma_wait3A_241 = arith.constant 0 : i32
          %dma_wait3A_242 = tpu.memref_slice %arg15[%dma_wait3A_241] : memref<20880xi32, #tpu.memory_space<vmem>> -> memref<128xi32, #tpu.memory_space<vmem>>
          %dma_wait3A_243 = arith.constant 0 : i32
          %dma_wait3A_244 = arith.constant 0 : i32
          %dma_wait3A_245 = tpu.memref_slice %arg7[%select_n3A_133, %dma_wait3A_243, %dma_wait3A_244] : memref<2x20224x32xf32, #tpu.memory_space<hbm>> -> memref<1x20224x32xf32, #tpu.memory_space<hbm>>
          %dma_wait3A_246 = tpu.memref_squeeze %dma_wait3A_245 : memref<1x20224x32xf32, #tpu.memory_space<hbm>> -> memref<20224x32xf32, #tpu.memory_space<hbm>>
          %dma_wait3A_247 = arith.constant 0 : i32
          %dma_wait3A_248 = arith.constant 0 : i32
          %dma_wait3A_249 = tpu.memref_slice %dma_wait3A_246[%dma_wait3A_247, %dma_wait3A_248] : memref<20224x32xf32, #tpu.memory_space<hbm>> -> memref<20224x32xf32, #tpu.memory_space<hbm>>
          tpu.wait_indirect_dma semaphore(%arg21 : memref<!tpu.dma_semaphore, #tpu.memory_space<semaphore_mem>>) src(%dma_wait3A_249 : memref<20224x32xf32, #tpu.memory_space<hbm>>) dst(%dma_wait3A_240 : memref<128x32xf32, #tpu.memory_space<vmem>>)
          %mul3A_250 = arith.constant 128 : i32
          %mul3A_251 = arith.muli %add3A_196, %mul3A_250 : i32
          %dma_start3A_252 = arith.constant 1 : i32
          %dma_start3A_253 = arith.constant 0 : i32
          %dma_start3A_254 = arith.constant 0 : i32
          %dma_start3A_255 = tpu.memref_slice %arg17[%dma_start3A_252, %dma_start3A_253, %dma_start3A_254] : memref<2x128x32xf32, #tpu.memory_space<vmem>> -> memref<1x128x32xf32, #tpu.memory_space<vmem>>
          %dma_start3A_256 = tpu.memref_squeeze %dma_start3A_255 : memref<1x128x32xf32, #tpu.memory_space<vmem>> -> memref<128x32xf32, #tpu.memory_space<vmem>>
          %dma_start3A_257 = tpu.memref_slice %arg16[%mul3A_251] : memref<20880xi32, #tpu.memory_space<vmem>> -> memref<128xi32, #tpu.memory_space<vmem>>
          %dma_start3A_258 = arith.constant 0 : i32
          %dma_start3A_259 = arith.constant 0 : i32
          %dma_start3A_260 = tpu.memref_slice %arg19[%dma_start3A_258, %dma_start3A_259] : memref<10112x32xf32, #tpu.memory_space<vmem_shared>> -> memref<10112x32xf32, #tpu.memory_space<vmem_shared>>
          tpu.enqueue_indirect_dma source(%dma_start3A_256 : memref<128x32xf32, #tpu.memory_space<vmem>>) target(%dma_start3A_260 : memref<10112x32xf32, #tpu.memory_space<vmem_shared>>) offsets(%dma_start3A_257 : memref<128xi32, #tpu.memory_space<vmem>>) semaphore(%arg23 : memref<!tpu.dma_semaphore, #tpu.memory_space<semaphore_mem>>) {add = true}
        } else {
        }
        %add3A_224 = arith.constant 2 : i32
        %add3A_225 = arith.addi %add3A_194, %add3A_224 : i32
        %lt3A_226 = arith.cmpi slt, %add3A_225, %select_n3A_118 : i32
        %convert_element_type3A_227 = arith.extui %lt3A_226 : i1 to i32
        %cond3A_228 = arith.constant 0 : i32
        %cond3A_229 = arith.cmpi ne, %convert_element_type3A_227, %cond3A_228 : i32
        scf.if %cond3A_229 {
          %dma_wait3A_236 = arith.constant 0 : i32
          %dma_wait3A_237 = arith.constant 0 : i32
          %dma_wait3A_238 = arith.constant 0 : i32
          %dma_wait3A_239 = tpu.memref_slice %arg17[%dma_wait3A_236, %dma_wait3A_237, %dma_wait3A_238] : memref<2x128x32xf32, #tpu.memory_space<vmem>> -> memref<1x128x32xf32, #tpu.memory_space<vmem>>
          %dma_wait3A_240 = tpu.memref_squeeze %dma_wait3A_239 : memref<1x128x32xf32, #tpu.memory_space<vmem>> -> memref<128x32xf32, #tpu.memory_space<vmem>>
          %dma_wait3A_241 = arith.constant 0 : i32
          %dma_wait3A_242 = tpu.memref_slice %arg16[%dma_wait3A_241] : memref<20880xi32, #tpu.memory_space<vmem>> -> memref<128xi32, #tpu.memory_space<vmem>>
          %dma_wait3A_243 = arith.constant 0 : i32
          %dma_wait3A_244 = arith.constant 0 : i32
          %dma_wait3A_245 = tpu.memref_slice %arg19[%dma_wait3A_243, %dma_wait3A_244] : memref<10112x32xf32, #tpu.memory_space<vmem_shared>> -> memref<10112x32xf32, #tpu.memory_space<vmem_shared>>
          tpu.wait_indirect_dma semaphore(%arg22 : memref<!tpu.dma_semaphore, #tpu.memory_space<semaphore_mem>>) src(%dma_wait3A_240 : memref<128x32xf32, #tpu.memory_space<vmem>>) dst(%dma_wait3A_245 : memref<10112x32xf32, #tpu.memory_space<vmem_shared>>)
          %add3A_246 = arith.constant 2 : i32
          %add3A_247 = arith.addi %add3A_194, %add3A_246 : i32
          %mul3A_248 = arith.constant 128 : i32
          %mul3A_249 = arith.muli %add3A_247, %mul3A_248 : i32
          %dma_start3A_250 = arith.constant 0 : i32
          %dma_start3A_251 = arith.constant 0 : i32
          %dma_start3A_252 = arith.constant 0 : i32
          %dma_start3A_253 = tpu.memref_slice %arg17[%dma_start3A_250, %dma_start3A_251, %dma_start3A_252] : memref<2x128x32xf32, #tpu.memory_space<vmem>> -> memref<1x128x32xf32, #tpu.memory_space<vmem>>
          %dma_start3A_254 = tpu.memref_squeeze %dma_start3A_253 : memref<1x128x32xf32, #tpu.memory_space<vmem>> -> memref<128x32xf32, #tpu.memory_space<vmem>>
          %dma_start3A_255 = tpu.memref_slice %arg15[%mul3A_249] : memref<20880xi32, #tpu.memory_space<vmem>> -> memref<128xi32, #tpu.memory_space<vmem>>
          %dma_start3A_256 = arith.constant 0 : i32
          %dma_start3A_257 = arith.constant 0 : i32
          %dma_start3A_258 = tpu.memref_slice %arg7[%select_n3A_133, %dma_start3A_256, %dma_start3A_257] : memref<2x20224x32xf32, #tpu.memory_space<hbm>> -> memref<1x20224x32xf32, #tpu.memory_space<hbm>>
          %dma_start3A_259 = tpu.memref_squeeze %dma_start3A_258 : memref<1x20224x32xf32, #tpu.memory_space<hbm>> -> memref<20224x32xf32, #tpu.memory_space<hbm>>
          %dma_start3A_260 = arith.constant 0 : i32
          %dma_start3A_261 = arith.constant 0 : i32
          %dma_start3A_262 = tpu.memref_slice %dma_start3A_259[%dma_start3A_260, %dma_start3A_261] : memref<20224x32xf32, #tpu.memory_space<hbm>> -> memref<20224x32xf32, #tpu.memory_space<hbm>>
          tpu.enqueue_indirect_dma source(%dma_start3A_262 : memref<20224x32xf32, #tpu.memory_space<hbm>>) target(%dma_start3A_254 : memref<128x32xf32, #tpu.memory_space<vmem>>) offsets(%dma_start3A_255 : memref<128xi32, #tpu.memory_space<vmem>>) semaphore(%arg20 : memref<!tpu.dma_semaphore, #tpu.memory_space<semaphore_mem>>)
        } else {
        }
        %add3A_230 = arith.constant 2 : i32
        %add3A_231 = arith.addi %add3A_196, %add3A_230 : i32
        %lt3A_232 = arith.cmpi slt, %add3A_231, %select_n3A_118 : i32
        %convert_element_type3A_233 = arith.extui %lt3A_232 : i1 to i32
        %cond3A_234 = arith.constant 0 : i32
        %cond3A_235 = arith.cmpi ne, %convert_element_type3A_233, %cond3A_234 : i32
        scf.if %cond3A_235 {
          %dma_wait3A_236 = arith.constant 1 : i32
          %dma_wait3A_237 = arith.constant 0 : i32
          %dma_wait3A_238 = arith.constant 0 : i32
          %dma_wait3A_239 = tpu.memref_slice %arg17[%dma_wait3A_236, %dma_wait3A_237, %dma_wait3A_238] : memref<2x128x32xf32, #tpu.memory_space<vmem>> -> memref<1x128x32xf32, #tpu.memory_space<vmem>>
          %dma_wait3A_240 = tpu.memref_squeeze %dma_wait3A_239 : memref<1x128x32xf32, #tpu.memory_space<vmem>> -> memref<128x32xf32, #tpu.memory_space<vmem>>
          %dma_wait3A_241 = arith.constant 0 : i32
          %dma_wait3A_242 = tpu.memref_slice %arg16[%dma_wait3A_241] : memref<20880xi32, #tpu.memory_space<vmem>> -> memref<128xi32, #tpu.memory_space<vmem>>
          %dma_wait3A_243 = arith.constant 0 : i32
          %dma_wait3A_244 = arith.constant 0 : i32
          %dma_wait3A_245 = tpu.memref_slice %arg19[%dma_wait3A_243, %dma_wait3A_244] : memref<10112x32xf32, #tpu.memory_space<vmem_shared>> -> memref<10112x32xf32, #tpu.memory_space<vmem_shared>>
          tpu.wait_indirect_dma semaphore(%arg23 : memref<!tpu.dma_semaphore, #tpu.memory_space<semaphore_mem>>) src(%dma_wait3A_240 : memref<128x32xf32, #tpu.memory_space<vmem>>) dst(%dma_wait3A_245 : memref<10112x32xf32, #tpu.memory_space<vmem_shared>>)
          %add3A_246 = arith.constant 2 : i32
          %add3A_247 = arith.addi %add3A_196, %add3A_246 : i32
          %mul3A_248 = arith.constant 128 : i32
          %mul3A_249 = arith.muli %add3A_247, %mul3A_248 : i32
          %dma_start3A_250 = arith.constant 1 : i32
          %dma_start3A_251 = arith.constant 0 : i32
          %dma_start3A_252 = arith.constant 0 : i32
          %dma_start3A_253 = tpu.memref_slice %arg17[%dma_start3A_250, %dma_start3A_251, %dma_start3A_252] : memref<2x128x32xf32, #tpu.memory_space<vmem>> -> memref<1x128x32xf32, #tpu.memory_space<vmem>>
          %dma_start3A_254 = tpu.memref_squeeze %dma_start3A_253 : memref<1x128x32xf32, #tpu.memory_space<vmem>> -> memref<128x32xf32, #tpu.memory_space<vmem>>
          %dma_start3A_255 = tpu.memref_slice %arg15[%mul3A_249] : memref<20880xi32, #tpu.memory_space<vmem>> -> memref<128xi32, #tpu.memory_space<vmem>>
          %dma_start3A_256 = arith.constant 0 : i32
          %dma_start3A_257 = arith.constant 0 : i32
          %dma_start3A_258 = tpu.memref_slice %arg7[%select_n3A_133, %dma_start3A_256, %dma_start3A_257] : memref<2x20224x32xf32, #tpu.memory_space<hbm>> -> memref<1x20224x32xf32, #tpu.memory_space<hbm>>
          %dma_start3A_259 = tpu.memref_squeeze %dma_start3A_258 : memref<1x20224x32xf32, #tpu.memory_space<hbm>> -> memref<20224x32xf32, #tpu.memory_space<hbm>>
          %dma_start3A_260 = arith.constant 0 : i32
          %dma_start3A_261 = arith.constant 0 : i32
          %dma_start3A_262 = tpu.memref_slice %dma_start3A_259[%dma_start3A_260, %dma_start3A_261] : memref<20224x32xf32, #tpu.memory_space<hbm>> -> memref<20224x32xf32, #tpu.memory_space<hbm>>
          tpu.enqueue_indirect_dma source(%dma_start3A_262 : memref<20224x32xf32, #tpu.memory_space<hbm>>) target(%dma_start3A_254 : memref<128x32xf32, #tpu.memory_space<vmem>>) offsets(%dma_start3A_255 : memref<128xi32, #tpu.memory_space<vmem>>) semaphore(%arg21 : memref<!tpu.dma_semaphore, #tpu.memory_space<semaphore_mem>>)
        } else {
        }
      }
      %while3A_179 = arith.constant 1 : i32
      scf.for %while3A_191 = %while3A_177 to %while3A_173 step %while3A_179  : i32 {
        %mul3A_192 = arith.constant 2 : i32
        %mul3A_193 = arith.muli %mul3A_192, %while3A_191 : i32
        %add3A_194 = arith.addi %select_n3A_114, %mul3A_193 : i32
        %add3A_195 = arith.constant 1 : i32
        %add3A_196 = arith.addi %add3A_194, %add3A_195 : i32
        %dma_wait3A = arith.constant 0 : i32
        %dma_wait3A_197 = arith.constant 0 : i32
        %dma_wait3A_198 = arith.constant 0 : i32
        %dma_wait3A_199 = tpu.memref_slice %arg17[%dma_wait3A, %dma_wait3A_197, %dma_wait3A_198] : memref<2x128x32xf32, #tpu.memory_space<vmem>> -> memref<1x128x32xf32, #tpu.memory_space<vmem>>
        %dma_wait3A_200 = tpu.memref_squeeze %dma_wait3A_199 : memref<1x128x32xf32, #tpu.memory_space<vmem>> -> memref<128x32xf32, #tpu.memory_space<vmem>>
        %dma_wait3A_201 = arith.constant 0 : i32
        %dma_wait3A_202 = tpu.memref_slice %arg15[%dma_wait3A_201] : memref<20880xi32, #tpu.memory_space<vmem>> -> memref<128xi32, #tpu.memory_space<vmem>>
        %dma_wait3A_203 = arith.constant 0 : i32
        %dma_wait3A_204 = arith.constant 0 : i32
        %dma_wait3A_205 = tpu.memref_slice %arg7[%select_n3A_133, %dma_wait3A_203, %dma_wait3A_204] : memref<2x20224x32xf32, #tpu.memory_space<hbm>> -> memref<1x20224x32xf32, #tpu.memory_space<hbm>>
        %dma_wait3A_206 = tpu.memref_squeeze %dma_wait3A_205 : memref<1x20224x32xf32, #tpu.memory_space<hbm>> -> memref<20224x32xf32, #tpu.memory_space<hbm>>
        %dma_wait3A_207 = arith.constant 0 : i32
        %dma_wait3A_208 = arith.constant 0 : i32
        %dma_wait3A_209 = tpu.memref_slice %dma_wait3A_206[%dma_wait3A_207, %dma_wait3A_208] : memref<20224x32xf32, #tpu.memory_space<hbm>> -> memref<20224x32xf32, #tpu.memory_space<hbm>>
        tpu.wait_indirect_dma semaphore(%arg20 : memref<!tpu.dma_semaphore, #tpu.memory_space<semaphore_mem>>) src(%dma_wait3A_209 : memref<20224x32xf32, #tpu.memory_space<hbm>>) dst(%dma_wait3A_200 : memref<128x32xf32, #tpu.memory_space<vmem>>)
        %mul3A_210 = arith.constant 128 : i32
        %mul3A_211 = arith.muli %add3A_194, %mul3A_210 : i32
        %dma_start3A = arith.constant 0 : i32
        %dma_start3A_212 = arith.constant 0 : i32
        %dma_start3A_213 = arith.constant 0 : i32
        %dma_start3A_214 = tpu.memref_slice %arg17[%dma_start3A, %dma_start3A_212, %dma_start3A_213] : memref<2x128x32xf32, #tpu.memory_space<vmem>> -> memref<1x128x32xf32, #tpu.memory_space<vmem>>
        %dma_start3A_215 = tpu.memref_squeeze %dma_start3A_214 : memref<1x128x32xf32, #tpu.memory_space<vmem>> -> memref<128x32xf32, #tpu.memory_space<vmem>>
        %dma_start3A_216 = tpu.memref_slice %arg16[%mul3A_211] : memref<20880xi32, #tpu.memory_space<vmem>> -> memref<128xi32, #tpu.memory_space<vmem>>
        %dma_start3A_217 = arith.constant 0 : i32
        %dma_start3A_218 = arith.constant 0 : i32
        %dma_start3A_219 = tpu.memref_slice %arg19[%dma_start3A_217, %dma_start3A_218] : memref<10112x32xf32, #tpu.memory_space<vmem_shared>> -> memref<10112x32xf32, #tpu.memory_space<vmem_shared>>
        tpu.enqueue_indirect_dma source(%dma_start3A_215 : memref<128x32xf32, #tpu.memory_space<vmem>>) target(%dma_start3A_219 : memref<10112x32xf32, #tpu.memory_space<vmem_shared>>) offsets(%dma_start3A_216 : memref<128xi32, #tpu.memory_space<vmem>>) semaphore(%arg22 : memref<!tpu.dma_semaphore, #tpu.memory_space<semaphore_mem>>) {add = true}
        %lt3A_220 = arith.cmpi slt, %add3A_196, %select_n3A_118 : i32
        %convert_element_type3A_221 = arith.extui %lt3A_220 : i1 to i32
        %cond3A_222 = arith.constant 0 : i32
        %cond3A_223 = arith.cmpi ne, %convert_element_type3A_221, %cond3A_222 : i32
        scf.if %cond3A_223 {
          %dma_wait3A_236 = arith.constant 1 : i32
          %dma_wait3A_237 = arith.constant 0 : i32
          %dma_wait3A_238 = arith.constant 0 : i32
          %dma_wait3A_239 = tpu.memref_slice %arg17[%dma_wait3A_236, %dma_wait3A_237, %dma_wait3A_238] : memref<2x128x32xf32, #tpu.memory_space<vmem>> -> memref<1x128x32xf32, #tpu.memory_space<vmem>>
          %dma_wait3A_240 = tpu.memref_squeeze %dma_wait3A_239 : memref<1x128x32xf32, #tpu.memory_space<vmem>> -> memref<128x32xf32, #tpu.memory_space<vmem>>
          %dma_wait3A_241 = arith.constant 0 : i32
          %dma_wait3A_242 = tpu.memref_slice %arg15[%dma_wait3A_241] : memref<20880xi32, #tpu.memory_space<vmem>> -> memref<128xi32, #tpu.memory_space<vmem>>
          %dma_wait3A_243 = arith.constant 0 : i32
          %dma_wait3A_244 = arith.constant 0 : i32
          %dma_wait3A_245 = tpu.memref_slice %arg7[%select_n3A_133, %dma_wait3A_243, %dma_wait3A_244] : memref<2x20224x32xf32, #tpu.memory_space<hbm>> -> memref<1x20224x32xf32, #tpu.memory_space<hbm>>
          %dma_wait3A_246 = tpu.memref_squeeze %dma_wait3A_245 : memref<1x20224x32xf32, #tpu.memory_space<hbm>> -> memref<20224x32xf32, #tpu.memory_space<hbm>>
          %dma_wait3A_247 = arith.constant 0 : i32
          %dma_wait3A_248 = arith.constant 0 : i32
          %dma_wait3A_249 = tpu.memref_slice %dma_wait3A_246[%dma_wait3A_247, %dma_wait3A_248] : memref<20224x32xf32, #tpu.memory_space<hbm>> -> memref<20224x32xf32, #tpu.memory_space<hbm>>
          tpu.wait_indirect_dma semaphore(%arg21 : memref<!tpu.dma_semaphore, #tpu.memory_space<semaphore_mem>>) src(%dma_wait3A_249 : memref<20224x32xf32, #tpu.memory_space<hbm>>) dst(%dma_wait3A_240 : memref<128x32xf32, #tpu.memory_space<vmem>>)
          %mul3A_250 = arith.constant 128 : i32
          %mul3A_251 = arith.muli %add3A_196, %mul3A_250 : i32
          %dma_start3A_252 = arith.constant 1 : i32
          %dma_start3A_253 = arith.constant 0 : i32
          %dma_start3A_254 = arith.constant 0 : i32
          %dma_start3A_255 = tpu.memref_slice %arg17[%dma_start3A_252, %dma_start3A_253, %dma_start3A_254] : memref<2x128x32xf32, #tpu.memory_space<vmem>> -> memref<1x128x32xf32, #tpu.memory_space<vmem>>
          %dma_start3A_256 = tpu.memref_squeeze %dma_start3A_255 : memref<1x128x32xf32, #tpu.memory_space<vmem>> -> memref<128x32xf32, #tpu.memory_space<vmem>>
          %dma_start3A_257 = tpu.memref_slice %arg16[%mul3A_251] : memref<20880xi32, #tpu.memory_space<vmem>> -> memref<128xi32, #tpu.memory_space<vmem>>
          %dma_start3A_258 = arith.constant 0 : i32
          %dma_start3A_259 = arith.constant 0 : i32
          %dma_start3A_260 = tpu.memref_slice %arg19[%dma_start3A_258, %dma_start3A_259] : memref<10112x32xf32, #tpu.memory_space<vmem_shared>> -> memref<10112x32xf32, #tpu.memory_space<vmem_shared>>
          tpu.enqueue_indirect_dma source(%dma_start3A_256 : memref<128x32xf32, #tpu.memory_space<vmem>>) target(%dma_start3A_260 : memref<10112x32xf32, #tpu.memory_space<vmem_shared>>) offsets(%dma_start3A_257 : memref<128xi32, #tpu.memory_space<vmem>>) semaphore(%arg23 : memref<!tpu.dma_semaphore, #tpu.memory_space<semaphore_mem>>) {add = true}
        } else {
        }
        %add3A_224 = arith.constant 2 : i32
        %add3A_225 = arith.addi %add3A_194, %add3A_224 : i32
        %lt3A_226 = arith.cmpi slt, %add3A_225, %select_n3A_118 : i32
        %convert_element_type3A_227 = arith.extui %lt3A_226 : i1 to i32
        %cond3A_228 = arith.constant 0 : i32
        %cond3A_229 = arith.cmpi ne, %convert_element_type3A_227, %cond3A_228 : i32
        scf.if %cond3A_229 {
          %dma_wait3A_236 = arith.constant 0 : i32
          %dma_wait3A_237 = arith.constant 0 : i32
          %dma_wait3A_238 = arith.constant 0 : i32
          %dma_wait3A_239 = tpu.memref_slice %arg17[%dma_wait3A_236, %dma_wait3A_237, %dma_wait3A_238] : memref<2x128x32xf32, #tpu.memory_space<vmem>> -> memref<1x128x32xf32, #tpu.memory_space<vmem>>
          %dma_wait3A_240 = tpu.memref_squeeze %dma_wait3A_239 : memref<1x128x32xf32, #tpu.memory_space<vmem>> -> memref<128x32xf32, #tpu.memory_space<vmem>>
          %dma_wait3A_241 = arith.constant 0 : i32
          %dma_wait3A_242 = tpu.memref_slice %arg16[%dma_wait3A_241] : memref<20880xi32, #tpu.memory_space<vmem>> -> memref<128xi32, #tpu.memory_space<vmem>>
          %dma_wait3A_243 = arith.constant 0 : i32
          %dma_wait3A_244 = arith.constant 0 : i32
          %dma_wait3A_245 = tpu.memref_slice %arg19[%dma_wait3A_243, %dma_wait3A_244] : memref<10112x32xf32, #tpu.memory_space<vmem_shared>> -> memref<10112x32xf32, #tpu.memory_space<vmem_shared>>
          tpu.wait_indirect_dma semaphore(%arg22 : memref<!tpu.dma_semaphore, #tpu.memory_space<semaphore_mem>>) src(%dma_wait3A_240 : memref<128x32xf32, #tpu.memory_space<vmem>>) dst(%dma_wait3A_245 : memref<10112x32xf32, #tpu.memory_space<vmem_shared>>)
          %add3A_246 = arith.constant 2 : i32
          %add3A_247 = arith.addi %add3A_194, %add3A_246 : i32
          %mul3A_248 = arith.constant 128 : i32
          %mul3A_249 = arith.muli %add3A_247, %mul3A_248 : i32
          %dma_start3A_250 = arith.constant 0 : i32
          %dma_start3A_251 = arith.constant 0 : i32
          %dma_start3A_252 = arith.constant 0 : i32
          %dma_start3A_253 = tpu.memref_slice %arg17[%dma_start3A_250, %dma_start3A_251, %dma_start3A_252] : memref<2x128x32xf32, #tpu.memory_space<vmem>> -> memref<1x128x32xf32, #tpu.memory_space<vmem>>
          %dma_start3A_254 = tpu.memref_squeeze %dma_start3A_253 : memref<1x128x32xf32, #tpu.memory_space<vmem>> -> memref<128x32xf32, #tpu.memory_space<vmem>>
          %dma_start3A_255 = tpu.memref_slice %arg15[%mul3A_249] : memref<20880xi32, #tpu.memory_space<vmem>> -> memref<128xi32, #tpu.memory_space<vmem>>
          %dma_start3A_256 = arith.constant 0 : i32
          %dma_start3A_257 = arith.constant 0 : i32
          %dma_start3A_258 = tpu.memref_slice %arg7[%select_n3A_133, %dma_start3A_256, %dma_start3A_257] : memref<2x20224x32xf32, #tpu.memory_space<hbm>> -> memref<1x20224x32xf32, #tpu.memory_space<hbm>>
          %dma_start3A_259 = tpu.memref_squeeze %dma_start3A_258 : memref<1x20224x32xf32, #tpu.memory_space<hbm>> -> memref<20224x32xf32, #tpu.memory_space<hbm>>
          %dma_start3A_260 = arith.constant 0 : i32
          %dma_start3A_261 = arith.constant 0 : i32
          %dma_start3A_262 = tpu.memref_slice %dma_start3A_259[%dma_start3A_260, %dma_start3A_261] : memref<20224x32xf32, #tpu.memory_space<hbm>> -> memref<20224x32xf32, #tpu.memory_space<hbm>>
          tpu.enqueue_indirect_dma source(%dma_start3A_262 : memref<20224x32xf32, #tpu.memory_space<hbm>>) target(%dma_start3A_254 : memref<128x32xf32, #tpu.memory_space<vmem>>) offsets(%dma_start3A_255 : memref<128xi32, #tpu.memory_space<vmem>>) semaphore(%arg20 : memref<!tpu.dma_semaphore, #tpu.memory_space<semaphore_mem>>)
        } else {
        }
        %add3A_230 = arith.constant 2 : i32
        %add3A_231 = arith.addi %add3A_196, %add3A_230 : i32
        %lt3A_232 = arith.cmpi slt, %add3A_231, %select_n3A_118 : i32
        %convert_element_type3A_233 = arith.extui %lt3A_232 : i1 to i32
        %cond3A_234 = arith.constant 0 : i32
        %cond3A_235 = arith.cmpi ne, %convert_element_type3A_233, %cond3A_234 : i32
        scf.if %cond3A_235 {
          %dma_wait3A_236 = arith.constant 1 : i32
          %dma_wait3A_237 = arith.constant 0 : i32
          %dma_wait3A_238 = arith.constant 0 : i32
          %dma_wait3A_239 = tpu.memref_slice %arg17[%dma_wait3A_236, %dma_wait3A_237, %dma_wait3A_238] : memref<2x128x32xf32, #tpu.memory_space<vmem>> -> memref<1x128x32xf32, #tpu.memory_space<vmem>>
          %dma_wait3A_240 = tpu.memref_squeeze %dma_wait3A_239 : memref<1x128x32xf32, #tpu.memory_space<vmem>> -> memref<128x32xf32, #tpu.memory_space<vmem>>
          %dma_wait3A_241 = arith.constant 0 : i32
          %dma_wait3A_242 = tpu.memref_slice %arg16[%dma_wait3A_241] : memref<20880xi32, #tpu.memory_space<vmem>> -> memref<128xi32, #tpu.memory_space<vmem>>
          %dma_wait3A_243 = arith.constant 0 : i32
          %dma_wait3A_244 = arith.constant 0 : i32
          %dma_wait3A_245 = tpu.memref_slice %arg19[%dma_wait3A_243, %dma_wait3A_244] : memref<10112x32xf32, #tpu.memory_space<vmem_shared>> -> memref<10112x32xf32, #tpu.memory_space<vmem_shared>>
          tpu.wait_indirect_dma semaphore(%arg23 : memref<!tpu.dma_semaphore, #tpu.memory_space<semaphore_mem>>) src(%dma_wait3A_240 : memref<128x32xf32, #tpu.memory_space<vmem>>) dst(%dma_wait3A_245 : memref<10112x32xf32, #tpu.memory_space<vmem_shared>>)
          %add3A_246 = arith.constant 2 : i32
          %add3A_247 = arith.addi %add3A_196, %add3A_246 : i32
          %mul3A_248 = arith.constant 128 : i32
          %mul3A_249 = arith.muli %add3A_247, %mul3A_248 : i32
          %dma_start3A_250 = arith.constant 1 : i32
          %dma_start3A_251 = arith.constant 0 : i32
          %dma_start3A_252 = arith.constant 0 : i32
          %dma_start3A_253 = tpu.memref_slice %arg17[%dma_start3A_250, %dma_start3A_251, %dma_start3A_252] : memref<2x128x32xf32, #tpu.memory_space<vmem>> -> memref<1x128x32xf32, #tpu.memory_space<vmem>>
          %dma_start3A_254 = tpu.memref_squeeze %dma_start3A_253 : memref<1x128x32xf32, #tpu.memory_space<vmem>> -> memref<128x32xf32, #tpu.memory_space<vmem>>
          %dma_start3A_255 = tpu.memref_slice %arg15[%mul3A_249] : memref<20880xi32, #tpu.memory_space<vmem>> -> memref<128xi32, #tpu.memory_space<vmem>>
          %dma_start3A_256 = arith.constant 0 : i32
          %dma_start3A_257 = arith.constant 0 : i32
          %dma_start3A_258 = tpu.memref_slice %arg7[%select_n3A_133, %dma_start3A_256, %dma_start3A_257] : memref<2x20224x32xf32, #tpu.memory_space<hbm>> -> memref<1x20224x32xf32, #tpu.memory_space<hbm>>
          %dma_start3A_259 = tpu.memref_squeeze %dma_start3A_258 : memref<1x20224x32xf32, #tpu.memory_space<hbm>> -> memref<20224x32xf32, #tpu.memory_space<hbm>>
          %dma_start3A_260 = arith.constant 0 : i32
          %dma_start3A_261 = arith.constant 0 : i32
          %dma_start3A_262 = tpu.memref_slice %dma_start3A_259[%dma_start3A_260, %dma_start3A_261] : memref<20224x32xf32, #tpu.memory_space<hbm>> -> memref<20224x32xf32, #tpu.memory_space<hbm>>
          tpu.enqueue_indirect_dma source(%dma_start3A_262 : memref<20224x32xf32, #tpu.memory_space<hbm>>) target(%dma_start3A_254 : memref<128x32xf32, #tpu.memory_space<vmem>>) offsets(%dma_start3A_255 : memref<128xi32, #tpu.memory_space<vmem>>) semaphore(%arg21 : memref<!tpu.dma_semaphore, #tpu.memory_space<semaphore_mem>>)
        } else {
        }
      }
      %ge3A = arith.constant 2 : i32
      %ge3A_180 = arith.cmpi sge, %sub3A_134, %ge3A : i32
      %convert_element_type3A_181 = arith.extui %ge3A_180 : i1 to i32
      %cond3A_182 = arith.constant 0 : i32
      %cond3A_183 = arith.cmpi ne, %convert_element_type3A_181, %cond3A_182 : i32
      scf.if %cond3A_183 {
        %dma_wait3A = arith.constant 0 : i32
        %dma_wait3A_191 = arith.constant 0 : i32
        %dma_wait3A_192 = arith.constant 0 : i32
        %dma_wait3A_193 = tpu.memref_slice %arg17[%dma_wait3A, %dma_wait3A_191, %dma_wait3A_192] : memref<2x128x32xf32, #tpu.memory_space<vmem>> -> memref<1x128x32xf32, #tpu.memory_space<vmem>>
        %dma_wait3A_194 = tpu.memref_squeeze %dma_wait3A_193 : memref<1x128x32xf32, #tpu.memory_space<vmem>> -> memref<128x32xf32, #tpu.memory_space<vmem>>
        %dma_wait3A_195 = arith.constant 0 : i32
        %dma_wait3A_196 = tpu.memref_slice %arg16[%dma_wait3A_195] : memref<20880xi32, #tpu.memory_space<vmem>> -> memref<128xi32, #tpu.memory_space<vmem>>
        %dma_wait3A_197 = arith.constant 0 : i32
        %dma_wait3A_198 = arith.constant 0 : i32
        %dma_wait3A_199 = tpu.memref_slice %arg19[%dma_wait3A_197, %dma_wait3A_198] : memref<10112x32xf32, #tpu.memory_space<vmem_shared>> -> memref<10112x32xf32, #tpu.memory_space<vmem_shared>>
        tpu.wait_indirect_dma semaphore(%arg22 : memref<!tpu.dma_semaphore, #tpu.memory_space<semaphore_mem>>) src(%dma_wait3A_194 : memref<128x32xf32, #tpu.memory_space<vmem>>) dst(%dma_wait3A_199 : memref<10112x32xf32, #tpu.memory_space<vmem_shared>>)
        %dma_wait3A_200 = arith.constant 1 : i32
        %dma_wait3A_201 = arith.constant 0 : i32
        %dma_wait3A_202 = arith.constant 0 : i32
        %dma_wait3A_203 = tpu.memref_slice %arg17[%dma_wait3A_200, %dma_wait3A_201, %dma_wait3A_202] : memref<2x128x32xf32, #tpu.memory_space<vmem>> -> memref<1x128x32xf32, #tpu.memory_space<vmem>>
        %dma_wait3A_204 = tpu.memref_squeeze %dma_wait3A_203 : memref<1x128x32xf32, #tpu.memory_space<vmem>> -> memref<128x32xf32, #tpu.memory_space<vmem>>
        %dma_wait3A_205 = arith.constant 0 : i32
        %dma_wait3A_206 = tpu.memref_slice %arg16[%dma_wait3A_205] : memref<20880xi32, #tpu.memory_space<vmem>> -> memref<128xi32, #tpu.memory_space<vmem>>
        %dma_wait3A_207 = arith.constant 0 : i32
        %dma_wait3A_208 = arith.constant 0 : i32
        %dma_wait3A_209 = tpu.memref_slice %arg19[%dma_wait3A_207, %dma_wait3A_208] : memref<10112x32xf32, #tpu.memory_space<vmem_shared>> -> memref<10112x32xf32, #tpu.memory_space<vmem_shared>>
        tpu.wait_indirect_dma semaphore(%arg23 : memref<!tpu.dma_semaphore, #tpu.memory_space<semaphore_mem>>) src(%dma_wait3A_204 : memref<128x32xf32, #tpu.memory_space<vmem>>) dst(%dma_wait3A_209 : memref<10112x32xf32, #tpu.memory_space<vmem_shared>>)
      } else {
      }
      %eq3A_184 = arith.constant 1 : i32
      %eq3A_185 = arith.cmpi eq, %sub3A_134, %eq3A_184 : i32
      %convert_element_type3A_186 = arith.extui %eq3A_185 : i1 to i32
      %cond3A_187 = arith.constant 0 : i32
      %cond3A_188 = arith.cmpi ne, %convert_element_type3A_186, %cond3A_187 : i32
      scf.if %cond3A_188 {
        %dma_wait3A = arith.constant 0 : i32
        %dma_wait3A_191 = arith.constant 0 : i32
        %dma_wait3A_192 = arith.constant 0 : i32
        %dma_wait3A_193 = tpu.memref_slice %arg17[%dma_wait3A, %dma_wait3A_191, %dma_wait3A_192] : memref<2x128x32xf32, #tpu.memory_space<vmem>> -> memref<1x128x32xf32, #tpu.memory_space<vmem>>
        %dma_wait3A_194 = tpu.memref_squeeze %dma_wait3A_193 : memref<1x128x32xf32, #tpu.memory_space<vmem>> -> memref<128x32xf32, #tpu.memory_space<vmem>>
        %dma_wait3A_195 = arith.constant 0 : i32
        %dma_wait3A_196 = tpu.memref_slice %arg16[%dma_wait3A_195] : memref<20880xi32, #tpu.memory_space<vmem>> -> memref<128xi32, #tpu.memory_space<vmem>>
        %dma_wait3A_197 = arith.constant 0 : i32
        %dma_wait3A_198 = arith.constant 0 : i32
        %dma_wait3A_199 = tpu.memref_slice %arg19[%dma_wait3A_197, %dma_wait3A_198] : memref<10112x32xf32, #tpu.memory_space<vmem_shared>> -> memref<10112x32xf32, #tpu.memory_space<vmem_shared>>
        tpu.wait_indirect_dma semaphore(%arg22 : memref<!tpu.dma_semaphore, #tpu.memory_space<semaphore_mem>>) src(%dma_wait3A_194 : memref<128x32xf32, #tpu.memory_space<vmem>>) dst(%dma_wait3A_199 : memref<10112x32xf32, #tpu.memory_space<vmem_shared>>)
      } else {
      }
      %barrier3A_189 = arith.constant 0 : index
      tpu.barrier barrier_id(%barrier3A_189)
      "tpu.region"() ({
        %run_scoped3A = tpu.sem_alloc : memref<!tpu.dma_semaphore, #tpu.memory_space<semaphore_mem>>
        %dma_start3A = arith.constant 0 : i32
        %dma_start3A_191 = tpu.memref_slice %arg8[%scan3A_110, %mul3A_0, %dma_start3A] : memref<4x10112x32xf32, #tpu.memory_space<hbm>> -> memref<1x632x32xf32, #tpu.memory_space<hbm>>
        %dma_start3A_192 = tpu.memref_squeeze %dma_start3A_191 : memref<1x632x32xf32, #tpu.memory_space<hbm>> -> memref<632x32xf32, #tpu.memory_space<hbm>>
        %dma_start3A_193 = arith.constant 0 : i32
        %dma_start3A_194 = tpu.memref_slice %arg19[%mul3A_0, %dma_start3A_193] : memref<10112x32xf32, #tpu.memory_space<vmem_shared>> -> memref<632x32xf32, #tpu.memory_space<vmem_shared>>
        tpu.enqueue_dma source(%dma_start3A_194 : memref<632x32xf32, #tpu.memory_space<vmem_shared>>) target(%dma_start3A_192 : memref<632x32xf32, #tpu.memory_space<hbm>>) target_semaphore(%run_scoped3A : memref<!tpu.dma_semaphore, #tpu.memory_space<semaphore_mem>>)
        %dma_wait3A = arith.constant 0 : i32
        %dma_wait3A_195 = tpu.memref_slice %arg8[%scan3A_110, %mul3A_0, %dma_wait3A] : memref<4x10112x32xf32, #tpu.memory_space<hbm>> -> memref<1x632x32xf32, #tpu.memory_space<hbm>>
        %dma_wait3A_196 = tpu.memref_squeeze %dma_wait3A_195 : memref<1x632x32xf32, #tpu.memory_space<hbm>> -> memref<632x32xf32, #tpu.memory_space<hbm>>
        %dma_wait3A_197 = arith.constant 0 : i32
        %dma_wait3A_198 = tpu.memref_slice %arg19[%mul3A_0, %dma_wait3A_197] : memref<10112x32xf32, #tpu.memory_space<vmem_shared>> -> memref<632x32xf32, #tpu.memory_space<vmem_shared>>
        tpu.wait_dma2 semaphore(%run_scoped3A : memref<!tpu.dma_semaphore, #tpu.memory_space<semaphore_mem>>) src(%dma_wait3A_198 : memref<632x32xf32, #tpu.memory_space<vmem_shared>>) dst(%dma_wait3A_196 : memref<632x32xf32, #tpu.memory_space<hbm>>)
        tpu.yield
      }) : () -> ()
      "tpu.region"() ({
        %run_scoped3A = tpu.sem_alloc : memref<!tpu.dma_semaphore, #tpu.memory_space<semaphore_mem>>
        %dma_start3A = arith.constant 0 : i32
        %dma_start3A_191 = tpu.memref_slice %arg19[%mul3A_0, %dma_start3A] : memref<10112x32xf32, #tpu.memory_space<vmem_shared>> -> memref<632x32xf32, #tpu.memory_space<vmem_shared>>
        tpu.enqueue_dma source(%arg6 : memref<632x32xf32, #tpu.memory_space<hbm>>) target(%dma_start3A_191 : memref<632x32xf32, #tpu.memory_space<vmem_shared>>) target_semaphore(%run_scoped3A : memref<!tpu.dma_semaphore, #tpu.memory_space<semaphore_mem>>)
        %dma_wait3A = arith.constant 0 : i32
        %dma_wait3A_192 = tpu.memref_slice %arg19[%mul3A_0, %dma_wait3A] : memref<10112x32xf32, #tpu.memory_space<vmem_shared>> -> memref<632x32xf32, #tpu.memory_space<vmem_shared>>
        tpu.wait_dma2 semaphore(%run_scoped3A : memref<!tpu.dma_semaphore, #tpu.memory_space<semaphore_mem>>) src(%arg6 : memref<632x32xf32, #tpu.memory_space<hbm>>) dst(%dma_wait3A_192 : memref<632x32xf32, #tpu.memory_space<vmem_shared>>)
        tpu.yield
      }) : () -> ()
      %barrier3A_190 = arith.constant 0 : index
      tpu.barrier barrier_id(%barrier3A_190)
    }
    %scan3A_100 = arith.constant 4 : i32
    %scan3A_101 = arith.constant 0 : i32
    %scan3A_102 = arith.constant 0 : i32
    %scan3A_103 = arith.constant 5 : i32
    %scan3A_104 = arith.addi %scan3A_102, %scan3A_103 : i32
    %scan3A_105 = arith.constant 1 : i32
    scf.for %scan3A_110 = %scan3A_102 to %scan3A_104 step %scan3A_105  : i32 {
      %mul3A_111 = arith.constant 128 : i32
      %mul3A_112 = arith.muli %scan3A_110, %mul3A_111 : i32
      %mul3A_113 = arith.constant 128 : i32
      %mul3A_114 = arith.muli %scan3A_110, %mul3A_113 : i32
      "tpu.region"() ({
        %run_scoped3A = tpu.sem_alloc : memref<!tpu.dma_semaphore, #tpu.memory_space<semaphore_mem>>
        %dma_start3A = arith.constant 0 : i32
        %dma_start3A_115 = tpu.memref_slice %arg14[%mul3A_112, %dma_start3A] : memref<640x32xf32, #tpu.memory_space<vmem>> -> memref<128x32xf32, #tpu.memory_space<vmem>>
        %dma_start3A_116 = tpu.memref_slice %arg18[%mul3A_114] : memref<640xi32, #tpu.memory_space<vmem>> -> memref<128xi32, #tpu.memory_space<vmem>>
        %dma_start3A_117 = arith.constant 0 : i32
        %dma_start3A_118 = arith.constant 0 : i32
        %dma_start3A_119 = tpu.memref_slice %arg19[%dma_start3A_117, %dma_start3A_118] : memref<10112x32xf32, #tpu.memory_space<vmem_shared>> -> memref<10112x32xf32, #tpu.memory_space<vmem_shared>>
        tpu.enqueue_indirect_dma source(%dma_start3A_115 : memref<128x32xf32, #tpu.memory_space<vmem>>) target(%dma_start3A_119 : memref<10112x32xf32, #tpu.memory_space<vmem_shared>>) offsets(%dma_start3A_116 : memref<128xi32, #tpu.memory_space<vmem>>) semaphore(%run_scoped3A : memref<!tpu.dma_semaphore, #tpu.memory_space<semaphore_mem>>) {add = true}
        %dma_wait3A = arith.constant 0 : i32
        %dma_wait3A_120 = tpu.memref_slice %arg14[%mul3A_112, %dma_wait3A] : memref<640x32xf32, #tpu.memory_space<vmem>> -> memref<128x32xf32, #tpu.memory_space<vmem>>
        %dma_wait3A_121 = tpu.memref_slice %arg18[%mul3A_114] : memref<640xi32, #tpu.memory_space<vmem>> -> memref<128xi32, #tpu.memory_space<vmem>>
        %dma_wait3A_122 = arith.constant 0 : i32
        %dma_wait3A_123 = arith.constant 0 : i32
        %dma_wait3A_124 = tpu.memref_slice %arg19[%dma_wait3A_122, %dma_wait3A_123] : memref<10112x32xf32, #tpu.memory_space<vmem_shared>> -> memref<10112x32xf32, #tpu.memory_space<vmem_shared>>
        tpu.wait_indirect_dma semaphore(%run_scoped3A : memref<!tpu.dma_semaphore, #tpu.memory_space<semaphore_mem>>) src(%dma_wait3A_120 : memref<128x32xf32, #tpu.memory_space<vmem>>) dst(%dma_wait3A_124 : memref<10112x32xf32, #tpu.memory_space<vmem_shared>>)
        tpu.yield
      }) : () -> ()
    }
    %scan3A_106 = arith.constant 5 : i32
    %barrier3A_107 = arith.constant 0 : index
    tpu.barrier barrier_id(%barrier3A_107)
    %lt3A = arith.constant 8 : i32
    %lt3A_108 = arith.cmpi slt, %arg1, %lt3A : i32
    %convert_element_type3A = arith.extui %lt3A_108 : i1 to i32
    %cond3A = arith.constant 0 : i32
    %cond3A_109 = arith.cmpi ne, %convert_element_type3A, %cond3A : i32
    scf.if %cond3A_109 {
      %mul3A_110 = arith.constant 79 : i32
      %mul3A_111 = arith.muli %arg1, %mul3A_110 : i32
      %mul3A_112 = arith.constant 79 : i32
      %mul3A_113 = arith.muli %arg1, %mul3A_112 : i32
      "tpu.region"() ({
        %run_scoped3A = tpu.sem_alloc : memref<!tpu.dma_semaphore, #tpu.memory_space<semaphore_mem>>
        %dma_start3A = arith.constant 0 : i32
        %dma_start3A_114 = tpu.memref_slice %arg9[%mul3A_113, %dma_start3A] : memref<632x32xf32, #tpu.memory_space<hbm>> -> memref<79x32xf32, #tpu.memory_space<hbm>>
        %dma_start3A_115 = arith.constant 0 : i32
        %dma_start3A_116 = tpu.memref_slice %arg19[%mul3A_111, %dma_start3A_115] : memref<10112x32xf32, #tpu.memory_space<vmem_shared>> -> memref<79x32xf32, #tpu.memory_space<vmem_shared>>
        tpu.enqueue_dma source(%dma_start3A_116 : memref<79x32xf32, #tpu.memory_space<vmem_shared>>) target(%dma_start3A_114 : memref<79x32xf32, #tpu.memory_space<hbm>>) target_semaphore(%run_scoped3A : memref<!tpu.dma_semaphore, #tpu.memory_space<semaphore_mem>>)
        %dma_wait3A = arith.constant 0 : i32
        %dma_wait3A_117 = tpu.memref_slice %arg9[%mul3A_113, %dma_wait3A] : memref<632x32xf32, #tpu.memory_space<hbm>> -> memref<79x32xf32, #tpu.memory_space<hbm>>
        %dma_wait3A_118 = arith.constant 0 : i32
        %dma_wait3A_119 = tpu.memref_slice %arg19[%mul3A_111, %dma_wait3A_118] : memref<10112x32xf32, #tpu.memory_space<vmem_shared>> -> memref<79x32xf32, #tpu.memory_space<vmem_shared>>
        tpu.wait_dma2 semaphore(%run_scoped3A : memref<!tpu.dma_semaphore, #tpu.memory_space<semaphore_mem>>) src(%dma_wait3A_119 : memref<79x32xf32, #tpu.memory_space<vmem_shared>>) dst(%dma_wait3A_117 : memref<79x32xf32, #tpu.memory_space<hbm>>)
        tpu.yield
      }) : () -> ()
    } else {
    }
    return
  }
}

module attributes {stable_mosaic.version = 14 : i64} {
  func.func @_prep_body(%arg0: memref<10000x128xf32, #tpu.memory_space<vmem>>, %arg1: memref<128x64xf32, #tpu.memory_space<vmem>>, %arg2: memref<64x1xf32, #tpu.memory_space<vmem>>, %arg3: memref<64x1xf32, #tpu.memory_space<vmem>>, %arg4: memref<2x10112x64xf32, #tpu.memory_space<vmem>>, %arg5: memref<10128x8xf32, #tpu.memory_space<vmem>>) attributes {dimension_semantics = [], scalar_prefetch = 0 : i64, scratch_operands = 0 : i64, tpu.core_type = #tpu.core_type<tc>} {
    %get3A = arith.constant 0 : index
    %get3A_0 = arith.constant 0 : index
    %get3A_1 = vector.load %arg0[%get3A, %get3A_0] : memref<10000x128xf32, #tpu.memory_space<vmem>>, vector<10000x128xf32>
    %get3A_2 = arith.constant 0 : index
    %get3A_3 = arith.constant 0 : index
    %get3A_4 = vector.load %arg1[%get3A_2, %get3A_3] : memref<128x64xf32, #tpu.memory_space<vmem>>, vector<128x64xf32>
    %dot_general3A = arith.constant dense<0.000000e+00> : vector<10000x64xf32>
    %dot_general3A_5 = tpu.matmul %get3A_1, %get3A_4, %dot_general3A {dimension_numbers = #tpu.dot_dimension_numbers<[1], [0], [0], [1], [0, 0, 1, 1], [], []>, transpose_lhs_hint = false} : vector<10000x128xf32>, vector<128x64xf32>, vector<10000x64xf32> -> vector<10000x64xf32>
    %get3A_6 = arith.constant 0 : index
    %get3A_7 = arith.constant 0 : index
    %get3A_8 = vector.load %arg2[%get3A_6, %get3A_7] : memref<64x1xf32, #tpu.memory_space<vmem>>, vector<64x1xf32>
    %get3A_9 = arith.constant 0 : index
    %get3A_10 = arith.constant 0 : index
    %get3A_11 = vector.load %arg3[%get3A_9, %get3A_10] : memref<64x1xf32, #tpu.memory_space<vmem>>, vector<64x1xf32>
    %dot_general3A_12 = arith.constant dense<0.000000e+00> : vector<10000x1xf32>
    %dot_general3A_13 = tpu.matmul %dot_general3A_5, %get3A_8, %dot_general3A_12 {dimension_numbers = #tpu.dot_dimension_numbers<[1], [0], [0], [1], [0, 0, 1, 1], [], []>, transpose_lhs_hint = false} : vector<10000x64xf32>, vector<64x1xf32>, vector<10000x1xf32> -> vector<10000x1xf32>
    %dot_general3A_14 = arith.constant dense<0.000000e+00> : vector<10000x1xf32>
    %dot_general3A_15 = tpu.matmul %dot_general3A_5, %get3A_11, %dot_general3A_14 {dimension_numbers = #tpu.dot_dimension_numbers<[1], [0], [0], [1], [0, 0, 1, 1], [], []>, transpose_lhs_hint = false} : vector<10000x64xf32>, vector<64x1xf32>, vector<10000x1xf32> -> vector<10000x1xf32>
    %reduce_max3A = vector.shape_cast %dot_general3A_13 : vector<10000x1xf32> to vector<1x10000x1xf32>
    %reduce_max3A_16 = arith.constant dense<0xFF800000> : vector<1xf32>
    %reduce_max3A_17 = vector.multi_reduction <maximumf>, %reduce_max3A, %reduce_max3A_16 [1, 2] : vector<1x10000x1xf32> to vector<1xf32>
    %reduce_max3A_18 = vector.shape_cast %reduce_max3A_17 : vector<1xf32> to vector<1x1x1xf32>
    %reduce_max3A_19 = vector.extract %reduce_max3A_18[0, 0, 0] : f32 from vector<1x1x1xf32>
    %reduce_max3A_20 = vector.shape_cast %dot_general3A_15 : vector<10000x1xf32> to vector<1x10000x1xf32>
    %reduce_max3A_21 = arith.constant dense<0xFF800000> : vector<1xf32>
    %reduce_max3A_22 = vector.multi_reduction <maximumf>, %reduce_max3A_20, %reduce_max3A_21 [1, 2] : vector<1x10000x1xf32> to vector<1xf32>
    %reduce_max3A_23 = vector.shape_cast %reduce_max3A_22 : vector<1xf32> to vector<1x1x1xf32>
    %reduce_max3A_24 = vector.extract %reduce_max3A_23[0, 0, 0] : f32 from vector<1x1x1xf32>
    %add3A = arith.addf %reduce_max3A_19, %reduce_max3A_24 : f32
    %gt3A = arith.constant 0.000000e+00 : f32
    %gt3A_25 = arith.cmpf ogt, %add3A, %gt3A : f32
    %mul3A = arith.constant 2.000000e-01 : f32
    %mul3A_26 = arith.mulf %mul3A, %add3A : f32
    %select_n3A = arith.select %gt3A_25, %add3A, %mul3A_26 : f32
    %sub3A = vector.broadcast %reduce_max3A_19 : f32 to vector<10000x1xf32>
    %sub3A_27 = arith.subf %dot_general3A_13, %sub3A : vector<10000x1xf32>
    %exp3A = math.exp %sub3A_27 : vector<10000x1xf32>
    %sub3A_28 = vector.broadcast %reduce_max3A_19 : f32 to vector<10000x1xf32>
    %sub3A_29 = arith.subf %dot_general3A_13, %sub3A_28 : vector<10000x1xf32>
    %mul3A_30 = arith.constant 2.000000e-01 : f32
    %mul3A_31 = vector.broadcast %mul3A_30 : f32 to vector<10000x1xf32>
    %mul3A_32 = arith.mulf %mul3A_31, %sub3A_29 : vector<10000x1xf32>
    %exp3A_33 = math.exp %mul3A_32 : vector<10000x1xf32>
    %sub3A_34 = arith.subf %select_n3A, %reduce_max3A_19 : f32
    %sub3A_35 = vector.broadcast %sub3A_34 : f32 to vector<10000x1xf32>
    %sub3A_36 = arith.subf %dot_general3A_15, %sub3A_35 : vector<10000x1xf32>
    %exp3A_37 = math.exp %sub3A_36 : vector<10000x1xf32>
    %mul3A_38 = arith.constant 2.000000e-01 : f32
    %mul3A_39 = vector.broadcast %mul3A_38 : f32 to vector<10000x1xf32>
    %mul3A_40 = arith.mulf %mul3A_39, %dot_general3A_15 : vector<10000x1xf32>
    %mul3A_41 = arith.constant 2.000000e-01 : f32
    %mul3A_42 = arith.mulf %mul3A_41, %reduce_max3A_19 : f32
    %sub3A_43 = arith.subf %select_n3A, %mul3A_42 : f32
    %sub3A_44 = vector.broadcast %sub3A_43 : f32 to vector<10000x1xf32>
    %sub3A_45 = arith.subf %mul3A_40, %sub3A_44 : vector<10000x1xf32>
    %exp3A_46 = math.exp %sub3A_45 : vector<10000x1xf32>
    %broadcast_in_dim3A = arith.constant 0.000000e+00 : f32
    %broadcast_in_dim3A_47 = vector.broadcast %broadcast_in_dim3A : f32 to vector<2x10112x64xf32>
    %swap3A = arith.constant 0 : index
    %swap3A_48 = arith.constant 0 : index
    %swap3A_49 = arith.constant 0 : index
    %swap3A_50 = vector.load %arg4[%swap3A, %swap3A_48, %swap3A_49] : memref<2x10112x64xf32, #tpu.memory_space<vmem>>, vector<2x10112x64xf32>
    tpu.vector_store %arg4[%swap3A, %swap3A_48, %swap3A_49], %broadcast_in_dim3A_47 {strides = array<i32>} : memref<2x10112x64xf32, #tpu.memory_space<vmem>>, vector<2x10112x64xf32>,
    %mul3A_51 = vector.broadcast %exp3A : vector<10000x1xf32> to vector<10000x64xf32>
    %mul3A_52 = arith.mulf %dot_general3A_5, %mul3A_51 : vector<10000x64xf32>
    %swap3A_53 = arith.constant 0 : index
    %swap3A_54 = arith.constant 0 : index
    %swap3A_55 = arith.constant 0 : index
    %swap3A_56 = vector.load %arg4[%swap3A_53, %swap3A_54, %swap3A_55] : memref<2x10112x64xf32, #tpu.memory_space<vmem>>, vector<1x10000x64xf32>
    %swap3A_57 = vector.shape_cast %swap3A_56 : vector<1x10000x64xf32> to vector<10000x64xf32>
    %swap3A_58 = vector.shape_cast %mul3A_52 : vector<10000x64xf32> to vector<1x10000x64xf32>
    tpu.vector_store %arg4[%swap3A_53, %swap3A_54, %swap3A_55], %swap3A_58 {strides = array<i32>} : memref<2x10112x64xf32, #tpu.memory_space<vmem>>, vector<1x10000x64xf32>,
    %mul3A_59 = vector.broadcast %exp3A_33 : vector<10000x1xf32> to vector<10000x64xf32>
    %mul3A_60 = arith.mulf %dot_general3A_5, %mul3A_59 : vector<10000x64xf32>
    %swap3A_61 = arith.constant 1 : index
    %swap3A_62 = arith.constant 0 : index
    %swap3A_63 = arith.constant 0 : index
    %swap3A_64 = vector.load %arg4[%swap3A_61, %swap3A_62, %swap3A_63] : memref<2x10112x64xf32, #tpu.memory_space<vmem>>, vector<1x10000x64xf32>
    %swap3A_65 = vector.shape_cast %swap3A_64 : vector<1x10000x64xf32> to vector<10000x64xf32>
    %swap3A_66 = vector.shape_cast %mul3A_60 : vector<10000x64xf32> to vector<1x10000x64xf32>
    tpu.vector_store %arg4[%swap3A_61, %swap3A_62, %swap3A_63], %swap3A_66 {strides = array<i32>} : memref<2x10112x64xf32, #tpu.memory_space<vmem>>, vector<1x10000x64xf32>,
    %broadcast_in_dim3A_67 = arith.constant 0.000000e+00 : f32
    %broadcast_in_dim3A_68 = vector.broadcast %broadcast_in_dim3A_67 : f32 to vector<10128x8xf32>
    %swap3A_69 = arith.constant 0 : index
    %swap3A_70 = arith.constant 0 : index
    %swap3A_71 = vector.load %arg5[%swap3A_69, %swap3A_70] : memref<10128x8xf32, #tpu.memory_space<vmem>>, vector<10128x8xf32>
    tpu.vector_store %arg5[%swap3A_69, %swap3A_70], %broadcast_in_dim3A_68 {strides = array<i32>} : memref<10128x8xf32, #tpu.memory_space<vmem>>, vector<10128x8xf32>,
    %swap3A_72 = arith.constant 0 : index
    %swap3A_73 = arith.constant 0 : index
    %swap3A_74 = vector.load %arg5[%swap3A_72, %swap3A_73] : memref<10128x8xf32, #tpu.memory_space<vmem>>, vector<10000x1xf32>
    tpu.vector_store %arg5[%swap3A_72, %swap3A_73], %dot_general3A_13 {strides = array<i32>} : memref<10128x8xf32, #tpu.memory_space<vmem>>, vector<10000x1xf32>,
    %swap3A_75 = arith.constant 0 : index
    %swap3A_76 = arith.constant 1 : index
    %swap3A_77 = vector.load %arg5[%swap3A_75, %swap3A_76] : memref<10128x8xf32, #tpu.memory_space<vmem>>, vector<10000x1xf32>
    tpu.vector_store %arg5[%swap3A_75, %swap3A_76], %dot_general3A_15 {strides = array<i32>} : memref<10128x8xf32, #tpu.memory_space<vmem>>, vector<10000x1xf32>,
    %swap3A_78 = arith.constant 0 : index
    %swap3A_79 = arith.constant 2 : index
    %swap3A_80 = vector.load %arg5[%swap3A_78, %swap3A_79] : memref<10128x8xf32, #tpu.memory_space<vmem>>, vector<10000x1xf32>
    tpu.vector_store %arg5[%swap3A_78, %swap3A_79], %exp3A_37 {strides = array<i32>} : memref<10128x8xf32, #tpu.memory_space<vmem>>, vector<10000x1xf32>,
    %swap3A_81 = arith.constant 0 : index
    %swap3A_82 = arith.constant 3 : index
    %swap3A_83 = vector.load %arg5[%swap3A_81, %swap3A_82] : memref<10128x8xf32, #tpu.memory_space<vmem>>, vector<10000x1xf32>
    tpu.vector_store %arg5[%swap3A_81, %swap3A_82], %exp3A_46 {strides = array<i32>} : memref<10128x8xf32, #tpu.memory_space<vmem>>, vector<10000x1xf32>,
    %broadcast_in_dim3A_84 = vector.broadcast %reduce_max3A_19 : f32 to vector<16x1xf32>
    %swap3A_85 = arith.constant 10112 : index
    %swap3A_86 = arith.constant 0 : index
    %swap3A_87 = vector.load %arg5[%swap3A_85, %swap3A_86] : memref<10128x8xf32, #tpu.memory_space<vmem>>, vector<16x1xf32>
    tpu.vector_store %arg5[%swap3A_85, %swap3A_86], %broadcast_in_dim3A_84 {strides = array<i32>} : memref<10128x8xf32, #tpu.memory_space<vmem>>, vector<16x1xf32>,
    return
  }
}

module attributes {stable_mosaic.version = 14 : i64} {
  func.func @_mid_body(%arg0: memref<10112x128xf32, #tpu.memory_space<vmem>>, %arg1: memref<10112x2xf32, #tpu.memory_space<vmem>>, %arg2: memref<10128x8xf32, #tpu.memory_space<vmem>>, %arg3: memref<64xf32, #tpu.memory_space<vmem>>, %arg4: memref<64x64xf32, #tpu.memory_space<vmem>>, %arg5: memref<64x1xf32, #tpu.memory_space<vmem>>, %arg6: memref<64x1xf32, #tpu.memory_space<vmem>>, %arg7: memref<2x10112x64xf32, #tpu.memory_space<vmem>>, %arg8: memref<10128x8xf32, #tpu.memory_space<vmem>>) attributes {dimension_semantics = [], scalar_prefetch = 0 : i64, scratch_operands = 0 : i64, tpu.core_type = #tpu.core_type<tc>} {
    %get3A = arith.constant 0 : index
    %get3A_0 = arith.constant 0 : index
    %get3A_1 = vector.load %arg0[%get3A, %get3A_0] : memref<10112x128xf32, #tpu.memory_space<vmem>>, vector<10000x64xf32>
    %get3A_2 = arith.constant 0 : index
    %get3A_3 = arith.constant 64 : index
    %get3A_4 = vector.load %arg0[%get3A_2, %get3A_3] : memref<10112x128xf32, #tpu.memory_space<vmem>>, vector<10000x64xf32>
    %get3A_5 = arith.constant 0 : index
    %get3A_6 = arith.constant 2 : index
    %get3A_7 = vector.load %arg2[%get3A_5, %get3A_6] : memref<10128x8xf32, #tpu.memory_space<vmem>>, vector<10000x1xf32>
    %get3A_8 = arith.constant 0 : index
    %get3A_9 = arith.constant 3 : index
    %get3A_10 = vector.load %arg2[%get3A_8, %get3A_9] : memref<10128x8xf32, #tpu.memory_space<vmem>>, vector<10000x1xf32>
    %mul3A = vector.broadcast %get3A_7 : vector<10000x1xf32> to vector<10000x64xf32>
    %mul3A_11 = arith.mulf %mul3A, %get3A_1 : vector<10000x64xf32>
    %mul3A_12 = vector.broadcast %get3A_10 : vector<10000x1xf32> to vector<10000x64xf32>
    %mul3A_13 = arith.mulf %mul3A_12, %get3A_4 : vector<10000x64xf32>
    %add3A = arith.addf %mul3A_11, %mul3A_13 : vector<10000x64xf32>
    %get3A_14 = arith.constant 0 : index
    %get3A_15 = arith.constant 0 : index
    %get3A_16 = vector.load %arg1[%get3A_14, %get3A_15] : memref<10112x2xf32, #tpu.memory_space<vmem>>, vector<10000x1xf32>
    %mul3A_17 = arith.mulf %get3A_7, %get3A_16 : vector<10000x1xf32>
    %get3A_18 = arith.constant 0 : index
    %get3A_19 = arith.constant 1 : index
    %get3A_20 = vector.load %arg1[%get3A_18, %get3A_19] : memref<10112x2xf32, #tpu.memory_space<vmem>>, vector<10000x1xf32>
    %mul3A_21 = arith.mulf %get3A_10, %get3A_20 : vector<10000x1xf32>
    %add3A_22 = arith.addf %mul3A_17, %mul3A_21 : vector<10000x1xf32>
    %div3A = vector.broadcast %add3A_22 : vector<10000x1xf32> to vector<10000x64xf32>
    %div3A_23 = arith.divf %add3A, %div3A : vector<10000x64xf32>
    %get3A_24 = arith.constant 0 : index
    %get3A_25 = vector.load %arg3[%get3A_24] : memref<64xf32, #tpu.memory_space<vmem>>, vector<64xf32>
    %broadcast_in_dim3A = vector.shape_cast %get3A_25 : vector<64xf32> to vector<1x64xf32>
    %add3A_26 = vector.broadcast %broadcast_in_dim3A : vector<1x64xf32> to vector<10000x64xf32>
    %add3A_27 = arith.addf %div3A_23, %add3A_26 : vector<10000x64xf32>
    %max3A = arith.constant 0.000000e+00 : f32
    %max3A_28 = vector.broadcast %max3A : f32 to vector<10000x64xf32>
    %max3A_29 = arith.maximumf %add3A_27, %max3A_28 : vector<10000x64xf32>
    %get3A_30 = arith.constant 0 : index
    %get3A_31 = arith.constant 0 : index
    %get3A_32 = vector.load %arg4[%get3A_30, %get3A_31] : memref<64x64xf32, #tpu.memory_space<vmem>>, vector<64x64xf32>
    %dot_general3A = arith.constant dense<0.000000e+00> : vector<10000x64xf32>
    %dot_general3A_33 = tpu.matmul %max3A_29, %get3A_32, %dot_general3A {dimension_numbers = #tpu.dot_dimension_numbers<[1], [0], [0], [1], [0, 0, 1, 1], [], []>, transpose_lhs_hint = false} : vector<10000x64xf32>, vector<64x64xf32>, vector<10000x64xf32> -> vector<10000x64xf32>
    %get3A_34 = arith.constant 0 : index
    %get3A_35 = arith.constant 0 : index
    %get3A_36 = vector.load %arg5[%get3A_34, %get3A_35] : memref<64x1xf32, #tpu.memory_space<vmem>>, vector<64x1xf32>
    %get3A_37 = arith.constant 0 : index
    %get3A_38 = arith.constant 0 : index
    %get3A_39 = vector.load %arg6[%get3A_37, %get3A_38] : memref<64x1xf32, #tpu.memory_space<vmem>>, vector<64x1xf32>
    %dot_general3A_40 = arith.constant dense<0.000000e+00> : vector<10000x1xf32>
    %dot_general3A_41 = tpu.matmul %dot_general3A_33, %get3A_36, %dot_general3A_40 {dimension_numbers = #tpu.dot_dimension_numbers<[1], [0], [0], [1], [0, 0, 1, 1], [], []>, transpose_lhs_hint = false} : vector<10000x64xf32>, vector<64x1xf32>, vector<10000x1xf32> -> vector<10000x1xf32>
    %dot_general3A_42 = arith.constant dense<0.000000e+00> : vector<10000x1xf32>
    %dot_general3A_43 = tpu.matmul %dot_general3A_33, %get3A_39, %dot_general3A_42 {dimension_numbers = #tpu.dot_dimension_numbers<[1], [0], [0], [1], [0, 0, 1, 1], [], []>, transpose_lhs_hint = false} : vector<10000x64xf32>, vector<64x1xf32>, vector<10000x1xf32> -> vector<10000x1xf32>
    %reduce_max3A = vector.shape_cast %dot_general3A_41 : vector<10000x1xf32> to vector<1x10000x1xf32>
    %reduce_max3A_44 = arith.constant dense<0xFF800000> : vector<1xf32>
    %reduce_max3A_45 = vector.multi_reduction <maximumf>, %reduce_max3A, %reduce_max3A_44 [1, 2] : vector<1x10000x1xf32> to vector<1xf32>
    %reduce_max3A_46 = vector.shape_cast %reduce_max3A_45 : vector<1xf32> to vector<1x1x1xf32>
    %reduce_max3A_47 = vector.extract %reduce_max3A_46[0, 0, 0] : f32 from vector<1x1x1xf32>
    %reduce_max3A_48 = vector.shape_cast %dot_general3A_43 : vector<10000x1xf32> to vector<1x10000x1xf32>
    %reduce_max3A_49 = arith.constant dense<0xFF800000> : vector<1xf32>
    %reduce_max3A_50 = vector.multi_reduction <maximumf>, %reduce_max3A_48, %reduce_max3A_49 [1, 2] : vector<1x10000x1xf32> to vector<1xf32>
    %reduce_max3A_51 = vector.shape_cast %reduce_max3A_50 : vector<1xf32> to vector<1x1x1xf32>
    %reduce_max3A_52 = vector.extract %reduce_max3A_51[0, 0, 0] : f32 from vector<1x1x1xf32>
    %add3A_53 = arith.addf %reduce_max3A_47, %reduce_max3A_52 : f32
    %gt3A = arith.constant 0.000000e+00 : f32
    %gt3A_54 = arith.cmpf ogt, %add3A_53, %gt3A : f32
    %mul3A_55 = arith.constant 2.000000e-01 : f32
    %mul3A_56 = arith.mulf %mul3A_55, %add3A_53 : f32
    %select_n3A = arith.select %gt3A_54, %add3A_53, %mul3A_56 : f32
    %sub3A = vector.broadcast %reduce_max3A_47 : f32 to vector<10000x1xf32>
    %sub3A_57 = arith.subf %dot_general3A_41, %sub3A : vector<10000x1xf32>
    %exp3A = math.exp %sub3A_57 : vector<10000x1xf32>
    %sub3A_58 = vector.broadcast %reduce_max3A_47 : f32 to vector<10000x1xf32>
    %sub3A_59 = arith.subf %dot_general3A_41, %sub3A_58 : vector<10000x1xf32>
    %mul3A_60 = arith.constant 2.000000e-01 : f32
    %mul3A_61 = vector.broadcast %mul3A_60 : f32 to vector<10000x1xf32>
    %mul3A_62 = arith.mulf %mul3A_61, %sub3A_59 : vector<10000x1xf32>
    %exp3A_63 = math.exp %mul3A_62 : vector<10000x1xf32>
    %sub3A_64 = arith.subf %select_n3A, %reduce_max3A_47 : f32
    %sub3A_65 = vector.broadcast %sub3A_64 : f32 to vector<10000x1xf32>
    %sub3A_66 = arith.subf %dot_general3A_43, %sub3A_65 : vector<10000x1xf32>
    %exp3A_67 = math.exp %sub3A_66 : vector<10000x1xf32>
    %mul3A_68 = arith.constant 2.000000e-01 : f32
    %mul3A_69 = vector.broadcast %mul3A_68 : f32 to vector<10000x1xf32>
    %mul3A_70 = arith.mulf %mul3A_69, %dot_general3A_43 : vector<10000x1xf32>
    %mul3A_71 = arith.constant 2.000000e-01 : f32
    %mul3A_72 = arith.mulf %mul3A_71, %reduce_max3A_47 : f32
    %sub3A_73 = arith.subf %select_n3A, %mul3A_72 : f32
    %sub3A_74 = vector.broadcast %sub3A_73 : f32 to vector<10000x1xf32>
    %sub3A_75 = arith.subf %mul3A_70, %sub3A_74 : vector<10000x1xf32>
    %exp3A_76 = math.exp %sub3A_75 : vector<10000x1xf32>
    %broadcast_in_dim3A_77 = arith.constant 0.000000e+00 : f32
    %broadcast_in_dim3A_78 = vector.broadcast %broadcast_in_dim3A_77 : f32 to vector<2x10112x64xf32>
    %swap3A = arith.constant 0 : index
    %swap3A_79 = arith.constant 0 : index
    %swap3A_80 = arith.constant 0 : index
    %swap3A_81 = vector.load %arg7[%swap3A, %swap3A_79, %swap3A_80] : memref<2x10112x64xf32, #tpu.memory_space<vmem>>, vector<2x10112x64xf32>
    tpu.vector_store %arg7[%swap3A, %swap3A_79, %swap3A_80], %broadcast_in_dim3A_78 {strides = array<i32>} : memref<2x10112x64xf32, #tpu.memory_space<vmem>>, vector<2x10112x64xf32>,
    %mul3A_82 = vector.broadcast %exp3A : vector<10000x1xf32> to vector<10000x64xf32>
    %mul3A_83 = arith.mulf %dot_general3A_33, %mul3A_82 : vector<10000x64xf32>
    %swap3A_84 = arith.constant 0 : index
    %swap3A_85 = arith.constant 0 : index
    %swap3A_86 = arith.constant 0 : index
    %swap3A_87 = vector.load %arg7[%swap3A_84, %swap3A_85, %swap3A_86] : memref<2x10112x64xf32, #tpu.memory_space<vmem>>, vector<1x10000x64xf32>
    %swap3A_88 = vector.shape_cast %swap3A_87 : vector<1x10000x64xf32> to vector<10000x64xf32>
    %swap3A_89 = vector.shape_cast %mul3A_83 : vector<10000x64xf32> to vector<1x10000x64xf32>
    tpu.vector_store %arg7[%swap3A_84, %swap3A_85, %swap3A_86], %swap3A_89 {strides = array<i32>} : memref<2x10112x64xf32, #tpu.memory_space<vmem>>, vector<1x10000x64xf32>,
    %mul3A_90 = vector.broadcast %exp3A_63 : vector<10000x1xf32> to vector<10000x64xf32>
    %mul3A_91 = arith.mulf %dot_general3A_33, %mul3A_90 : vector<10000x64xf32>
    %swap3A_92 = arith.constant 1 : index
    %swap3A_93 = arith.constant 0 : index
    %swap3A_94 = arith.constant 0 : index
    %swap3A_95 = vector.load %arg7[%swap3A_92, %swap3A_93, %swap3A_94] : memref<2x10112x64xf32, #tpu.memory_space<vmem>>, vector<1x10000x64xf32>
    %swap3A_96 = vector.shape_cast %swap3A_95 : vector<1x10000x64xf32> to vector<10000x64xf32>
    %swap3A_97 = vector.shape_cast %mul3A_91 : vector<10000x64xf32> to vector<1x10000x64xf32>
    tpu.vector_store %arg7[%swap3A_92, %swap3A_93, %swap3A_94], %swap3A_97 {strides = array<i32>} : memref<2x10112x64xf32, #tpu.memory_space<vmem>>, vector<1x10000x64xf32>,
    %broadcast_in_dim3A_98 = arith.constant 0.000000e+00 : f32
    %broadcast_in_dim3A_99 = vector.broadcast %broadcast_in_dim3A_98 : f32 to vector<10128x8xf32>
    %swap3A_100 = arith.constant 0 : index
    %swap3A_101 = arith.constant 0 : index
    %swap3A_102 = vector.load %arg8[%swap3A_100, %swap3A_101] : memref<10128x8xf32, #tpu.memory_space<vmem>>, vector<10128x8xf32>
    tpu.vector_store %arg8[%swap3A_100, %swap3A_101], %broadcast_in_dim3A_99 {strides = array<i32>} : memref<10128x8xf32, #tpu.memory_space<vmem>>, vector<10128x8xf32>,
    %swap3A_103 = arith.constant 0 : index
    %swap3A_104 = arith.constant 0 : index
    %swap3A_105 = vector.load %arg8[%swap3A_103, %swap3A_104] : memref<10128x8xf32, #tpu.memory_space<vmem>>, vector<10000x1xf32>
    tpu.vector_store %arg8[%swap3A_103, %swap3A_104], %dot_general3A_41 {strides = array<i32>} : memref<10128x8xf32, #tpu.memory_space<vmem>>, vector<10000x1xf32>,
    %swap3A_106 = arith.constant 0 : index
    %swap3A_107 = arith.constant 1 : index
    %swap3A_108 = vector.load %arg8[%swap3A_106, %swap3A_107] : memref<10128x8xf32, #tpu.memory_space<vmem>>, vector<10000x1xf32>
    tpu.vector_store %arg8[%swap3A_106, %swap3A_107], %dot_general3A_43 {strides = array<i32>} : memref<10128x8xf32, #tpu.memory_space<vmem>>, vector<10000x1xf32>,
    %swap3A_109 = arith.constant 0 : index
    %swap3A_110 = arith.constant 2 : index
    %swap3A_111 = vector.load %arg8[%swap3A_109, %swap3A_110] : memref<10128x8xf32, #tpu.memory_space<vmem>>, vector<10000x1xf32>
    tpu.vector_store %arg8[%swap3A_109, %swap3A_110], %exp3A_67 {strides = array<i32>} : memref<10128x8xf32, #tpu.memory_space<vmem>>, vector<10000x1xf32>,
    %swap3A_112 = arith.constant 0 : index
    %swap3A_113 = arith.constant 3 : index
    %swap3A_114 = vector.load %arg8[%swap3A_112, %swap3A_113] : memref<10128x8xf32, #tpu.memory_space<vmem>>, vector<10000x1xf32>
    tpu.vector_store %arg8[%swap3A_112, %swap3A_113], %exp3A_76 {strides = array<i32>} : memref<10128x8xf32, #tpu.memory_space<vmem>>, vector<10000x1xf32>,
    %broadcast_in_dim3A_115 = vector.broadcast %reduce_max3A_47 : f32 to vector<16x1xf32>
    %swap3A_116 = arith.constant 10112 : index
    %swap3A_117 = arith.constant 0 : index
    %swap3A_118 = vector.load %arg8[%swap3A_116, %swap3A_117] : memref<10128x8xf32, #tpu.memory_space<vmem>>, vector<16x1xf32>
    tpu.vector_store %arg8[%swap3A_116, %swap3A_117], %broadcast_in_dim3A_115 {strides = array<i32>} : memref<10128x8xf32, #tpu.memory_space<vmem>>, vector<16x1xf32>,
    return
  }
}

module attributes {stable_mosaic.version = 14 : i64} {
  func.func @_final_body(%arg0: memref<10112x128xf32, #tpu.memory_space<vmem>>, %arg1: memref<10112x2xf32, #tpu.memory_space<vmem>>, %arg2: memref<10128x8xf32, #tpu.memory_space<vmem>>, %arg3: memref<64xf32, #tpu.memory_space<vmem>>, %arg4: memref<10000x1xi32, #tpu.memory_space<vmem>>, %arg5: memref<64x10xf32, #tpu.memory_space<vmem>>, %arg6: memref<10xf32, #tpu.memory_space<vmem>>, %arg7: memref<64x10xf32, #tpu.memory_space<vmem>>) attributes {dimension_semantics = [], scalar_prefetch = 0 : i64, scratch_operands = 0 : i64, tpu.core_type = #tpu.core_type<tc>} {
    %get3A = arith.constant 0 : index
    %get3A_0 = arith.constant 0 : index
    %get3A_1 = vector.load %arg0[%get3A, %get3A_0] : memref<10112x128xf32, #tpu.memory_space<vmem>>, vector<10000x64xf32>
    %get3A_2 = arith.constant 0 : index
    %get3A_3 = arith.constant 64 : index
    %get3A_4 = vector.load %arg0[%get3A_2, %get3A_3] : memref<10112x128xf32, #tpu.memory_space<vmem>>, vector<10000x64xf32>
    %get3A_5 = arith.constant 0 : index
    %get3A_6 = arith.constant 2 : index
    %get3A_7 = vector.load %arg2[%get3A_5, %get3A_6] : memref<10128x8xf32, #tpu.memory_space<vmem>>, vector<10000x1xf32>
    %get3A_8 = arith.constant 0 : index
    %get3A_9 = arith.constant 3 : index
    %get3A_10 = vector.load %arg2[%get3A_8, %get3A_9] : memref<10128x8xf32, #tpu.memory_space<vmem>>, vector<10000x1xf32>
    %mul3A = vector.broadcast %get3A_7 : vector<10000x1xf32> to vector<10000x64xf32>
    %mul3A_11 = arith.mulf %mul3A, %get3A_1 : vector<10000x64xf32>
    %mul3A_12 = vector.broadcast %get3A_10 : vector<10000x1xf32> to vector<10000x64xf32>
    %mul3A_13 = arith.mulf %mul3A_12, %get3A_4 : vector<10000x64xf32>
    %add3A = arith.addf %mul3A_11, %mul3A_13 : vector<10000x64xf32>
    %get3A_14 = arith.constant 0 : index
    %get3A_15 = arith.constant 0 : index
    %get3A_16 = vector.load %arg1[%get3A_14, %get3A_15] : memref<10112x2xf32, #tpu.memory_space<vmem>>, vector<10000x1xf32>
    %mul3A_17 = arith.mulf %get3A_7, %get3A_16 : vector<10000x1xf32>
    %get3A_18 = arith.constant 0 : index
    %get3A_19 = arith.constant 1 : index
    %get3A_20 = vector.load %arg1[%get3A_18, %get3A_19] : memref<10112x2xf32, #tpu.memory_space<vmem>>, vector<10000x1xf32>
    %mul3A_21 = arith.mulf %get3A_10, %get3A_20 : vector<10000x1xf32>
    %add3A_22 = arith.addf %mul3A_17, %mul3A_21 : vector<10000x1xf32>
    %div3A = vector.broadcast %add3A_22 : vector<10000x1xf32> to vector<10000x64xf32>
    %div3A_23 = arith.divf %add3A, %div3A : vector<10000x64xf32>
    %get3A_24 = arith.constant 0 : index
    %get3A_25 = vector.load %arg3[%get3A_24] : memref<64xf32, #tpu.memory_space<vmem>>, vector<64xf32>
    %broadcast_in_dim3A = vector.shape_cast %get3A_25 : vector<64xf32> to vector<1x64xf32>
    %add3A_26 = vector.broadcast %broadcast_in_dim3A : vector<1x64xf32> to vector<10000x64xf32>
    %add3A_27 = arith.addf %div3A_23, %add3A_26 : vector<10000x64xf32>
    %max3A = arith.constant 0.000000e+00 : f32
    %max3A_28 = vector.broadcast %max3A : f32 to vector<10000x64xf32>
    %max3A_29 = arith.maximumf %add3A_27, %max3A_28 : vector<10000x64xf32>
    %get3A_30 = arith.constant 0 : index
    %get3A_31 = arith.constant 0 : index
    %get3A_32 = vector.load %arg4[%get3A_30, %get3A_31] : memref<10000x1xi32, #tpu.memory_space<vmem>>, vector<10000x1xi32>
    %iota3A = tpu.iota {dimensions = array<i32: 1>} : vector<10000x64xi32>
    %eq3A = vector.broadcast %get3A_32 : vector<10000x1xi32> to vector<10000x64xi32>
    %eq3A_33 = arith.cmpi eq, %eq3A, %iota3A : vector<10000x64xi32>
    %convert_element_type3A = arith.extui %eq3A_33 : vector<10000x64xi1> to vector<10000x64xi32>
    %convert_element_type3A_34 = arith.sitofp %convert_element_type3A : vector<10000x64xi32> to vector<10000x64xf32>
    %dot_general3A = arith.constant dense<0.000000e+00> : vector<64x64xf32>
    %dot_general3A_35 = tpu.matmul %convert_element_type3A_34, %max3A_29, %dot_general3A {dimension_numbers = #tpu.dot_dimension_numbers<[0], [0], [1], [1], [0, 1, 1, 1], [], []>, transpose_lhs_hint = false} : vector<10000x64xf32>, vector<10000x64xf32>, vector<64x64xf32> -> vector<64x64xf32>
    %broadcast_in_dim3A_36 = arith.constant 1.000000e+00 : f32
    %broadcast_in_dim3A_37 = vector.broadcast %broadcast_in_dim3A_36 : f32 to vector<10000x1xf32>
    %dot_general3A_38 = arith.constant dense<0.000000e+00> : vector<64x1xf32>
    %dot_general3A_39 = tpu.matmul %convert_element_type3A_34, %broadcast_in_dim3A_37, %dot_general3A_38 {dimension_numbers = #tpu.dot_dimension_numbers<[0], [0], [1], [1], [0, 1, 1, 1], [], []>, transpose_lhs_hint = false} : vector<10000x64xf32>, vector<10000x1xf32>, vector<64x1xf32> -> vector<64x1xf32>
    %max3A_40 = arith.constant 1.000000e+00 : f32
    %max3A_41 = vector.broadcast %max3A_40 : f32 to vector<64x1xf32>
    %max3A_42 = arith.maximumf %dot_general3A_39, %max3A_41 : vector<64x1xf32>
    %div3A_43 = vector.broadcast %max3A_42 : vector<64x1xf32> to vector<64x64xf32>
    %div3A_44 = arith.divf %dot_general3A_35, %div3A_43 : vector<64x64xf32>
    %get3A_45 = arith.constant 0 : index
    %get3A_46 = arith.constant 0 : index
    %get3A_47 = vector.load %arg5[%get3A_45, %get3A_46] : memref<64x10xf32, #tpu.memory_space<vmem>>, vector<64x10xf32>
    %dot_general3A_48 = arith.constant dense<0.000000e+00> : vector<64x10xf32>
    %dot_general3A_49 = tpu.matmul %div3A_44, %get3A_47, %dot_general3A_48 {dimension_numbers = #tpu.dot_dimension_numbers<[1], [0], [0], [1], [0, 0, 1, 1], [], []>, transpose_lhs_hint = false} : vector<64x64xf32>, vector<64x10xf32>, vector<64x10xf32> -> vector<64x10xf32>
    %get3A_50 = arith.constant 0 : index
    %get3A_51 = vector.load %arg6[%get3A_50] : memref<10xf32, #tpu.memory_space<vmem>>, vector<10xf32>
    %broadcast_in_dim3A_52 = vector.shape_cast %get3A_51 : vector<10xf32> to vector<1x10xf32>
    %add3A_53 = vector.broadcast %broadcast_in_dim3A_52 : vector<1x10xf32> to vector<64x10xf32>
    %add3A_54 = arith.addf %dot_general3A_49, %add3A_53 : vector<64x10xf32>
    %swap3A = arith.constant 0 : index
    %swap3A_55 = arith.constant 0 : index
    %swap3A_56 = vector.load %arg7[%swap3A, %swap3A_55] : memref<64x10xf32, #tpu.memory_space<vmem>>, vector<64x10xf32>
    tpu.vector_store %arg7[%swap3A, %swap3A_55], %add3A_54 {strides = array<i32>} : memref<64x10xf32, #tpu.memory_space<vmem>>, vector<64x10xf32>,
    return
  }
}

</mosaic_0001>

<sc_bundles>
// kernel: kernel.10.cloned.1.call-start
scs
__scs_entry_jumppad:
0x0: {  	(pc) =	sbr.rel $0x88, $3  }
0x1: {  	(tag) =	ssettag $0x0;
	lr =	simm.s32 $0x1  }
0x2: {  	[smem:$0x3F94] =	sst lr;
	_ =	strace $0xD0000000  }
0x3: {  	_ = 	snop  }
0x4: {  	_ = 	snop  }
0x5: {  	_ = 	snop  }
0x6: {  	_ = 	snop  }
0x7: {  	_ = 	snop  }
__scs_overlays_trampoline_lowered:
0x8: {  	[smem:$0x3FA3] =	sst s0  }
0x9: {  	[smem:$0x3FA4] =	sst s1  }
0xa: {  	[smem:$0x3FA5] =	sst s2  }
0xb: {  	[smem:$0x3FA6] =	sst s3  }
0xc: {  	[smem:$0x3FA7] =	sst s4  }
0xd: {  	[smem:$0x3FA8] =	sst s5  }
0xe: {  	[smem:$0x3FA9] =	sst s6  }
0xf: {  	[smem:$0x3FAA] =	sst s7  }
0x10: {  	[smem:$0x3FAB] =	sst s8  }
0x11: {  	[smem:$0x3FAC] =	sst s9;
	s0 =	simm.s32 @!p0 $0x0  }
0x12: {  	s1 =	sld [smem:$0x3F92];
	s0 =	simm.s32 @p0 $0x1  }
0x13: {  	[smem:$0x3FAD] =	sst s0;
	s0 =	simm.s32 @!p1 $0x0  }
0x14: {  	s2 =	sld [smem:$0x3F91];
	s0 =	simm.s32 @p1 $0x1  }
0x15: {  	[smem:$0x3FAE] =	sst s0;
	s0 =	simm.s32 @!p2 $0x0  }
0x16: {  	s3 =	sld [smem:$0x3FDB];
	s0 =	simm.s32 @p2 $0x1  }
0x17: {  	s4 =	simm.s32 $0x1BF5;
	[smem:$0x3FB0] =	sst s0  }
0x18: {  	s0 =	sld [smem:$0x3F93];
	_ =	swait.ge [sflag:s4], $0x0  }
0x19: {  	s7 =	sld [smem:$0x3F94]  }
0x1a: {  	s8 =	sadd.s32 $0xFFFFE003, lr  }
0x1b: {  	s9 =	sadd.s32 $0xFFFFFEF7, lr;
	s5 =	simm.s32 $0xFFFFFFFF;
	p2 =	slt.u32 s8, $0xFFFFF086  }
0x1c: {  	p1 =	slt.u32 s9, $0xF7A;
	s5 =	simm.s32 @!p2 $0x0  }
0x1d: {  	s5 =	simm.s32 @p1 $0x1;
	p0 =	seq.s32 s7, s2  }
0x1e: {  	s7 =	smul.u32 @!p0 $0xF7A, s2;
	p2 =	seq.s32 @!p0 s5, $0x0  }
0x1f: {  	s9 =	smul.u32 $0xF7A, s1;
	s8 =	simm.s32 @!p0 $0x1BF5;
	p2 =	por !p2, p0  }
0x20: {  	[sflag:s8] =	ssyncset.s32 @!p0 $0xFFFFF086;
	s6 =	sadd.s32 @!p0 s3, s7;
	s7 =	simm.s32 @!p0 $0x108  }
0x21: {  	s3 =	sadd.s32 s3, s9;
	s6 =	sadd.s32 @!p0 $0x88, s6;
	s7 =	simm.s32 @p2 $0x1082  }
0x22: {  	[simem:s7], [sflag:s8] =	dma.local @!p0 [hbm:s6], $0xF7A  }
0x23: {  	s9 =	sor.u32 $0xD0000000, s2;
	s6 =	simm.s32 $0x108;
	_ =	swait.ge @!p0 [sflag:s8], $0x0  }
0x24: {  	s3 =	sadd.s32 $0x88, s3;
	s6 =	simm.s32 @!p1 $0x1082;
	[sflag:s4] =	ssyncset.s32 $0xFFFFF086  }
0x25: {  	[simem:s6], [sflag:s4] =	dma.local [hbm:s3], $0xF7A  }
0x26: {  	[smem:$0x3F94] =	sst s1;
	(tag) =	ssettag s2;
	_ =	strace s9  }
0x27: {  	s1 =	sld [smem:$0x3FA4]  }
0x28: {  	s2 =	sld [smem:$0x3FA5]  }
0x29: {  	s4 =	sld [smem:$0x3FA7]  }
0x2a: {  	p0 =	seq.s32 s5, $0x0;
	s5 =	sld [smem:$0x3FA8]  }
0x2b: {  	s6 =	sld [smem:$0x3FA9]  }
0x2c: {  	s7 =	sld [smem:$0x3FAA]  }
0x2d: {  	s3 =	simm.s32 $0x108;
	s8 =	sld [smem:$0x3FAB]  }
0x2e: {  	s3 =	simm.s32 @!p0 $0x1082;
	s9 =	sld [smem:$0x3FAC]  }
0x2f: {  	lr =	sadd.s32 s0, s3;
	s0 =	sld [smem:$0x3FA3]  }
0x30: {  	s3 =	sld [smem:$0x3FA6]  }
0x31: {  	[smem:$0x3FAF] =	sst s10  }
0x32: {  	s10 =	sld [smem:$0x3FAD];
	_ =	sdelay $0x3  }
0x33: {  	p0 =	seq.s32 s10, $0x1;
	s10 =	sld [smem:$0x3FAF];
	_ =	sdelay $0x3  }
0x34: {  	[smem:$0x3FAF] =	sst s10  }
0x35: {  	s10 =	sld [smem:$0x3FAE];
	_ =	sdelay $0x3  }
0x36: {  	p1 =	seq.s32 s10, $0x1;
	s10 =	sld [smem:$0x3FAF];
	_ =	sdelay $0x3  }
0x37: {  	[smem:$0x3FAF] =	sst s10  }
0x38: {  	s10 =	sld [smem:$0x3FB0]  }
0x39: {  	_ = 	snop;
	(pc) =	sbr.ind lr, $3  }
0x3a: {  	_ = 	snop  }
0x3b: {  	_ = 	snop  }
0x3c: {  	p2 =	seq.s32 s10, $0x1;
	s10 =	sld [smem:$0x3FAF]  }
0x3d: {  	_ =	shalt  }
0x3e: {  	_ =	shalt  }
0x3f: {  	_ =	shalt  }
0x40: {  	_ =	shalt  }
0x41: {  	_ =	shalt  }
0x42: {  	_ =	shalt  }
0x43: {  	_ =	shalt  }
0x44: {  	_ =	shalt  }
0x45: {  	_ =	shalt  }
0x46: {  	_ =	shalt  }
0x47: {  	_ =	shalt  }
0x48: {  	_ =	shalt  }
0x49: {  	_ =	shalt  }
0x4a: {  	_ =	shalt  }
0x4b: {  	_ =	shalt  }
0x4c: {  	_ =	shalt  }
0x4d: {  	_ =	shalt  }
0x4e: {  	_ =	shalt  }
0x4f: {  	_ =	shalt  }
0x50: {  	_ =	shalt  }
0x51: {  	_ =	shalt  }
0x52: {  	_ =	shalt  }
0x53: {  	_ =	shalt  }
0x54: {  	_ =	shalt  }
0x55: {  	_ =	shalt  }
0x56: {  	_ =	shalt  }
0x57: {  	_ =	shalt  }
0x58: {  	_ =	shalt  }
0x59: {  	_ =	shalt  }
0x5a: {  	_ =	shalt  }
0x5b: {  	_ =	shalt  }
0x5c: {  	_ =	shalt  }
0x5d: {  	_ =	shalt  }
0x5e: {  	_ =	shalt  }
0x5f: {  	_ =	shalt  }
0x60: {  	_ =	shalt  }
0x61: {  	_ =	shalt  }
0x62: {  	_ =	shalt  }
0x63: {  	_ =	shalt  }
0x64: {  	_ =	shalt  }
0x65: {  	_ =	shalt  }
0x66: {  	_ =	shalt  }
0x67: {  	_ =	shalt  }
0x68: {  	_ =	shalt  }
0x69: {  	_ =	shalt  }
0x6a: {  	_ =	shalt  }
0x6b: {  	_ =	shalt  }
0x6c: {  	_ =	shalt  }
0x6d: {  	_ =	shalt  }
0x6e: {  	_ =	shalt  }
0x6f: {  	_ =	shalt  }
0x70: {  	_ =	shalt  }
0x71: {  	_ =	shalt  }
0x72: {  	_ =	shalt  }
0x73: {  	_ =	shalt  }
0x74: {  	_ =	shalt  }
0x75: {  	_ =	shalt  }
0x76: {  	_ =	shalt  }
0x77: {  	_ =	shalt  }
0x78: {  	_ =	shalt  }
0x79: {  	_ =	shalt  }
0x7a: {  	_ =	shalt  }
0x7b: {  	_ =	shalt  }
0x7c: {  	_ =	shalt  }
0x7d: {  	_ =	shalt  }
0x7e: {  	_ =	shalt  }
0x7f: {  	_ =	shalt  }
0x80: {  	_ =	shalt  }
0x81: {  	_ =	shalt  }
0x82: {  	_ =	shalt  }
0x83: {  	_ =	shalt  }
0x84: {  	_ =	shalt  }
0x85: {  	_ =	shalt  }
0x86: {  	_ =	shalt  }
0x87: {  	_ =	shalt  }
.Lfunc_end0:
.L_simem_size_0:
called_computation.1_lowered:
.L_overlay_start_0:
0x88: {  	s0 =	sld [smem:$0x3FD9]  }
0x89: {  	s1 =	sld [smem:$0x3FFE];
	_ =	sdelay $0x3  }
0x8a: {  	s0 =	sadd.s32 s1, s0  }
0x8b: {  	[smem:$0x3FBB] =	sst s0  }
0x8c: {  	_ = 	snop  }
0x8d: {  	(tm) =	ssettm $0x1  }
0x8e: {  	s15 =	sld [smem:$0x3FFB];
	_ =	sdelay $0x3  }
0x8f: {  	_ =	strace s15  }
0x90: {  	s0 =	sld [smem:$0x3FFC];
	_ =	sdelay $0x3  }
0x91: {  	_ =	strace s0  }
0x92: {  	s0 =	sld [smem:$0x3FFD];
	_ =	sdelay $0x3  }
0x93: {  	_ =	strace s0  }
0x94: {  	_ =	strace $0x8FFFFFFF  }
0x95: {  	s16 =	sld [smem:$0x3FDB];
	_ =	sdelay $0x1  }
0x96: {  	s17 =	simm.s32 $_scs_section_size  }
0x97: {  	s2 =	simm.s32 $_size__tile_overlayer_lowered;
	s3 =	simm.s32 $_tile_overlayer_lowered  }
0x98: {  	s20 =	simm.s32 $0x1BFF;
	s19 =	sshll.u32 s3, $0x1;
	s0 =	sadd.s32 s17, s16  }
0x99: {  	s4 =	simm.s32 $0x0;
	s18 =	sshll.u32 s2, $0x1;
	s2 =	sadd.s32 s19, s0  }
0x9a: {  	[timem:s4], [sflag:s20] =	dma.local [hbm:s2], s18  }
0x9b: {  	_ =	swait.ge [sflag:s20], s18  }
0x9c: {  	s1 =	ssub.s32 $0x0, s18;
	[sflag:s20] =	ssyncset.done $0x0  }
0x9d: {  	[sflag:s20] =	ssyncadd.s32 s1;
	_ =	sdelay $0x1  }
0x9e: {  	s21 =	simm.s32 $0x1B8B  }
0x9f: {  	_ =	swait.ge [sflag:s21], $0x1  }
0xa0: {  	[sflag:s21] =	ssyncset.done $0x0  }
0xa1: {  	s23 =	simm.s32 $0x1B8E;
	s22 =	sld [smem:$0x3FFE];
	[sflag:s21] =	ssyncadd.s32 $0xFFFFFFFF  }
0xa2: {  	s24 =	simm.s32 $execute0_lowered;
	[smem:$0x3FD2] =	sst s23  }
0xa3: {  	s2 =	sshll.u32 s24, $0x1;
	_ =	strace $0x80000049;
	[dreg:$0x1] =	wrdreg $0xFFFFFFFF  }
0xa4: {  	s25 =	simm.s32 $_size_execute0_lowered;
	s0 =	sadd.s32 s0, s2;
	[dreg:$0x0] =	wrdreg $0x0  }
0xa5: {  	s2 =	sshll.u32 s25, $0x1;
	[dreg:$0x2] =	wrdreg s0  }
0xa6: {  	[dreg:$0x3] =	wrdreg s2  }
0xa7: {  	[dreg:$0x4] =	wrdreg $0xC0  }
0xa8: {  	_ =	task [dreg:s4], $0x5FFFF  }
0xa9: {  	[dreg:$0x1] =	wrdreg $0xFFFFFFFF  }
0xaa: {  	[dreg:$0x0] =	wrdreg $0x60  }
0xab: {  	[dreg:$0x2] =	wrdreg s22  }
0xac: {  	[dreg:$0x3] =	wrdreg $0x178F00  }
0xad: {  	[dreg:$0x4] =	wrdreg $0x9  }
0xae: {  	_ =	task.clear_ibuf [dreg:s4], $0x5FFFF;
	_ =	strace $0x90000049  }
0xaf: {  	s26 =	simm.s32 $0x9;
	_ =	strace $0x8000004B  }
0xb0: {  	_ =	swait.ge [sflag:s26], $0x1  }
0xb1: {  	[sflag:s26] =	ssyncadd.s32 $0xFFFFFFFF  }
0xb2: {  	_ =	strace $0x9000004B  }
0xb3: {  	_ =	sfence  }
0xb4: {  	s28 =	sld [smem:$0x0];
	_ =	sdelay $0x1  }
0xb5: {  	s29 =	srdreg.scid  }
0xb6: {  	s30 =	sshll.u32 s29, $0xD;
	s31 =	sshrl.u32 s29, $0x2  }
0xb7: {  	s1 =	sand.u32 $0x1, s29;
	s2 =	sand.u32 $0x4000, s30;
	s0 =	sadd.s32 s31, s28  }
0xb8: {  	s1 =	sor.u32 s2, s1;
	s0 =	sshll.u32 s0, $0x11  }
0xb9: {  	s0 =	sor.u32 s0, s1  }
0xba: {  	s0 =	sadd.s32 $0x8F2B, s0  }
0xbb: {  	[sflag:s0] =	ssyncadd.remote.s32 $0x1  }
0xbc: {  	_ =	sfence.sel $0xFFFF  }
0xbd: {  	[dreg:$0x0] =	wrdreg $0xFFFFFFFF;
	(pc) =	sbr.abs _section_cstart, $3  }
0xbe: {  	[dreg:$0x1] =	wrdreg $0xFFFFFFFF  }
0xbf: {  	_ =	task.clear_ibuf [dreg:s4], $0x2FFFF;
	_ =	strace $0x9FFFFFFF  }
0xc0: {  	(tm) =	ssettm $0x7FFFFFFF  }
0xc1: {  	_ =	shalt  }
tec
execute0_lowered:
.L_overlay_start_1:
0x0: {  	(tag) =	ssettag $0x1  }
0x1: {  	s4 =	rddreg [dreg:$0x0]  }
0x2: {  	s1 =	rddreg [dreg:$0x1];
	s12 =	simm.s32 $0x0  }
0x3: {  	s3 =	simm.s32 $0x1440;
	[smem:$0x7FF] =	sst s12  }
0x4: {  	s13 =	simm.s32 $0x5;
	s2 =	sadd.s32 $0x1600, s4;
	_ =	strace $0x8000004A  }
0x5: {  	[tilespmem:s3], [sflag:$0x5] =	stream.linear.gather [hbm4b:s2+s12], $0x2790, $0x38;
	[tilespmem:$0x1C7F0] =	vst v63  }
0x6: {  	s7 =	simm.s32 $0x3BD0;
	_ =	swait.ge [sflag:s13], $0x2790  }
0x7: {  	s10 =	sadd.s32 $0x2200, s4;
	s2 =	stileid.u32;
	[sflag:s13] =	ssyncset.done $0x0  }
0x8: {  	s30 =	sadd.s32 $0x1C00, s4;
	s6 =	smul.u32 $0x4F00, s2;
	[sflag:s13] =	ssyncadd.s32 $0xFFFFD870  }
0x9: {  	[tilespmem:s7], [sflag:$0x5] =	stream.linear.gather [hbm4b:s30+s12], $0x2780, $0x38;
	[tilespmem:$0x1C7F0] =	vst v63  }
0xa: {  	s5 =	sadd.s32 $0x3DE00, s4;
	s0 =	sadd.s32 $0x3E800, s4;
	_ =	swait.ge [sflag:s13], $0x2780  }
0xb: {  	s31 =	sshll.u32 s2, $0x6;
	s9 =	sadd.s32 s6, s1;
	[sflag:s13] =	ssyncset.done $0x0  }
0xc: {  	s3 =	sor.u32 $0x1C05, s31;
	s9 =	sshrl.u32 s9, $0x3;
	[sflag:s13] =	ssyncadd.s32 $0xFFFFD880  }
0xd: {  	[spmem:s9], [sflag:s3] =	dma.local [hbm:s5], $0x9E0  }
0xe: {  	s11 =	sadd.s32 $0xC400, s4;
	s14 =	sand.u32 $0x1FF80, s12;
	[dreg:$0x5] =	wrdreg s0  }
0xf: {  	s15 =	sand.u32 $0x10, s12;
	s14 =	sshrl.u32 s14, $0x2;
	_ =	swait.ge [sflag:s13], $0x9E0  }
0x10: {  	s8 =	sadd.s32 $0x3F200, s4;
	s14 =	sor.u32 s15, s14;
	[sflag:s13] =	ssyncset.done $0x0  }
0x11: {  	v0 =	vimm.f32 $0.0e+00;
	s7 =	sadd.s32 $0x16600, s4;
	[sflag:s13] =	ssyncadd.s32 $0xFFFFF620;
	s13 =	simm.s32 $0x40  }
.LBB2_1:
0x12: {  	p0 =	sne.s32 s13, $0x13FC0  }
0x13: {  	[tilespmem:s14+$0x6350] =	vst v0;
	s12 =	sadd.s32 $0x10, s12;
	s14 =	smov.u32 s13;
	s13 =	sadd.s32 $0x40, s13  }
.Ltmp0:
0x14: {  	(pc) =	sbr.rel @p0 .LBB2_1-.Ltmp0, $4  }
0x15: {  	_ = 	snop  }
0x16: {  	s14 =	sand.u32 $0x1FF80, s14  }
0x17: {  	s15 =	sand.u32 $0x10, s12;
	s14 =	sshrl.u32 s14, $0x2  }
0x18: {  	s14 =	sor.u32 s15, s14  }
0x19: {  	[tilespmem:s14+$0x6350] =	vst v0;
	s13 =	smul.u32 $0x5100, s2;
	s14 =	simm.s32 $0x0  }
0x1a: {  	s19 =	simm.s32 $0x5180;
	s15 =	simm.s32 $0x5;
	s16 =	simm.s32 $0xA20  }
0x1b: {  	s17 =	simm.s32 $0x1440;
	s18 =	simm.s32 $0x3BD0;
	[bflag:$0x0] =	sbarrier.arrive $0xFFFF  }
0x1c: {  	v1 =	vimm.s32 $0x2780;
	v2 =	vimm.f32 $2.000000030e-01;
	s20 =	simm.s32 $0x6350;
	s12 =	simm.s32 $0x0;
	s21 =	simm.s32 $0x0;
	v0 =	vld [tilespmem:$0x3BC0]  }
.LBB2_3:
0x1d: {  	s22 =	smul.u32 $0xA20, s21;
	_ =	sdelay $0x1  }
0x1e: {  	s22 =	sadd.s32 s13, s22  }
0x1f: {  	s22 =	sshrl.u32 s22, $0x3  }
0x20: {  	s23 =	sadd.s32 s10, s22  }
0x21: {  	[tilespmem:s14], [sflag:$0x5] =	stream.linear.gather [hbm4b:s23+s14], $0xA20, $0x38;
	[tilespmem:$0x1C7F0] =	vst v63  }
0x22: {  	_ =	swait.ge [sflag:s15], $0xA20  }
0x23: {  	[sflag:s15] =	ssyncset.done $0x0  }
0x24: {  	s22 =	sadd.s32 s11, s22;
	[sflag:s15] =	ssyncadd.s32 $0xFFFFF5E0  }
0x25: {  	[tilespmem:s16], [sflag:$0x5] =	stream.linear.gather [hbm4b:s22+s14], $0xA20, $0x38;
	[tilespmem:$0x1C7F0] =	vst v63  }
0x26: {  	_ =	swait.ge [sflag:s15], $0xA20  }
0x27: {  	[sflag:s15] =	ssyncset.done $0x0  }
0x28: {  	s31 =	simm.s32 $0x0;
	[sflag:s15] =	ssyncadd.s32 $0xFFFFF5E0  }
0x29: {  	v4 =	vld [tilespmem:s31+$0x0]  }
0x2a: {  	v3 =	vld [tilespmem:s31+$0xA20];
	_ =	sdelay $0x6  }
0x2b: {  	v5 =	vld.idx.msk [tilespmem:v4+s17+$0x0], $0xffff  }
0x2c: {  	v6 =	vld.idx.msk [tilespmem:v3+s18+$0x0], $0xffff;
	_ =	sdelay $0x4  }
0x2d: {  	v6 =	vadd.f32 v6, v5;
	_ =	sdelay $0x1  }
0x2e: {  	vm0 =	vgt.f32 v6, $0.0e+00  }
0x2f: {  	v5 =	vsub.f32 v5, v0;
	v7 =	vmpcnt.ones.xlane vm0  }
0x30: {  	v6 =	vsel vm0, $0x3F800000, v2  }
0x31: {  	v5 =	vmul.f32 v6, v5;
	(v2sf) =	vpush v7, $0x0;
	_ =	sdelay $0x1  }
0x32: {  	v5 =	vmul.f32 $1.442695020e+00, v5;
	_ =	sdelay $0x1  }
0x33: {  	(erf) = vpow2.f32 v5;
	_ =	sdelay $0x3  }
0x34: {  	v5 =	vsel vm0, $0x0, v1  }
0x35: {  	v6 =	vadd.s32 v3, v5;
	_ =	sdelay $0x3  }
0x36: {  	v7 =	vpop (erf)  }
0x37: {  	v4 =	vadd.s32 v4, v5;
	[tilespmem:v6+s20+$0x0] =	vst.idx.add.f32.msk $0xffff, v7  }
0x38: {  	[tilespmem:s12+$0xB350] =	vst.msk vm0, v4;
	s24 =	spop (v2sf)  }
0x39: {  	s22 =	simm.s32 $0x40;
	vm1 =	vmneg vm0;
	[tilespmem:s12+$0x104E0] =	vst.msk vm0, v3;
	s23 =	sadd.s32 s24, s19;
	s12 =	sadd.s32 s12, s24  }
.LBB2_4:
0x3a: {  	p0 =	sne.s32 s22, $0x2840  }
0x3b: {  	s19 =	sadd.s32 $0xFFFFFFF0, s23;
	[tilespmem:s23+$0xB340] =	vst.msk vm1, v4;
	s24 =	smov.u32 s22;
	s22 =	sadd.s32 $0x40, s22  }
0x3c: {  	s24 =	sshra.s32 s24, $0x2;
	[tilespmem:s23+$0x104D0] =	vst.msk vm1, v3  }
0x3d: {  	v4 =	vld [tilespmem:s24+$0x0]  }
0x3e: {  	v3 =	vld [tilespmem:s24+$0xA20];
	_ =	sdelay $0x6  }
0x3f: {  	v5 =	vld.idx.msk [tilespmem:v4+s17+$0x0], $0xffff  }
0x40: {  	v6 =	vld.idx.msk [tilespmem:v3+s18+$0x0], $0xffff;
	_ =	sdelay $0x5  }
0x41: {  	v6 =	vadd.f32 v6, v5;
	_ =	sdelay $0x1  }
0x42: {  	v5 =	vsub.f32 v5, v0;
	vm0 =	vgt.f32 v6, $0.0e+00  }
0x43: {  	v6 =	vsel vm0, $0x0, v1;
	v7 =	vsel vm0, $0x3F800000, v2;
	v8 =	vmpcnt.ones.xlane vm0  }
0x44: {  	v5 =	vmul.f32 v7, v5;
	v7 =	vadd.s32 v3, v6  }
0x45: {  	(v2sf) =	vpush v8, $0x0  }
0x46: {  	v5 =	vmul.f32 $1.442695020e+00, v5;
	_ =	sdelay $0x1  }
0x47: {  	(erf) = vpow2.f32 v5;
	_ =	sdelay $0x8  }
.Ltmp1:
0x48: {  	v5 =	vpop (erf);
	(pc) =	sbr.rel @p0 .LBB2_4-.Ltmp1, $4  }
0x49: {  	v4 =	vadd.s32 v4, v6;
	[tilespmem:v7+s20+$0x0] =	vst.idx.add.f32.msk $0xffff, v5  }
0x4a: {  	[tilespmem:s12+$0xB350] =	vst.msk vm0, v4  }
0x4b: {  	vm1 =	vmneg vm0;
	[tilespmem:s12+$0x104E0] =	vst.msk vm0, v3;
	s24 =	spop (v2sf)  }
0x4c: {  	s23 =	sadd.s32 s24, s19;
	s12 =	sadd.s32 s12, s24  }
0x4d: {  	s21 =	sadd.s32 $0x1, s21  }
0x4e: {  	p0 =	seq.s32 s21, $0x8  }
.Ltmp2:
0x4f: {  	_ = 	snop;
	(pc) =	sbr.rel @!p0 .LBB2_3-.Ltmp2, $3  }
0x50: {  	_ =	sdelay $0x1  }
0x51: {  	[tilespmem:s23+$0xB340] =	vst.msk vm1, v4  }
0x52: {  	s19 =	sadd.s32 $0xFFFFFFF0, s23;
	[tilespmem:s23+$0x104D0] =	vst.msk vm1, v3  }
0x53: {  	v0 =	vimm.s32 $0x2710  }
0x54: {  	[tilespmem:s12+$0xB350] =	vst v0  }
0x55: {  	[tilespmem:s12+$0x104E0] =	vst v0  }
0x56: {  	[tilespmem:s12+$0xB360] =	vst v0  }
0x57: {  	[tilespmem:s12+$0x104F0] =	vst v0  }
0x58: {  	[tilespmem:s12+$0xB370] =	vst v0  }
0x59: {  	[tilespmem:s12+$0x10500] =	vst v0  }
0x5a: {  	[tilespmem:s12+$0xB380] =	vst v0  }
0x5b: {  	[tilespmem:s12+$0x10510] =	vst v0  }
0x5c: {  	[tilespmem:s12+$0xB390] =	vst v0  }
0x5d: {  	[tilespmem:s12+$0x10520] =	vst v0  }
0x5e: {  	[tilespmem:s12+$0xB3A0] =	vst v0  }
0x5f: {  	[tilespmem:s12+$0x10530] =	vst v0  }
0x60: {  	[tilespmem:s12+$0xB3B0] =	vst v0  }
0x61: {  	[tilespmem:s12+$0x10540] =	vst v0  }
0x62: {  	[tilespmem:s12+$0xB3C0] =	vst v0  }
0x63: {  	v1 =	vimm.s32 $0x4E90;
	[tilespmem:s12+$0x10550] =	vst v0  }
0x64: {  	[tilespmem:s19+$0xB2D0] =	vst v1  }
0x65: {  	[tilespmem:s19+$0x10460] =	vst v0  }
0x66: {  	[tilespmem:s19+$0xB2E0] =	vst v1  }
0x67: {  	[tilespmem:s19+$0x10470] =	vst v0  }
0x68: {  	[tilespmem:s19+$0xB2F0] =	vst v1  }
0x69: {  	[tilespmem:s19+$0x10480] =	vst v0  }
0x6a: {  	[tilespmem:s19+$0xB300] =	vst v1  }
0x6b: {  	[tilespmem:s19+$0x10490] =	vst v0  }
0x6c: {  	[tilespmem:s19+$0xB310] =	vst v1  }
0x6d: {  	[tilespmem:s19+$0x104A0] =	vst v0  }
0x6e: {  	[tilespmem:s19+$0xB320] =	vst v1  }
0x6f: {  	[tilespmem:s19+$0x104B0] =	vst v0  }
0x70: {  	[tilespmem:s19+$0xB330] =	vst v1  }
0x71: {  	[tilespmem:s19+$0x104C0] =	vst v0  }
0x72: {  	[tilespmem:s19+$0xB340] =	vst v1  }
0x73: {  	s11 =	simm.s32 $0x0;
	[tilespmem:s19+$0x104D0] =	vst v0;
	v0 =	vlaneseq.u32  }
0x74: {  	s10 =	simm.s32 $0x40;
	[tilespmem:s11+$0x17670] =	vst v0  }
.LBB2_7:
0x75: {  	p0 =	sne.s32 s10, $0x9C0  }
.Ltmp3:
0x76: {  	_ = 	snop;
	(pc) =	sbr.rel @p0 .LBB2_7-.Ltmp3, $3  }
0x77: {  	_ =	sdelay $0x1  }
0x78: {  	s11 =	sshra.s32 s10, $0x2;
	s10 =	sadd.s32 $0x40, s10;
	v0 =	vadd.s32 $0x10, v0  }
0x79: {  	[tilespmem:s11+$0x17670] =	vst v0  }
0x7a: {  	s10 =	sadd.s32 $0x7F, s12;
	s30 =	sand.u32 $0x7F, s19  }
0x7b: {  	s13 =	sshra.s32 s19, $0x1F;
	p5 =	slt.s32 s19, $0x1;
	s14 =	simm.s32 $0x1  }
0x7c: {  	s15 =	simm.s32 $0x15670;
	s11 =	sand.u32 $0x7F, s10;
	s12 =	sshra.s32 s10, $0x1F  }
0x7d: {  	p0 =	slt.s32 s10, $0x1;
	p6 =	sne.s32 s30, $0x0;
	s13 =	sshrl.u32 s13, $0x19  }
0x7e: {  	[dreg:$0x4] =	wrdreg s15;
	s15 =	simm.s32 $0x5;
	p1 =	sne.s32 s11, $0x0  }
0x7f: {  	s28 =	sshrl.u32 s12, $0x19;
	s11 =	simm.s32 $0x1;
	p0 =	por !p0, !p1  }
.Ltmp4:
0x80: {  	s13 =	sadd.s32 s13, s19;
	p0 =	por !p0, !p0;
	(pc) =	sbr.rel .LBB2_9-.Ltmp4, $4  }
0x81: {  	s10 =	sadd.s32 s28, s10;
	s11 =	simm.s32 @!p0 $0x0;
	p0 =	por !p5, !p6  }
0x82: {  	s31 =	sshra.s32 s13, $0x7;
	s13 =	simm.s32 $0x0;
	p0 =	por !p0, !p0  }
0x83: {  	s29 =	sshra.s32 s10, $0x7;
	s10 =	simm.s32 $0x1;
	s14 =	simm.s32 @!p0 $0x0  }
0x84: {  	s11 =	ssub.s32 s29, s11;
	s12 =	ssub.s32 s31, s14;
	s14 =	simm.s32 $0x80  }
.LBB2_12:
0x85: {  	[sflag:s25] =	ssyncset.done @!p4 $0x0;
	s0 =	sadd.s32 @!p4 s26, s20;
	s4 =	simm.s32 @!p4 $0x16670  }
0x86: {  	s17 =	simm.s32 @!p4 $0x80;
	[sflag:s25] =	ssyncadd.s32 @!p4 $0xFFFFF000;
	s0 =	sadd.s32 @!p4 $0x180, s0  }
0x87: {  	[tilespmem:s4], [sflag:$0x2] =	stream.indirect.gather @!p4 [hbm4b:s18+s17], $0x20, s0, s17, $0xb8;
	[tilespmem:$0x1C7F0] =	vst v63  }
.LBB2_13:
0x88: {  	p3 =	por @!p0 $0x0, $0x0;
	p2 =	por @!p2 $0x1, $0x1;
	p1 =	por !p1, p0  }
0x89: {  	p2 =	por @!p1 p3, p3;
	p1 =	por $0x0, $0x0  }
0x8a: {  	p1 =	por @!p0 p2, p2  }
0x8b: {  	s0 =	simm.s32 @p1 $0x3  }
0x8c: {  	_ =	swait.ge @p1 [sflag:s0], $0x1000  }
0x8d: {  	[sflag:s0] =	ssyncset.done @p1 $0x0  }
0x8e: {  	[sflag:s0] =	ssyncadd.s32 @p1 $0xFFFFF000;
	s0 =	simm.s32 @p1 $0x4  }
0x8f: {  	_ =	swait.ge @p1 [sflag:s0], $0x1000  }
0x90: {  	p0 =	sne.s32 s16, $0x1;
	[sflag:s0] =	ssyncset.done @p1 $0x0  }
0x91: {  	s4 =	smul.u32 $0x4F000, s13;
	[sflag:s0] =	ssyncadd.s32 @p1 $0xFFFFF000;
	s0 =	simm.s32 @!p0 $0x3  }
0x92: {  	_ =	swait.ge @!p0 [sflag:s0], $0x1000  }
0x93: {  	s4 =	sadd.s32 s6, s4;
	[sflag:s0] =	ssyncset.done @!p0 $0x0  }
0x94: {  	s31 =	sshrl.u32 s4, $0x3;
	[sflag:s0] =	ssyncadd.s32 @!p0 $0xFFFFF000  }
0x95: {  	s0 =	sadd.s32 s8, s31;
	[bflag:$0x0] =	sbarrier.arrive $0xFFFF  }
0x96: {  	[hbm:s0], [sflag:s3] =	dma.local [spmem:s9], $0x9E0  }
0x97: {  	_ =	swait.ge [sflag:s15], $0x9E0  }
0x98: {  	s13 =	sadd.s32 $0x1, s13;
	[sflag:s15] =	ssyncset.done $0x0  }
0x99: {  	p0 =	sne.s32 s13, $0x4;
	[sflag:s15] =	ssyncadd.s32 $0xFFFFF620  }
0x9a: {  	[spmem:s9], [sflag:s3] =	dma.local [hbm:s5], $0x9E0  }
.Ltmp5:
0x9b: {  	_ =	swait.ge [sflag:s15], $0x9E0;
	(pc) =	sbr.rel @!p0 .LBB2_14-.Ltmp5, $3  }
0x9c: {  	[sflag:s15] =	ssyncset.done $0x0  }
0x9d: {  	[sflag:s15] =	ssyncadd.s32 $0xFFFFF620  }
0x9e: {  	[bflag:$0x0] =	sbarrier.arrive $0xFFFF;
	_ =	sdelay $0x1  }
.LBB2_9:
0x9f: {  	p0 =	slt.u32 s13, $0x2;
	s20 =	smov.u32 s12;
	s17 =	smov.u32 s11  }
0xa0: {  	s20 =	simm.s32 @p0 $0x0;
	s17 =	simm.s32 @!p0 $0xA3  }
0xa1: {  	s16 =	ssub.s32 s17, s20  }
0xa2: {  	s18 =	sand.u32 $0x1, s13;
	p0 =	slt.s32 s16, $0x1  }
0xa3: {  	s29 =	sadd.s32 $0x1, s16;
	p3 =	slt.s32 s16, $0x0;
	s19 =	sshll.u32 @!p0 s20, $0x9  }
0xa4: {  	s21 =	smul.u32 @!p0 $0x13C00, s18;
	s23 =	simm.s32 @!p0 $0x80;
	s24 =	simm.s32 @!p0 $0x15670  }
0xa5: {  	p1 =	seq.s32 @!p0 s16, $0x1;
	s30 =	sand.u32 $0x1, s29;
	s31 =	sshrl.u32 s29, $0x1F  }
0xa6: {  	s19 =	sshra.s32 @!p0 s19, $0x2;
	p2 =	por p1, p0;
	p4 =	seq.s32 s30, $0x1  }
0xa7: {  	s22 =	sadd.s32 @!p0 $0xB350, s19;
	s21 =	sadd.s32 @!p0 s7, s21;
	s19 =	sadd.s32 @!p2 $0xB3D0, s19  }
0xa8: {  	[tilespmem:s24], [sflag:$0x1] =	stream.indirect.gather @!p0 [hbm4b:s21+s23], $0x20, s22, s23, $0xb8;
	[tilespmem:$0x1C7F0] =	vst v63  }
0xa9: {  	p3 =	por !p3, !p4;
	s22 =	simm.s32 @!p2 $0x80;
	s23 =	simm.s32 @!p2 $0x16670  }
0xaa: {  	[tilespmem:s23], [sflag:$0x2] =	stream.indirect.gather @!p2 [hbm4b:s21+s22], $0x20, s19, s22, $0xb8;
	[tilespmem:$0x1C7F0] =	vst v63  }
0xab: {  	p3 =	por !p3, !p3;
	s19 =	sadd.s32 s31, s29;
	s21 =	simm.s32 $0x1  }
0xac: {  	s19 =	sshra.s32 s19, $0x1;
	s21 =	simm.s32 @!p3 $0x0  }
0xad: {  	s21 =	ssub.s32 s19, s21  }
0xae: {  	p3 =	slt.s32 s21, $0x1  }
.Ltmp6:
0xaf: {  	_ = 	snop;
	(pc) =	sbr.rel @p3 .LBB2_13-.Ltmp6, $1  }
0xb0: {  	_ =	sdelay $0x3  }
0xb1: {  	s18 =	smul.u32 $0x13C00, s18  }
0xb2: {  	s19 =	sshll.u32 s20, $0x9;
	s21 =	ssub.s32 $0x0, s21;
	s30 =	sadd.s32 $0x3, s20  }
0xb3: {  	s20 =	simm.s32 $0xB350;
	s22 =	sshra.s32 s19, $0x2;
	s21 =	sadd.s32 $0x1, s21  }
0xb4: {  	s23 =	sadd.s32 $0xFFFFFFFE, s30;
	s31 =	sadd.s32 $0xFFFFFFFF, s30;
	p4 =	sge.s32 s30, s17  }
0xb5: {  	s18 =	sadd.s32 s7, s18;
	[dreg:$0x3] =	wrdreg s22;
	p3 =	sge.s32 s23, s17  }
0xb6: {  	p5 =	sge.s32 s31, s17;
	_ =	swait.ge [sflag:s10], $0x1000;
	s26 =	simm.s32 @!p3 $0x2  }
0xb7: {  	s28 =	sshra.s32 @!p3 s19, $0x2;
	s24 =	rddreg [dreg:$0x3];
	[sflag:s10] =	ssyncset.done $0x0  }
0xb8: {  	s25 =	rddreg [dreg:$0x4];
	[sflag:s10] =	ssyncadd.s32 $0xFFFFF000;
	s24 =	sadd.s32 $0x104E0, s24  }
0xb9: {  	[spmem:s1] =	stream.indirect.scatter.add.f32 [tilespmem:s25], [sflag:$0x3], $0x20, s24, s14, $0xb8;
	[tilespmem:$0x1C7F0] =	vst v63  }
0xba: {  	s29 =	simm.s32 @!p3 $0x16670;
	s23 =	sshra.s32 @!p5 s19, $0x2;
	_ =	swait.ge @!p3 [sflag:s26], $0x1000  }
0xbb: {  	s24 =	sadd.s32 @!p3 $0x104E0, s28;
	s25 =	simm.s32 @!p3 $0x80;
	[sflag:s26] =	ssyncset.done @!p3 $0x0  }
0xbc: {  	s24 =	sadd.s32 @!p3 $0x80, s24;
	[sflag:s26] =	ssyncadd.s32 @!p3 $0xFFFFF000;
	s26 =	simm.s32 @!p5 $0x3  }
0xbd: {  	[spmem:s1] =	stream.indirect.scatter.add.f32 @!p3 [tilespmem:s29], [sflag:$0x4], $0x20, s24, s25, $0xb8;
	[tilespmem:$0x1C7F0] =	vst v63  }
0xbe: {  	s23 =	sadd.s32 @!p5 $0xB350, s23;
	p3 =	seq.s32 s21, $0x0;
	_ =	swait.ge @!p5 [sflag:s26], $0x1000  }
.Ltmp7:
0xbf: {  	s23 =	sadd.s32 @!p5 $0x100, s23;
	[sflag:s26] =	ssyncset.done @!p5 $0x0;
	(pc) =	sbr.rel @p3 .LBB2_12-.Ltmp7, $4  }
0xc0: {  	s24 =	simm.s32 @!p5 $0x15670;
	s25 =	simm.s32 @!p5 $0x80;
	[sflag:s26] =	ssyncadd.s32 @!p5 $0xFFFFF000  }
0xc1: {  	[tilespmem:s24], [sflag:$0x1] =	stream.indirect.gather @!p5 [hbm4b:s18+s25], $0x20, s23, s25, $0xb8;
	[tilespmem:$0x1C7F0] =	vst v63  }
0xc2: {  	s22 =	sadd.s32 $0x2, s30;
	s26 =	sshra.s32 @!p4 s19, $0x2;
	s25 =	simm.s32 @!p4 $0x4  }
0xc3: {  	s23 =	simm.s32 $0xB450;
	s24 =	simm.s32 $0x105E0;
	_ =	swait.ge @!p4 [sflag:s25], $0x1000  }
.LBB2_11:
0xc4: {  	[sflag:s25] =	ssyncset.done @!p4 $0x0  }
0xc5: {  	s26 =	sadd.s32 @!p4 s26, s20;
	s28 =	simm.s32 @!p4 $0x16670;
	s29 =	smov.u32 s22  }
0xc6: {  	s20 =	smov.u32 s23;
	s21 =	sadd.s32 $0x1, s21;
	s22 =	sadd.s32 $0x2, s22  }
0xc7: {  	s23 =	sadd.s32 $0x100, s23;
	[sflag:s25] =	ssyncadd.s32 @!p4 $0xFFFFF000;
	s25 =	sadd.s32 @!p4 $0x180, s26  }
0xc8: {  	s26 =	simm.s32 @!p4 $0x80;
	p3 =	seq.s32 s21, $0x0;
	s0 =	sadd.s32 $0xFFFFFFFE, s29  }
0xc9: {  	[tilespmem:s28], [sflag:$0x2] =	stream.indirect.gather @!p4 [hbm4b:s18+s26], $0x20, s25, s26, $0xb8;
	[tilespmem:$0x1C7F0] =	vst v63  }
0xca: {  	p4 =	sge.s32 s0, s17;
	s26 =	sadd.s32 $0xFFFFFFFF, s29;
	_ =	swait.ge [sflag:s10], $0x1000  }
0xcb: {  	s30 =	simm.s32 @!p4 $0x2;
	s31 =	sshra.s32 @!p4 s19, $0x2;
	s0 =	simm.s32 @!p4 $0x16670  }
0xcc: {  	p5 =	sge.s32 s26, s17;
	[sflag:s10] =	ssyncset.done $0x0;
	s4 =	rddreg [dreg:$0x3]  }
0xcd: {  	s25 =	rddreg [dreg:$0x4];
	[sflag:s10] =	ssyncadd.s32 $0xFFFFF000;
	s28 =	sadd.s32 s4, s24  }
0xce: {  	[spmem:s1] =	stream.indirect.scatter.add.f32 [tilespmem:s25], [sflag:$0x3], $0x20, s28, s14, $0xb8;
	[tilespmem:$0x1C7F0] =	vst v63  }
0xcf: {  	s31 =	sadd.s32 @!p4 s31, s24;
	s26 =	sshra.s32 @!p5 s19, $0x2;
	_ =	swait.ge @!p4 [sflag:s30], $0x1000  }
0xd0: {  	s4 =	simm.s32 @!p4 $0x80;
	s26 =	sadd.s32 @!p5 s26, s20;
	[sflag:s30] =	ssyncset.done @!p4 $0x0  }
0xd1: {  	s25 =	sadd.s32 @!p4 $0x80, s31;
	s28 =	simm.s32 @!p5 $0x3;
	[sflag:s30] =	ssyncadd.s32 @!p4 $0xFFFFF000  }
0xd2: {  	[spmem:s1] =	stream.indirect.scatter.add.f32 @!p4 [tilespmem:s0], [sflag:$0x4], $0x20, s25, s4, $0xb8;
	[tilespmem:$0x1C7F0] =	vst v63  }
.Ltmp8:
0xd3: {  	s0 =	sadd.s32 @!p5 $0x100, s26;
	_ =	swait.ge @!p5 [sflag:s28], $0x1000;
	(pc) =	sbr.rel @!p3 .LBB2_11-.Ltmp8, $4  }
0xd4: {  	s4 =	simm.s32 @!p5 $0x15670;
	p4 =	sge.s32 s29, s17;
	[sflag:s28] =	ssyncset.done @!p5 $0x0  }
0xd5: {  	s26 =	simm.s32 @!p5 $0x80;
	s25 =	simm.s32 @!p4 $0x4;
	[sflag:s28] =	ssyncadd.s32 @!p5 $0xFFFFF000  }
0xd6: {  	[tilespmem:s4], [sflag:$0x1] =	stream.indirect.gather @!p5 [hbm4b:s18+s26], $0x20, s0, s26, $0xb8;
	[tilespmem:$0x1C7F0] =	vst v63  }
0xd7: {  	s24 =	sadd.s32 $0x100, s24;
	s26 =	sshra.s32 @!p4 s19, $0x2;
	_ =	swait.ge @!p4 [sflag:s25], $0x1000  }
.Ltmp9:
0xd8: {  	_ = 	snop;
	(pc) =	sbr.rel .LBB2_12-.Ltmp9, $1  }
0xd9: {  	_ =	sdelay $0x3  }
.LBB2_14:
0xda: {  	s0 =	simm.s32 $0x80  }
0xdb: {  	s4 =	simm.s32 $0x17670;
	s5 =	simm.s32 $0x6350;
	s23 =	simm.s32 $0x5  }
0xdc: {  	[spmem:s1] =	stream.indirect.scatter.add.f32 [tilespmem:s5], [sflag:$0x5], $0x20, s4, s0, $0xb8;
	[tilespmem:$0x1C7F0] =	vst v63  }
0xdd: {  	_ =	swait.ge [sflag:s23], $0x1000  }
0xde: {  	[sflag:s23] =	ssyncset.done $0x0  }
0xdf: {  	s24 =	simm.s32 $0x176F0;
	s6 =	simm.s32 $0x7350;
	[sflag:s23] =	ssyncadd.s32 $0xFFFFF000  }
0xe0: {  	[spmem:s1] =	stream.indirect.scatter.add.f32 [tilespmem:s6], [sflag:$0x5], $0x20, s24, s0, $0xb8;
	[tilespmem:$0x1C7F0] =	vst v63  }
0xe1: {  	_ =	swait.ge [sflag:s23], $0x1000  }
0xe2: {  	[sflag:s23] =	ssyncset.done $0x0  }
0xe3: {  	s25 =	simm.s32 $0x17770;
	s26 =	simm.s32 $0x8350;
	[sflag:s23] =	ssyncadd.s32 $0xFFFFF000  }
0xe4: {  	[spmem:s1] =	stream.indirect.scatter.add.f32 [tilespmem:s26], [sflag:$0x5], $0x20, s25, s0, $0xb8;
	[tilespmem:$0x1C7F0] =	vst v63  }
0xe5: {  	_ =	swait.ge [sflag:s23], $0x1000  }
0xe6: {  	[sflag:s23] =	ssyncset.done $0x0  }
0xe7: {  	s28 =	simm.s32 $0x177F0;
	s29 =	simm.s32 $0x9350;
	[sflag:s23] =	ssyncadd.s32 $0xFFFFF000  }
0xe8: {  	[spmem:s1] =	stream.indirect.scatter.add.f32 [tilespmem:s29], [sflag:$0x5], $0x20, s28, s0, $0xb8;
	[tilespmem:$0x1C7F0] =	vst v63  }
0xe9: {  	_ =	swait.ge [sflag:s23], $0x1000  }
0xea: {  	[sflag:s23] =	ssyncset.done $0x0  }
0xeb: {  	s30 =	simm.s32 $0x17870;
	s31 =	simm.s32 $0xA350;
	[sflag:s23] =	ssyncadd.s32 $0xFFFFF000  }
0xec: {  	[spmem:s1] =	stream.indirect.scatter.add.f32 [tilespmem:s31], [sflag:$0x5], $0x20, s30, s0, $0xb8;
	[tilespmem:$0x1C7F0] =	vst v63  }
0xed: {  	_ =	swait.ge [sflag:s23], $0x1000  }
0xee: {  	p0 =	sgt.u32 s2, $0x7;
	[sflag:s23] =	ssyncset.done $0x0  }
0xef: {  	s0 =	smul.u32 @!p0 $0x9E0, s2;
	[sflag:s23] =	ssyncadd.s32 $0xFFFFF000  }
0xf0: {  	[bflag:$0x0] =	sbarrier.arrive $0xFFFF  }
0xf1: {  	s1 =	sadd.s32 @!p0 s0, s1;
	s0 =	sshrl.u32 @!p0 s0, $0x3;
	s4 =	rddreg [dreg:$0x5]  }
0xf2: {  	s1 =	sshrl.u32 @!p0 s1, $0x3;
	s0 =	sadd.s32 @!p0 s4, s0  }
0xf3: {  	[hbm:s0], [sflag:s3] =	dma.local @!p0 [spmem:s1], $0x13C  }
0xf4: {  	s0 =	simm.s32 @!p0 $0x5  }
0xf5: {  	_ =	swait.ge @!p0 [sflag:s0], $0x13C  }
0xf6: {  	[sflag:s0] =	ssyncset.done @!p0 $0x0  }
0xf7: {  	[sflag:s0] =	ssyncadd.s32 @!p0 $0xFFFFFEC4  }
0xf8: {  	_ =	sfence.sel $0x180000  }
0xf9: {  	[bflag:$0x0] =	sbarrier.arrive $0xFFFF  }
0xfa: {  	_ =	strace $0x9000004A  }
0xfb: {  	[bflag:$0x2] =	sbarrier.arrive $0xFFFF  }
0xfc: {  	p0 =	sne.s32 s2, $0x0;
	s0 =	rddreg [dreg:$0x2]  }
0xfd: {  	s0 =	sadd.s32 @!p0 $0x100000, s0  }
0xfe: {  	[sflag:s0] =	ssyncadd.tile.s32 @!p0 $0x1;
	_ =	shalt  }
.Lfunc_end2:
_tile_overlayer_lowered:
.L_overlay_start_2:
0xff: {  	(tag) =	ssettag $0x2  }
0x100: {  	s0 =	rddreg [dreg:$0x0];
	s2 =	stileid.u32  }
0x101: {  	s1 =	rddreg [dreg:$0x1];
	p0 =	sne.s32 s2, $0x0  }
0x102: {  	s3 =	rddreg [dreg:$0x2];
	[bflag:$0x3] =	sbarrier.arrive $0xFFFF;
	s2 =	simm.s32 @!p0 $0x1C05  }
0x103: {  	[timem:s3], [sflag:s2] =	dma.local @!p0 [hbm:s0], s1  }
0x104: {  	s0 =	simm.s32 @!p0 $0x5  }
0x105: {  	_ =	swait.ge @!p0 [sflag:s0], s1  }
0x106: {  	s1 =	ssub.s32 @!p0 $0x0, s1;
	[sflag:s0] =	ssyncset.done @!p0 $0x0  }
0x107: {  	[sflag:s0] =	ssyncadd.s32 @!p0 s1  }
0x108: {  	[bflag:$0x3] =	sbarrier.arrive $0xFFFF  }
0x109: {  	_ =	shalt  }

// kernel: kernel.7.cloned.1.call-start
scs
__scs_entry_jumppad:
0x0: {  	(pc) =	sbr.rel $0x88, $3  }
0x1: {  	(tag) =	ssettag $0x0;
	lr =	simm.s32 $0x1  }
0x2: {  	[smem:$0x3F94] =	sst lr;
	_ =	strace $0xD0000000  }
0x3: {  	_ = 	snop  }
0x4: {  	_ = 	snop  }
0x5: {  	_ = 	snop  }
0x6: {  	_ = 	snop  }
0x7: {  	_ = 	snop  }
__scs_overlays_trampoline_lowered:
0x8: {  	[smem:$0x3FA3] =	sst s0  }
0x9: {  	[smem:$0x3FA4] =	sst s1  }
0xa: {  	[smem:$0x3FA5] =	sst s2  }
0xb: {  	[smem:$0x3FA6] =	sst s3  }
0xc: {  	[smem:$0x3FA7] =	sst s4  }
0xd: {  	[smem:$0x3FA8] =	sst s5  }
0xe: {  	[smem:$0x3FA9] =	sst s6  }
0xf: {  	[smem:$0x3FAA] =	sst s7  }
0x10: {  	[smem:$0x3FAB] =	sst s8  }
0x11: {  	[smem:$0x3FAC] =	sst s9;
	s0 =	simm.s32 @!p0 $0x0  }
0x12: {  	s1 =	sld [smem:$0x3F92];
	s0 =	simm.s32 @p0 $0x1  }
0x13: {  	[smem:$0x3FAD] =	sst s0;
	s0 =	simm.s32 @!p1 $0x0  }
0x14: {  	s2 =	sld [smem:$0x3F91];
	s0 =	simm.s32 @p1 $0x1  }
0x15: {  	[smem:$0x3FAE] =	sst s0;
	s0 =	simm.s32 @!p2 $0x0  }
0x16: {  	s3 =	sld [smem:$0x3FDB];
	s0 =	simm.s32 @p2 $0x1  }
0x17: {  	s4 =	simm.s32 $0x1BF5;
	[smem:$0x3FB0] =	sst s0  }
0x18: {  	s0 =	sld [smem:$0x3F93];
	_ =	swait.ge [sflag:s4], $0x0  }
0x19: {  	s7 =	sld [smem:$0x3F94]  }
0x1a: {  	s8 =	sadd.s32 $0xFFFFE003, lr  }
0x1b: {  	s9 =	sadd.s32 $0xFFFFFEF7, lr;
	s5 =	simm.s32 $0xFFFFFFFF;
	p2 =	slt.u32 s8, $0xFFFFF086  }
0x1c: {  	p1 =	slt.u32 s9, $0xF7A;
	s5 =	simm.s32 @!p2 $0x0  }
0x1d: {  	s5 =	simm.s32 @p1 $0x1;
	p0 =	seq.s32 s7, s2  }
0x1e: {  	s7 =	smul.u32 @!p0 $0xF7A, s2;
	p2 =	seq.s32 @!p0 s5, $0x0  }
0x1f: {  	s9 =	smul.u32 $0xF7A, s1;
	s8 =	simm.s32 @!p0 $0x1BF5;
	p2 =	por !p2, p0  }
0x20: {  	[sflag:s8] =	ssyncset.s32 @!p0 $0xFFFFF086;
	s6 =	sadd.s32 @!p0 s3, s7;
	s7 =	simm.s32 @!p0 $0x108  }
0x21: {  	s3 =	sadd.s32 s3, s9;
	s6 =	sadd.s32 @!p0 $0x88, s6;
	s7 =	simm.s32 @p2 $0x1082  }
0x22: {  	[simem:s7], [sflag:s8] =	dma.local @!p0 [hbm:s6], $0xF7A  }
0x23: {  	s9 =	sor.u32 $0xD0000000, s2;
	s6 =	simm.s32 $0x108;
	_ =	swait.ge @!p0 [sflag:s8], $0x0  }
0x24: {  	s3 =	sadd.s32 $0x88, s3;
	s6 =	simm.s32 @!p1 $0x1082;
	[sflag:s4] =	ssyncset.s32 $0xFFFFF086  }
0x25: {  	[simem:s6], [sflag:s4] =	dma.local [hbm:s3], $0xF7A  }
0x26: {  	[smem:$0x3F94] =	sst s1;
	(tag) =	ssettag s2;
	_ =	strace s9  }
0x27: {  	s1 =	sld [smem:$0x3FA4]  }
0x28: {  	s2 =	sld [smem:$0x3FA5]  }
0x29: {  	s4 =	sld [smem:$0x3FA7]  }
0x2a: {  	p0 =	seq.s32 s5, $0x0;
	s5 =	sld [smem:$0x3FA8]  }
0x2b: {  	s6 =	sld [smem:$0x3FA9]  }
0x2c: {  	s7 =	sld [smem:$0x3FAA]  }
0x2d: {  	s3 =	simm.s32 $0x108;
	s8 =	sld [smem:$0x3FAB]  }
0x2e: {  	s3 =	simm.s32 @!p0 $0x1082;
	s9 =	sld [smem:$0x3FAC]  }
0x2f: {  	lr =	sadd.s32 s0, s3;
	s0 =	sld [smem:$0x3FA3]  }
0x30: {  	s3 =	sld [smem:$0x3FA6]  }
0x31: {  	[smem:$0x3FAF] =	sst s10  }
0x32: {  	s10 =	sld [smem:$0x3FAD];
	_ =	sdelay $0x3  }
0x33: {  	p0 =	seq.s32 s10, $0x1;
	s10 =	sld [smem:$0x3FAF];
	_ =	sdelay $0x3  }
0x34: {  	[smem:$0x3FAF] =	sst s10  }
0x35: {  	s10 =	sld [smem:$0x3FAE];
	_ =	sdelay $0x3  }
0x36: {  	p1 =	seq.s32 s10, $0x1;
	s10 =	sld [smem:$0x3FAF];
	_ =	sdelay $0x3  }
0x37: {  	[smem:$0x3FAF] =	sst s10  }
0x38: {  	s10 =	sld [smem:$0x3FB0]  }
0x39: {  	_ = 	snop;
	(pc) =	sbr.ind lr, $3  }
0x3a: {  	_ = 	snop  }
0x3b: {  	_ = 	snop  }
0x3c: {  	p2 =	seq.s32 s10, $0x1;
	s10 =	sld [smem:$0x3FAF]  }
0x3d: {  	_ =	shalt  }
0x3e: {  	_ =	shalt  }
0x3f: {  	_ =	shalt  }
0x40: {  	_ =	shalt  }
0x41: {  	_ =	shalt  }
0x42: {  	_ =	shalt  }
0x43: {  	_ =	shalt  }
0x44: {  	_ =	shalt  }
0x45: {  	_ =	shalt  }
0x46: {  	_ =	shalt  }
0x47: {  	_ =	shalt  }
0x48: {  	_ =	shalt  }
0x49: {  	_ =	shalt  }
0x4a: {  	_ =	shalt  }
0x4b: {  	_ =	shalt  }
0x4c: {  	_ =	shalt  }
0x4d: {  	_ =	shalt  }
0x4e: {  	_ =	shalt  }
0x4f: {  	_ =	shalt  }
0x50: {  	_ =	shalt  }
0x51: {  	_ =	shalt  }
0x52: {  	_ =	shalt  }
0x53: {  	_ =	shalt  }
0x54: {  	_ =	shalt  }
0x55: {  	_ =	shalt  }
0x56: {  	_ =	shalt  }
0x57: {  	_ =	shalt  }
0x58: {  	_ =	shalt  }
0x59: {  	_ =	shalt  }
0x5a: {  	_ =	shalt  }
0x5b: {  	_ =	shalt  }
0x5c: {  	_ =	shalt  }
0x5d: {  	_ =	shalt  }
0x5e: {  	_ =	shalt  }
0x5f: {  	_ =	shalt  }
0x60: {  	_ =	shalt  }
0x61: {  	_ =	shalt  }
0x62: {  	_ =	shalt  }
0x63: {  	_ =	shalt  }
0x64: {  	_ =	shalt  }
0x65: {  	_ =	shalt  }
0x66: {  	_ =	shalt  }
0x67: {  	_ =	shalt  }
0x68: {  	_ =	shalt  }
0x69: {  	_ =	shalt  }
0x6a: {  	_ =	shalt  }
0x6b: {  	_ =	shalt  }
0x6c: {  	_ =	shalt  }
0x6d: {  	_ =	shalt  }
0x6e: {  	_ =	shalt  }
0x6f: {  	_ =	shalt  }
0x70: {  	_ =	shalt  }
0x71: {  	_ =	shalt  }
0x72: {  	_ =	shalt  }
0x73: {  	_ =	shalt  }
0x74: {  	_ =	shalt  }
0x75: {  	_ =	shalt  }
0x76: {  	_ =	shalt  }
0x77: {  	_ =	shalt  }
0x78: {  	_ =	shalt  }
0x79: {  	_ =	shalt  }
0x7a: {  	_ =	shalt  }
0x7b: {  	_ =	shalt  }
0x7c: {  	_ =	shalt  }
0x7d: {  	_ =	shalt  }
0x7e: {  	_ =	shalt  }
0x7f: {  	_ =	shalt  }
0x80: {  	_ =	shalt  }
0x81: {  	_ =	shalt  }
0x82: {  	_ =	shalt  }
0x83: {  	_ =	shalt  }
0x84: {  	_ =	shalt  }
0x85: {  	_ =	shalt  }
0x86: {  	_ =	shalt  }
0x87: {  	_ =	shalt  }
.Lfunc_end0:
.L_simem_size_0:
called_computation_lowered:
.L_overlay_start_0:
0x88: {  	s0 =	sld [smem:$0x3FD9]  }
0x89: {  	s1 =	sld [smem:$0x3FFE];
	_ =	sdelay $0x3  }
0x8a: {  	s0 =	sadd.s32 s1, s0  }
0x8b: {  	[smem:$0x3FBB] =	sst s0  }
0x8c: {  	_ = 	snop  }
0x8d: {  	(tm) =	ssettm $0x1  }
0x8e: {  	s15 =	sld [smem:$0x3FFB];
	_ =	sdelay $0x3  }
0x8f: {  	_ =	strace s15  }
0x90: {  	s0 =	sld [smem:$0x3FFC];
	_ =	sdelay $0x3  }
0x91: {  	_ =	strace s0  }
0x92: {  	s0 =	sld [smem:$0x3FFD];
	_ =	sdelay $0x3  }
0x93: {  	_ =	strace s0  }
0x94: {  	_ =	strace $0x8FFFFFFF  }
0x95: {  	s16 =	sld [smem:$0x3FDB];
	_ =	sdelay $0x1  }
0x96: {  	s17 =	simm.s32 $_scs_section_size  }
0x97: {  	s2 =	simm.s32 $_size__tile_overlayer_lowered;
	s3 =	simm.s32 $_tile_overlayer_lowered  }
0x98: {  	s20 =	simm.s32 $0x1BFF;
	s19 =	sshll.u32 s3, $0x1;
	s0 =	sadd.s32 s17, s16  }
0x99: {  	s4 =	simm.s32 $0x0;
	s18 =	sshll.u32 s2, $0x1;
	s2 =	sadd.s32 s19, s0  }
0x9a: {  	[timem:s4], [sflag:s20] =	dma.local [hbm:s2], s18  }
0x9b: {  	_ =	swait.ge [sflag:s20], s18  }
0x9c: {  	s1 =	ssub.s32 $0x0, s18;
	[sflag:s20] =	ssyncset.done $0x0  }
0x9d: {  	[sflag:s20] =	ssyncadd.s32 s1;
	_ =	sdelay $0x1  }
0x9e: {  	s21 =	simm.s32 $0x1B8B  }
0x9f: {  	_ =	swait.ge [sflag:s21], $0x1  }
0xa0: {  	[sflag:s21] =	ssyncset.done $0x0  }
0xa1: {  	s23 =	simm.s32 $0x1B8E;
	s22 =	sld [smem:$0x3FFE];
	[sflag:s21] =	ssyncadd.s32 $0xFFFFFFFF  }
0xa2: {  	s24 =	simm.s32 $execute0_lowered;
	[smem:$0x3FD2] =	sst s23  }
0xa3: {  	s2 =	sshll.u32 s24, $0x1;
	_ =	strace $0x80000046;
	[dreg:$0x1] =	wrdreg $0xFFFFFFFF  }
0xa4: {  	s25 =	simm.s32 $_size_execute0_lowered;
	s0 =	sadd.s32 s0, s2;
	[dreg:$0x0] =	wrdreg $0x0  }
0xa5: {  	s2 =	sshll.u32 s25, $0x1;
	[dreg:$0x2] =	wrdreg s0  }
0xa6: {  	[dreg:$0x3] =	wrdreg s2  }
0xa7: {  	[dreg:$0x4] =	wrdreg $0xC0  }
0xa8: {  	_ =	task [dreg:s4], $0x5FFFF  }
0xa9: {  	[dreg:$0x1] =	wrdreg $0xFFFFFFFF  }
0xaa: {  	[dreg:$0x0] =	wrdreg $0x60  }
0xab: {  	[dreg:$0x2] =	wrdreg s22  }
0xac: {  	[dreg:$0x3] =	wrdreg $0x178F00  }
0xad: {  	[dreg:$0x4] =	wrdreg $0x9  }
0xae: {  	_ =	task.clear_ibuf [dreg:s4], $0x5FFFF;
	_ =	strace $0x90000046  }
0xaf: {  	s26 =	simm.s32 $0x9;
	_ =	strace $0x80000048  }
0xb0: {  	_ =	swait.ge [sflag:s26], $0x1  }
0xb1: {  	[sflag:s26] =	ssyncadd.s32 $0xFFFFFFFF  }
0xb2: {  	_ =	strace $0x90000048  }
0xb3: {  	_ =	sfence  }
0xb4: {  	s28 =	sld [smem:$0x0];
	_ =	sdelay $0x1  }
0xb5: {  	s29 =	srdreg.scid  }
0xb6: {  	s30 =	sshll.u32 s29, $0xD;
	s31 =	sshrl.u32 s29, $0x2  }
0xb7: {  	s1 =	sand.u32 $0x1, s29;
	s2 =	sand.u32 $0x4000, s30;
	s0 =	sadd.s32 s31, s28  }
0xb8: {  	s1 =	sor.u32 s2, s1;
	s0 =	sshll.u32 s0, $0x11  }
0xb9: {  	s0 =	sor.u32 s0, s1  }
0xba: {  	s0 =	sadd.s32 $0x8F2B, s0  }
0xbb: {  	[sflag:s0] =	ssyncadd.remote.s32 $0x1  }
0xbc: {  	_ =	sfence.sel $0xFFFF  }
0xbd: {  	[dreg:$0x0] =	wrdreg $0xFFFFFFFF;
	(pc) =	sbr.abs _section_cstart, $3  }
0xbe: {  	[dreg:$0x1] =	wrdreg $0xFFFFFFFF  }
0xbf: {  	_ =	task.clear_ibuf [dreg:s4], $0x2FFFF;
	_ =	strace $0x9FFFFFFF  }
0xc0: {  	(tm) =	ssettm $0x7FFFFFFF  }
0xc1: {  	_ =	shalt  }
tec
execute0_lowered:
.L_overlay_start_1:
0x0: {  	(tag) =	ssettag $0x1  }
0x1: {  	s4 =	rddreg [dreg:$0x0]  }
0x2: {  	s1 =	rddreg [dreg:$0x1];
	s12 =	simm.s32 $0x0  }
0x3: {  	s3 =	simm.s32 $0x1440;
	[smem:$0x7FF] =	sst s12  }
0x4: {  	s13 =	simm.s32 $0x5;
	s2 =	sadd.s32 $0x1600, s4;
	_ =	strace $0x80000047  }
0x5: {  	[tilespmem:s3], [sflag:$0x5] =	stream.linear.gather [hbm4b:s2+s12], $0x2790, $0x38;
	[tilespmem:$0x1C7F0] =	vst v63  }
0x6: {  	s7 =	simm.s32 $0x3BD0;
	_ =	swait.ge [sflag:s13], $0x2790  }
0x7: {  	s10 =	sadd.s32 $0x2200, s4;
	s2 =	stileid.u32;
	[sflag:s13] =	ssyncset.done $0x0  }
0x8: {  	s30 =	sadd.s32 $0x1C00, s4;
	s6 =	smul.u32 $0x4F00, s2;
	[sflag:s13] =	ssyncadd.s32 $0xFFFFD870  }
0x9: {  	[tilespmem:s7], [sflag:$0x5] =	stream.linear.gather [hbm4b:s30+s12], $0x2780, $0x38;
	[tilespmem:$0x1C7F0] =	vst v63  }
0xa: {  	s5 =	sadd.s32 $0x3DE00, s4;
	s0 =	sadd.s32 $0x3E800, s4;
	_ =	swait.ge [sflag:s13], $0x2780  }
0xb: {  	s31 =	sshll.u32 s2, $0x6;
	s9 =	sadd.s32 s6, s1;
	[sflag:s13] =	ssyncset.done $0x0  }
0xc: {  	s3 =	sor.u32 $0x1C05, s31;
	s9 =	sshrl.u32 s9, $0x3;
	[sflag:s13] =	ssyncadd.s32 $0xFFFFD880  }
0xd: {  	[spmem:s9], [sflag:s3] =	dma.local [hbm:s5], $0x9E0  }
0xe: {  	s11 =	sadd.s32 $0xC400, s4;
	s14 =	sand.u32 $0x1FF80, s12;
	[dreg:$0x5] =	wrdreg s0  }
0xf: {  	s15 =	sand.u32 $0x10, s12;
	s14 =	sshrl.u32 s14, $0x2;
	_ =	swait.ge [sflag:s13], $0x9E0  }
0x10: {  	s8 =	sadd.s32 $0x3F200, s4;
	s14 =	sor.u32 s15, s14;
	[sflag:s13] =	ssyncset.done $0x0  }
0x11: {  	v0 =	vimm.f32 $0.0e+00;
	s7 =	sadd.s32 $0x16600, s4;
	[sflag:s13] =	ssyncadd.s32 $0xFFFFF620;
	s13 =	simm.s32 $0x40  }
.LBB2_1:
0x12: {  	p0 =	sne.s32 s13, $0x13FC0  }
0x13: {  	[tilespmem:s14+$0x6350] =	vst v0;
	s12 =	sadd.s32 $0x10, s12;
	s14 =	smov.u32 s13;
	s13 =	sadd.s32 $0x40, s13  }
.Ltmp0:
0x14: {  	(pc) =	sbr.rel @p0 .LBB2_1-.Ltmp0, $4  }
0x15: {  	_ = 	snop  }
0x16: {  	s14 =	sand.u32 $0x1FF80, s14  }
0x17: {  	s15 =	sand.u32 $0x10, s12;
	s14 =	sshrl.u32 s14, $0x2  }
0x18: {  	s14 =	sor.u32 s15, s14  }
0x19: {  	[tilespmem:s14+$0x6350] =	vst v0;
	s13 =	smul.u32 $0x5100, s2;
	s14 =	simm.s32 $0x0  }
0x1a: {  	s19 =	simm.s32 $0x5180;
	s15 =	simm.s32 $0x5;
	s16 =	simm.s32 $0xA20  }
0x1b: {  	s17 =	simm.s32 $0x1440;
	s18 =	simm.s32 $0x3BD0;
	[bflag:$0x0] =	sbarrier.arrive $0xFFFF  }
0x1c: {  	v1 =	vimm.s32 $0x2780;
	v2 =	vimm.f32 $2.000000030e-01;
	s20 =	simm.s32 $0x6350;
	s12 =	simm.s32 $0x0;
	s21 =	simm.s32 $0x0;
	v0 =	vld [tilespmem:$0x3BC0]  }
.LBB2_3:
0x1d: {  	s22 =	smul.u32 $0xA20, s21;
	_ =	sdelay $0x1  }
0x1e: {  	s22 =	sadd.s32 s13, s22  }
0x1f: {  	s22 =	sshrl.u32 s22, $0x3  }
0x20: {  	s23 =	sadd.s32 s10, s22  }
0x21: {  	[tilespmem:s14], [sflag:$0x5] =	stream.linear.gather [hbm4b:s23+s14], $0xA20, $0x38;
	[tilespmem:$0x1C7F0] =	vst v63  }
0x22: {  	_ =	swait.ge [sflag:s15], $0xA20  }
0x23: {  	[sflag:s15] =	ssyncset.done $0x0  }
0x24: {  	s22 =	sadd.s32 s11, s22;
	[sflag:s15] =	ssyncadd.s32 $0xFFFFF5E0  }
0x25: {  	[tilespmem:s16], [sflag:$0x5] =	stream.linear.gather [hbm4b:s22+s14], $0xA20, $0x38;
	[tilespmem:$0x1C7F0] =	vst v63  }
0x26: {  	_ =	swait.ge [sflag:s15], $0xA20  }
0x27: {  	[sflag:s15] =	ssyncset.done $0x0  }
0x28: {  	s31 =	simm.s32 $0x0;
	[sflag:s15] =	ssyncadd.s32 $0xFFFFF5E0  }
0x29: {  	v4 =	vld [tilespmem:s31+$0x0]  }
0x2a: {  	v3 =	vld [tilespmem:s31+$0xA20];
	_ =	sdelay $0x6  }
0x2b: {  	v5 =	vld.idx.msk [tilespmem:v4+s17+$0x0], $0xffff  }
0x2c: {  	v6 =	vld.idx.msk [tilespmem:v3+s18+$0x0], $0xffff;
	_ =	sdelay $0x4  }
0x2d: {  	v6 =	vadd.f32 v6, v5;
	_ =	sdelay $0x1  }
0x2e: {  	vm0 =	vgt.f32 v6, $0.0e+00  }
0x2f: {  	v5 =	vsub.f32 v5, v0;
	v7 =	vmpcnt.ones.xlane vm0  }
0x30: {  	v6 =	vsel vm0, $0x3F800000, v2  }
0x31: {  	v5 =	vmul.f32 v6, v5;
	(v2sf) =	vpush v7, $0x0;
	_ =	sdelay $0x1  }
0x32: {  	v5 =	vmul.f32 $1.442695020e+00, v5;
	_ =	sdelay $0x1  }
0x33: {  	(erf) = vpow2.f32 v5;
	_ =	sdelay $0x3  }
0x34: {  	v5 =	vsel vm0, $0x0, v1  }
0x35: {  	v6 =	vadd.s32 v3, v5;
	_ =	sdelay $0x3  }
0x36: {  	v7 =	vpop (erf)  }
0x37: {  	v4 =	vadd.s32 v4, v5;
	[tilespmem:v6+s20+$0x0] =	vst.idx.add.f32.msk $0xffff, v7  }
0x38: {  	[tilespmem:s12+$0xB350] =	vst.msk vm0, v4;
	s24 =	spop (v2sf)  }
0x39: {  	s22 =	simm.s32 $0x40;
	vm1 =	vmneg vm0;
	[tilespmem:s12+$0x104E0] =	vst.msk vm0, v3;
	s23 =	sadd.s32 s24, s19;
	s12 =	sadd.s32 s12, s24  }
.LBB2_4:
0x3a: {  	p0 =	sne.s32 s22, $0x2840  }
0x3b: {  	s19 =	sadd.s32 $0xFFFFFFF0, s23;
	[tilespmem:s23+$0xB340] =	vst.msk vm1, v4;
	s24 =	smov.u32 s22;
	s22 =	sadd.s32 $0x40, s22  }
0x3c: {  	s24 =	sshra.s32 s24, $0x2;
	[tilespmem:s23+$0x104D0] =	vst.msk vm1, v3  }
0x3d: {  	v4 =	vld [tilespmem:s24+$0x0]  }
0x3e: {  	v3 =	vld [tilespmem:s24+$0xA20];
	_ =	sdelay $0x6  }
0x3f: {  	v5 =	vld.idx.msk [tilespmem:v4+s17+$0x0], $0xffff  }
0x40: {  	v6 =	vld.idx.msk [tilespmem:v3+s18+$0x0], $0xffff;
	_ =	sdelay $0x5  }
0x41: {  	v6 =	vadd.f32 v6, v5;
	_ =	sdelay $0x1  }
0x42: {  	v5 =	vsub.f32 v5, v0;
	vm0 =	vgt.f32 v6, $0.0e+00  }
0x43: {  	v6 =	vsel vm0, $0x0, v1;
	v7 =	vsel vm0, $0x3F800000, v2;
	v8 =	vmpcnt.ones.xlane vm0  }
0x44: {  	v5 =	vmul.f32 v7, v5;
	v7 =	vadd.s32 v3, v6  }
0x45: {  	(v2sf) =	vpush v8, $0x0  }
0x46: {  	v5 =	vmul.f32 $1.442695020e+00, v5;
	_ =	sdelay $0x1  }
0x47: {  	(erf) = vpow2.f32 v5;
	_ =	sdelay $0x8  }
.Ltmp1:
0x48: {  	v5 =	vpop (erf);
	(pc) =	sbr.rel @p0 .LBB2_4-.Ltmp1, $4  }
0x49: {  	v4 =	vadd.s32 v4, v6;
	[tilespmem:v7+s20+$0x0] =	vst.idx.add.f32.msk $0xffff, v5  }
0x4a: {  	[tilespmem:s12+$0xB350] =	vst.msk vm0, v4  }
0x4b: {  	vm1 =	vmneg vm0;
	[tilespmem:s12+$0x104E0] =	vst.msk vm0, v3;
	s24 =	spop (v2sf)  }
0x4c: {  	s23 =	sadd.s32 s24, s19;
	s12 =	sadd.s32 s12, s24  }
0x4d: {  	s21 =	sadd.s32 $0x1, s21  }
0x4e: {  	p0 =	seq.s32 s21, $0x8  }
.Ltmp2:
0x4f: {  	_ = 	snop;
	(pc) =	sbr.rel @!p0 .LBB2_3-.Ltmp2, $3  }
0x50: {  	_ =	sdelay $0x1  }
0x51: {  	[tilespmem:s23+$0xB340] =	vst.msk vm1, v4  }
0x52: {  	s19 =	sadd.s32 $0xFFFFFFF0, s23;
	[tilespmem:s23+$0x104D0] =	vst.msk vm1, v3  }
0x53: {  	v0 =	vimm.s32 $0x2710  }
0x54: {  	[tilespmem:s12+$0xB350] =	vst v0  }
0x55: {  	[tilespmem:s12+$0x104E0] =	vst v0  }
0x56: {  	[tilespmem:s12+$0xB360] =	vst v0  }
0x57: {  	[tilespmem:s12+$0x104F0] =	vst v0  }
0x58: {  	[tilespmem:s12+$0xB370] =	vst v0  }
0x59: {  	[tilespmem:s12+$0x10500] =	vst v0  }
0x5a: {  	[tilespmem:s12+$0xB380] =	vst v0  }
0x5b: {  	[tilespmem:s12+$0x10510] =	vst v0  }
0x5c: {  	[tilespmem:s12+$0xB390] =	vst v0  }
0x5d: {  	[tilespmem:s12+$0x10520] =	vst v0  }
0x5e: {  	[tilespmem:s12+$0xB3A0] =	vst v0  }
0x5f: {  	[tilespmem:s12+$0x10530] =	vst v0  }
0x60: {  	[tilespmem:s12+$0xB3B0] =	vst v0  }
0x61: {  	[tilespmem:s12+$0x10540] =	vst v0  }
0x62: {  	[tilespmem:s12+$0xB3C0] =	vst v0  }
0x63: {  	v1 =	vimm.s32 $0x4E90;
	[tilespmem:s12+$0x10550] =	vst v0  }
0x64: {  	[tilespmem:s19+$0xB2D0] =	vst v1  }
0x65: {  	[tilespmem:s19+$0x10460] =	vst v0  }
0x66: {  	[tilespmem:s19+$0xB2E0] =	vst v1  }
0x67: {  	[tilespmem:s19+$0x10470] =	vst v0  }
0x68: {  	[tilespmem:s19+$0xB2F0] =	vst v1  }
0x69: {  	[tilespmem:s19+$0x10480] =	vst v0  }
0x6a: {  	[tilespmem:s19+$0xB300] =	vst v1  }
0x6b: {  	[tilespmem:s19+$0x10490] =	vst v0  }
0x6c: {  	[tilespmem:s19+$0xB310] =	vst v1  }
0x6d: {  	[tilespmem:s19+$0x104A0] =	vst v0  }
0x6e: {  	[tilespmem:s19+$0xB320] =	vst v1  }
0x6f: {  	[tilespmem:s19+$0x104B0] =	vst v0  }
0x70: {  	[tilespmem:s19+$0xB330] =	vst v1  }
0x71: {  	[tilespmem:s19+$0x104C0] =	vst v0  }
0x72: {  	[tilespmem:s19+$0xB340] =	vst v1  }
0x73: {  	s11 =	simm.s32 $0x0;
	[tilespmem:s19+$0x104D0] =	vst v0;
	v0 =	vlaneseq.u32  }
0x74: {  	s10 =	simm.s32 $0x40;
	[tilespmem:s11+$0x17670] =	vst v0  }
.LBB2_7:
0x75: {  	p0 =	sne.s32 s10, $0x9C0  }
.Ltmp3:
0x76: {  	_ = 	snop;
	(pc) =	sbr.rel @p0 .LBB2_7-.Ltmp3, $3  }
0x77: {  	_ =	sdelay $0x1  }
0x78: {  	s11 =	sshra.s32 s10, $0x2;
	s10 =	sadd.s32 $0x40, s10;
	v0 =	vadd.s32 $0x10, v0  }
0x79: {  	[tilespmem:s11+$0x17670] =	vst v0  }
0x7a: {  	s10 =	sadd.s32 $0x7F, s12;
	s30 =	sand.u32 $0x7F, s19  }
0x7b: {  	s13 =	sshra.s32 s19, $0x1F;
	p5 =	slt.s32 s19, $0x1;
	s14 =	simm.s32 $0x1  }
0x7c: {  	s15 =	simm.s32 $0x15670;
	s11 =	sand.u32 $0x7F, s10;
	s12 =	sshra.s32 s10, $0x1F  }
0x7d: {  	p0 =	slt.s32 s10, $0x1;
	p6 =	sne.s32 s30, $0x0;
	s13 =	sshrl.u32 s13, $0x19  }
0x7e: {  	[dreg:$0x4] =	wrdreg s15;
	s15 =	simm.s32 $0x5;
	p1 =	sne.s32 s11, $0x0  }
0x7f: {  	s28 =	sshrl.u32 s12, $0x19;
	s11 =	simm.s32 $0x1;
	p0 =	por !p0, !p1  }
.Ltmp4:
0x80: {  	s13 =	sadd.s32 s13, s19;
	p0 =	por !p0, !p0;
	(pc) =	sbr.rel .LBB2_9-.Ltmp4, $4  }
0x81: {  	s10 =	sadd.s32 s28, s10;
	s11 =	simm.s32 @!p0 $0x0;
	p0 =	por !p5, !p6  }
0x82: {  	s31 =	sshra.s32 s13, $0x7;
	s13 =	simm.s32 $0x0;
	p0 =	por !p0, !p0  }
0x83: {  	s29 =	sshra.s32 s10, $0x7;
	s10 =	simm.s32 $0x1;
	s14 =	simm.s32 @!p0 $0x0  }
0x84: {  	s11 =	ssub.s32 s29, s11;
	s12 =	ssub.s32 s31, s14;
	s14 =	simm.s32 $0x80  }
.LBB2_12:
0x85: {  	[sflag:s25] =	ssyncset.done @!p4 $0x0;
	s0 =	sadd.s32 @!p4 s26, s20;
	s4 =	simm.s32 @!p4 $0x16670  }
0x86: {  	s17 =	simm.s32 @!p4 $0x80;
	[sflag:s25] =	ssyncadd.s32 @!p4 $0xFFFFF000;
	s0 =	sadd.s32 @!p4 $0x180, s0  }
0x87: {  	[tilespmem:s4], [sflag:$0x2] =	stream.indirect.gather @!p4 [hbm4b:s18+s17], $0x20, s0, s17, $0xb8;
	[tilespmem:$0x1C7F0] =	vst v63  }
.LBB2_13:
0x88: {  	p3 =	por @!p0 $0x0, $0x0;
	p2 =	por @!p2 $0x1, $0x1;
	p1 =	por !p1, p0  }
0x89: {  	p2 =	por @!p1 p3, p3;
	p1 =	por $0x0, $0x0  }
0x8a: {  	p1 =	por @!p0 p2, p2  }
0x8b: {  	s0 =	simm.s32 @p1 $0x3  }
0x8c: {  	_ =	swait.ge @p1 [sflag:s0], $0x1000  }
0x8d: {  	[sflag:s0] =	ssyncset.done @p1 $0x0  }
0x8e: {  	[sflag:s0] =	ssyncadd.s32 @p1 $0xFFFFF000;
	s0 =	simm.s32 @p1 $0x4  }
0x8f: {  	_ =	swait.ge @p1 [sflag:s0], $0x1000  }
0x90: {  	p0 =	sne.s32 s16, $0x1;
	[sflag:s0] =	ssyncset.done @p1 $0x0  }
0x91: {  	s4 =	smul.u32 $0x4F000, s13;
	[sflag:s0] =	ssyncadd.s32 @p1 $0xFFFFF000;
	s0 =	simm.s32 @!p0 $0x3  }
0x92: {  	_ =	swait.ge @!p0 [sflag:s0], $0x1000  }
0x93: {  	s4 =	sadd.s32 s6, s4;
	[sflag:s0] =	ssyncset.done @!p0 $0x0  }
0x94: {  	s31 =	sshrl.u32 s4, $0x3;
	[sflag:s0] =	ssyncadd.s32 @!p0 $0xFFFFF000  }
0x95: {  	s0 =	sadd.s32 s8, s31;
	[bflag:$0x0] =	sbarrier.arrive $0xFFFF  }
0x96: {  	[hbm:s0], [sflag:s3] =	dma.local [spmem:s9], $0x9E0  }
0x97: {  	_ =	swait.ge [sflag:s15], $0x9E0  }
0x98: {  	s13 =	sadd.s32 $0x1, s13;
	[sflag:s15] =	ssyncset.done $0x0  }
0x99: {  	p0 =	sne.s32 s13, $0x4;
	[sflag:s15] =	ssyncadd.s32 $0xFFFFF620  }
0x9a: {  	[spmem:s9], [sflag:s3] =	dma.local [hbm:s5], $0x9E0  }
.Ltmp5:
0x9b: {  	_ =	swait.ge [sflag:s15], $0x9E0;
	(pc) =	sbr.rel @!p0 .LBB2_14-.Ltmp5, $3  }
0x9c: {  	[sflag:s15] =	ssyncset.done $0x0  }
0x9d: {  	[sflag:s15] =	ssyncadd.s32 $0xFFFFF620  }
0x9e: {  	[bflag:$0x0] =	sbarrier.arrive $0xFFFF;
	_ =	sdelay $0x1  }
.LBB2_9:
0x9f: {  	p0 =	slt.u32 s13, $0x2;
	s20 =	smov.u32 s12;
	s17 =	smov.u32 s11  }
0xa0: {  	s20 =	simm.s32 @p0 $0x0;
	s17 =	simm.s32 @!p0 $0xA3  }
0xa1: {  	s16 =	ssub.s32 s17, s20  }
0xa2: {  	s18 =	sand.u32 $0x1, s13;
	p0 =	slt.s32 s16, $0x1  }
0xa3: {  	s29 =	sadd.s32 $0x1, s16;
	p3 =	slt.s32 s16, $0x0;
	s19 =	sshll.u32 @!p0 s20, $0x9  }
0xa4: {  	s21 =	smul.u32 @!p0 $0x13C00, s18;
	s23 =	simm.s32 @!p0 $0x80;
	s24 =	simm.s32 @!p0 $0x15670  }
0xa5: {  	p1 =	seq.s32 @!p0 s16, $0x1;
	s30 =	sand.u32 $0x1, s29;
	s31 =	sshrl.u32 s29, $0x1F  }
0xa6: {  	s19 =	sshra.s32 @!p0 s19, $0x2;
	p2 =	por p1, p0;
	p4 =	seq.s32 s30, $0x1  }
0xa7: {  	s22 =	sadd.s32 @!p0 $0xB350, s19;
	s21 =	sadd.s32 @!p0 s7, s21;
	s19 =	sadd.s32 @!p2 $0xB3D0, s19  }
0xa8: {  	[tilespmem:s24], [sflag:$0x1] =	stream.indirect.gather @!p0 [hbm4b:s21+s23], $0x20, s22, s23, $0xb8;
	[tilespmem:$0x1C7F0] =	vst v63  }
0xa9: {  	p3 =	por !p3, !p4;
	s22 =	simm.s32 @!p2 $0x80;
	s23 =	simm.s32 @!p2 $0x16670  }
0xaa: {  	[tilespmem:s23], [sflag:$0x2] =	stream.indirect.gather @!p2 [hbm4b:s21+s22], $0x20, s19, s22, $0xb8;
	[tilespmem:$0x1C7F0] =	vst v63  }
0xab: {  	p3 =	por !p3, !p3;
	s19 =	sadd.s32 s31, s29;
	s21 =	simm.s32 $0x1  }
0xac: {  	s19 =	sshra.s32 s19, $0x1;
	s21 =	simm.s32 @!p3 $0x0  }
0xad: {  	s21 =	ssub.s32 s19, s21  }
0xae: {  	p3 =	slt.s32 s21, $0x1  }
.Ltmp6:
0xaf: {  	_ = 	snop;
	(pc) =	sbr.rel @p3 .LBB2_13-.Ltmp6, $1  }
0xb0: {  	_ =	sdelay $0x3  }
0xb1: {  	s18 =	smul.u32 $0x13C00, s18  }
0xb2: {  	s19 =	sshll.u32 s20, $0x9;
	s21 =	ssub.s32 $0x0, s21;
	s30 =	sadd.s32 $0x3, s20  }
0xb3: {  	s20 =	simm.s32 $0xB350;
	s22 =	sshra.s32 s19, $0x2;
	s21 =	sadd.s32 $0x1, s21  }
0xb4: {  	s23 =	sadd.s32 $0xFFFFFFFE, s30;
	s31 =	sadd.s32 $0xFFFFFFFF, s30;
	p4 =	sge.s32 s30, s17  }
0xb5: {  	s18 =	sadd.s32 s7, s18;
	[dreg:$0x3] =	wrdreg s22;
	p3 =	sge.s32 s23, s17  }
0xb6: {  	p5 =	sge.s32 s31, s17;
	_ =	swait.ge [sflag:s10], $0x1000;
	s26 =	simm.s32 @!p3 $0x2  }
0xb7: {  	s28 =	sshra.s32 @!p3 s19, $0x2;
	s24 =	rddreg [dreg:$0x3];
	[sflag:s10] =	ssyncset.done $0x0  }
0xb8: {  	s25 =	rddreg [dreg:$0x4];
	[sflag:s10] =	ssyncadd.s32 $0xFFFFF000;
	s24 =	sadd.s32 $0x104E0, s24  }
0xb9: {  	[spmem:s1] =	stream.indirect.scatter.add.f32 [tilespmem:s25], [sflag:$0x3], $0x20, s24, s14, $0xb8;
	[tilespmem:$0x1C7F0] =	vst v63  }
0xba: {  	s29 =	simm.s32 @!p3 $0x16670;
	s23 =	sshra.s32 @!p5 s19, $0x2;
	_ =	swait.ge @!p3 [sflag:s26], $0x1000  }
0xbb: {  	s24 =	sadd.s32 @!p3 $0x104E0, s28;
	s25 =	simm.s32 @!p3 $0x80;
	[sflag:s26] =	ssyncset.done @!p3 $0x0  }
0xbc: {  	s24 =	sadd.s32 @!p3 $0x80, s24;
	[sflag:s26] =	ssyncadd.s32 @!p3 $0xFFFFF000;
	s26 =	simm.s32 @!p5 $0x3  }
0xbd: {  	[spmem:s1] =	stream.indirect.scatter.add.f32 @!p3 [tilespmem:s29], [sflag:$0x4], $0x20, s24, s25, $0xb8;
	[tilespmem:$0x1C7F0] =	vst v63  }
0xbe: {  	s23 =	sadd.s32 @!p5 $0xB350, s23;
	p3 =	seq.s32 s21, $0x0;
	_ =	swait.ge @!p5 [sflag:s26], $0x1000  }
.Ltmp7:
0xbf: {  	s23 =	sadd.s32 @!p5 $0x100, s23;
	[sflag:s26] =	ssyncset.done @!p5 $0x0;
	(pc) =	sbr.rel @p3 .LBB2_12-.Ltmp7, $4  }
0xc0: {  	s24 =	simm.s32 @!p5 $0x15670;
	s25 =	simm.s32 @!p5 $0x80;
	[sflag:s26] =	ssyncadd.s32 @!p5 $0xFFFFF000  }
0xc1: {  	[tilespmem:s24], [sflag:$0x1] =	stream.indirect.gather @!p5 [hbm4b:s18+s25], $0x20, s23, s25, $0xb8;
	[tilespmem:$0x1C7F0] =	vst v63  }
0xc2: {  	s22 =	sadd.s32 $0x2, s30;
	s26 =	sshra.s32 @!p4 s19, $0x2;
	s25 =	simm.s32 @!p4 $0x4  }
0xc3: {  	s23 =	simm.s32 $0xB450;
	s24 =	simm.s32 $0x105E0;
	_ =	swait.ge @!p4 [sflag:s25], $0x1000  }
.LBB2_11:
0xc4: {  	[sflag:s25] =	ssyncset.done @!p4 $0x0  }
0xc5: {  	s26 =	sadd.s32 @!p4 s26, s20;
	s28 =	simm.s32 @!p4 $0x16670;
	s29 =	smov.u32 s22  }
0xc6: {  	s20 =	smov.u32 s23;
	s21 =	sadd.s32 $0x1, s21;
	s22 =	sadd.s32 $0x2, s22  }
0xc7: {  	s23 =	sadd.s32 $0x100, s23;
	[sflag:s25] =	ssyncadd.s32 @!p4 $0xFFFFF000;
	s25 =	sadd.s32 @!p4 $0x180, s26  }
0xc8: {  	s26 =	simm.s32 @!p4 $0x80;
	p3 =	seq.s32 s21, $0x0;
	s0 =	sadd.s32 $0xFFFFFFFE, s29  }
0xc9: {  	[tilespmem:s28], [sflag:$0x2] =	stream.indirect.gather @!p4 [hbm4b:s18+s26], $0x20, s25, s26, $0xb8;
	[tilespmem:$0x1C7F0] =	vst v63  }
0xca: {  	p4 =	sge.s32 s0, s17;
	s26 =	sadd.s32 $0xFFFFFFFF, s29;
	_ =	swait.ge [sflag:s10], $0x1000  }
0xcb: {  	s30 =	simm.s32 @!p4 $0x2;
	s31 =	sshra.s32 @!p4 s19, $0x2;
	s0 =	simm.s32 @!p4 $0x16670  }
0xcc: {  	p5 =	sge.s32 s26, s17;
	[sflag:s10] =	ssyncset.done $0x0;
	s4 =	rddreg [dreg:$0x3]  }
0xcd: {  	s25 =	rddreg [dreg:$0x4];
	[sflag:s10] =	ssyncadd.s32 $0xFFFFF000;
	s28 =	sadd.s32 s4, s24  }
0xce: {  	[spmem:s1] =	stream.indirect.scatter.add.f32 [tilespmem:s25], [sflag:$0x3], $0x20, s28, s14, $0xb8;
	[tilespmem:$0x1C7F0] =	vst v63  }
0xcf: {  	s31 =	sadd.s32 @!p4 s31, s24;
	s26 =	sshra.s32 @!p5 s19, $0x2;
	_ =	swait.ge @!p4 [sflag:s30], $0x1000  }
0xd0: {  	s4 =	simm.s32 @!p4 $0x80;
	s26 =	sadd.s32 @!p5 s26, s20;
	[sflag:s30] =	ssyncset.done @!p4 $0x0  }
0xd1: {  	s25 =	sadd.s32 @!p4 $0x80, s31;
	s28 =	simm.s32 @!p5 $0x3;
	[sflag:s30] =	ssyncadd.s32 @!p4 $0xFFFFF000  }
0xd2: {  	[spmem:s1] =	stream.indirect.scatter.add.f32 @!p4 [tilespmem:s0], [sflag:$0x4], $0x20, s25, s4, $0xb8;
	[tilespmem:$0x1C7F0] =	vst v63  }
.Ltmp8:
0xd3: {  	s0 =	sadd.s32 @!p5 $0x100, s26;
	_ =	swait.ge @!p5 [sflag:s28], $0x1000;
	(pc) =	sbr.rel @!p3 .LBB2_11-.Ltmp8, $4  }
0xd4: {  	s4 =	simm.s32 @!p5 $0x15670;
	p4 =	sge.s32 s29, s17;
	[sflag:s28] =	ssyncset.done @!p5 $0x0  }
0xd5: {  	s26 =	simm.s32 @!p5 $0x80;
	s25 =	simm.s32 @!p4 $0x4;
	[sflag:s28] =	ssyncadd.s32 @!p5 $0xFFFFF000  }
0xd6: {  	[tilespmem:s4], [sflag:$0x1] =	stream.indirect.gather @!p5 [hbm4b:s18+s26], $0x20, s0, s26, $0xb8;
	[tilespmem:$0x1C7F0] =	vst v63  }
0xd7: {  	s24 =	sadd.s32 $0x100, s24;
	s26 =	sshra.s32 @!p4 s19, $0x2;
	_ =	swait.ge @!p4 [sflag:s25], $0x1000  }
.Ltmp9:
0xd8: {  	_ = 	snop;
	(pc) =	sbr.rel .LBB2_12-.Ltmp9, $1  }
0xd9: {  	_ =	sdelay $0x3  }
.LBB2_14:
0xda: {  	s0 =	simm.s32 $0x80  }
0xdb: {  	s4 =	simm.s32 $0x17670;
	s5 =	simm.s32 $0x6350;
	s23 =	simm.s32 $0x5  }
0xdc: {  	[spmem:s1] =	stream.indirect.scatter.add.f32 [tilespmem:s5], [sflag:$0x5], $0x20, s4, s0, $0xb8;
	[tilespmem:$0x1C7F0] =	vst v63  }
0xdd: {  	_ =	swait.ge [sflag:s23], $0x1000  }
0xde: {  	[sflag:s23] =	ssyncset.done $0x0  }
0xdf: {  	s24 =	simm.s32 $0x176F0;
	s6 =	simm.s32 $0x7350;
	[sflag:s23] =	ssyncadd.s32 $0xFFFFF000  }
0xe0: {  	[spmem:s1] =	stream.indirect.scatter.add.f32 [tilespmem:s6], [sflag:$0x5], $0x20, s24, s0, $0xb8;
	[tilespmem:$0x1C7F0] =	vst v63  }
0xe1: {  	_ =	swait.ge [sflag:s23], $0x1000  }
0xe2: {  	[sflag:s23] =	ssyncset.done $0x0  }
0xe3: {  	s25 =	simm.s32 $0x17770;
	s26 =	simm.s32 $0x8350;
	[sflag:s23] =	ssyncadd.s32 $0xFFFFF000  }
0xe4: {  	[spmem:s1] =	stream.indirect.scatter.add.f32 [tilespmem:s26], [sflag:$0x5], $0x20, s25, s0, $0xb8;
	[tilespmem:$0x1C7F0] =	vst v63  }
0xe5: {  	_ =	swait.ge [sflag:s23], $0x1000  }
0xe6: {  	[sflag:s23] =	ssyncset.done $0x0  }
0xe7: {  	s28 =	simm.s32 $0x177F0;
	s29 =	simm.s32 $0x9350;
	[sflag:s23] =	ssyncadd.s32 $0xFFFFF000  }
0xe8: {  	[spmem:s1] =	stream.indirect.scatter.add.f32 [tilespmem:s29], [sflag:$0x5], $0x20, s28, s0, $0xb8;
	[tilespmem:$0x1C7F0] =	vst v63  }
0xe9: {  	_ =	swait.ge [sflag:s23], $0x1000  }
0xea: {  	[sflag:s23] =	ssyncset.done $0x0  }
0xeb: {  	s30 =	simm.s32 $0x17870;
	s31 =	simm.s32 $0xA350;
	[sflag:s23] =	ssyncadd.s32 $0xFFFFF000  }
0xec: {  	[spmem:s1] =	stream.indirect.scatter.add.f32 [tilespmem:s31], [sflag:$0x5], $0x20, s30, s0, $0xb8;
	[tilespmem:$0x1C7F0] =	vst v63  }
0xed: {  	_ =	swait.ge [sflag:s23], $0x1000  }
0xee: {  	p0 =	sgt.u32 s2, $0x7;
	[sflag:s23] =	ssyncset.done $0x0  }
0xef: {  	s0 =	smul.u32 @!p0 $0x9E0, s2;
	[sflag:s23] =	ssyncadd.s32 $0xFFFFF000  }
0xf0: {  	[bflag:$0x0] =	sbarrier.arrive $0xFFFF  }
0xf1: {  	s1 =	sadd.s32 @!p0 s0, s1;
	s0 =	sshrl.u32 @!p0 s0, $0x3;
	s4 =	rddreg [dreg:$0x5]  }
0xf2: {  	s1 =	sshrl.u32 @!p0 s1, $0x3;
	s0 =	sadd.s32 @!p0 s4, s0  }
0xf3: {  	[hbm:s0], [sflag:s3] =	dma.local @!p0 [spmem:s1], $0x13C  }
0xf4: {  	s0 =	simm.s32 @!p0 $0x5  }
0xf5: {  	_ =	swait.ge @!p0 [sflag:s0], $0x13C  }
0xf6: {  	[sflag:s0] =	ssyncset.done @!p0 $0x0  }
0xf7: {  	[sflag:s0] =	ssyncadd.s32 @!p0 $0xFFFFFEC4  }
0xf8: {  	_ =	sfence.sel $0x180000  }
0xf9: {  	[bflag:$0x0] =	sbarrier.arrive $0xFFFF  }
0xfa: {  	_ =	strace $0x90000047  }
0xfb: {  	[bflag:$0x2] =	sbarrier.arrive $0xFFFF  }
0xfc: {  	p0 =	sne.s32 s2, $0x0;
	s0 =	rddreg [dreg:$0x2]  }
0xfd: {  	s0 =	sadd.s32 @!p0 $0x100000, s0  }
0xfe: {  	[sflag:s0] =	ssyncadd.tile.s32 @!p0 $0x1;
	_ =	shalt  }
.Lfunc_end2:
_tile_overlayer_lowered:
.L_overlay_start_2:
0xff: {  	(tag) =	ssettag $0x2  }
0x100: {  	s0 =	rddreg [dreg:$0x0];
	s2 =	stileid.u32  }
0x101: {  	s1 =	rddreg [dreg:$0x1];
	p0 =	sne.s32 s2, $0x0  }
0x102: {  	s3 =	rddreg [dreg:$0x2];
	[bflag:$0x3] =	sbarrier.arrive $0xFFFF;
	s2 =	simm.s32 @!p0 $0x1C05  }
0x103: {  	[timem:s3], [sflag:s2] =	dma.local @!p0 [hbm:s0], s1  }
0x104: {  	s0 =	simm.s32 @!p0 $0x5  }
0x105: {  	_ =	swait.ge @!p0 [sflag:s0], s1  }
0x106: {  	s1 =	ssub.s32 @!p0 $0x0, s1;
	[sflag:s0] =	ssyncset.done @!p0 $0x0  }
0x107: {  	[sflag:s0] =	ssyncadd.s32 @!p0 s1  }
0x108: {  	[bflag:$0x3] =	sbarrier.arrive $0xFFFF  }
0x109: {  	_ =	shalt  }

</sc_bundles>
